<compile_context>
chip_gen: v7x
topology: tpu7x:2x2x1
jax: 0.10.2.dev20260603
libtpu: 0.0.44.dev20260713+nightly
codegen_flags: <defaults>
</compile_context>

<pallas_src>
import functools

import jax
import jax.numpy as jnp
from jax import lax
from jax.experimental import pallas as pl
from jax.experimental.pallas import tpu as pltpu
from jax.experimental.pallas import tpu_sc as plsc

S, B, D = 4096, 2, 1024
L = 16
NCORES, NSUB = 2, 16
NW = NCORES * NSUB
P = 8
POS_PER_W = S // NW
CHUNKS = POS_PER_W // P
NBUF = 5
G = 8

_mesh = plsc.VectorSubcoreMesh(core_axis_name="c", subcore_axis_name="s")


@functools.partial(
    pl.kernel,
    out_type=jax.ShapeDtypeStruct((S, B, D), jnp.float32),
    mesh=_mesh,
    scratch_types=[
        pltpu.VMEM((NBUF, P, B, D), jnp.float32),
        pltpu.VMEM((NBUF, P, D), jnp.float32),
        pltpu.SemaphoreType.DMA((NBUF,)),
        pltpu.SemaphoreType.DMA((NBUF,)),
        pltpu.SemaphoreType.DMA((NBUF,)),
    ],
)
def _sc_add(x_hbm, pe_hbm, out_hbm, xb, peb, sx, sp, so):
    wid = lax.axis_index("s") * NCORES + lax.axis_index("c")
    pos0 = wid * POS_PER_W

    def in_copies(g, slot):
        sl = pl.ds(pos0 + g * P, P)
        return (pltpu.make_async_copy(x_hbm.at[sl], xb.at[slot], sx.at[slot]),
                pltpu.make_async_copy(pe_hbm.at[sl], peb.at[slot], sp.at[slot]))

    def out_copy(g, slot):
        return pltpu.make_async_copy(
            xb.at[slot], out_hbm.at[pl.ds(pos0 + g * P, P)], so.at[slot])

    def compute(slot):
        def body(p, carry):
            for j0 in range(0, D // L, G):
                sls = [pl.ds((j0 + j) * L, L) for j in range(G)]
                pvs = [peb[slot, p, dsl] for dsl in sls]
                a0 = [xb[slot, p, 0, dsl] + pv for dsl, pv in zip(sls, pvs)]
                a1 = [xb[slot, p, 1, dsl] + pv for dsl, pv in zip(sls, pvs)]
                for dsl, v in zip(sls, a0):
                    xb[slot, p, 0, dsl] = v
                for dsl, v in zip(sls, a1):
                    xb[slot, p, 1, dsl] = v
            return carry
        lax.fori_loop(0, P, body, 0)

    for g0 in range(NBUF - 1):
        cx, cp = in_copies(g0, g0)
        cx.start()
        cp.start()

    def chunk_body(g, carry):
        slot = lax.rem(g, NBUF)

        @pl.when(g + NBUF - 1 < CHUNKS)
        def _():
            @pl.when(g >= 1)
            def _():
                out_copy(g - 1, lax.rem(g - 1, NBUF)).wait()
            nslot = lax.rem(g + NBUF - 1, NBUF)
            cx, cp = in_copies(g + NBUF - 1, nslot)
            cx.start()
            cp.start()

        cx, cp = in_copies(g, slot)
        cx.wait()
        cp.wait()
        compute(slot)
        out_copy(g, slot).start()
        return carry

    lax.fori_loop(0, CHUNKS, chunk_body, 0)
    for g in range(CHUNKS - NBUF, CHUNKS):
        out_copy(g, g % NBUF).wait()


def kernel(x, pe):
    return _sc_add(x, pe)

# --- scband reference (transcript-rebuilt; emitter-appended) ---
"""Pipeline reference for scband-learned-positional-embedding-38122129719896 (READ-ONLY COPY).

The authoritative reference and input builder live on the scoring server;
editing this copy changes nothing except your own understanding.
"""

import jax, jax.numpy as jnp
import numpy as np

SEQ = 4096
BATCH = 2
D_MODEL = 1024
MAX_LEN = 4096

def setup_inputs(seed: int = 0) -> dict:
    key = jax.random.key(seed)
    k1, k2 = jax.random.split(key)
    x = jax.random.normal(k1, (SEQ, BATCH, D_MODEL), dtype=jnp.float32)
    # learned positional embedding table, nn.Embedding default init ~ N(0,1)
    pe = jax.random.normal(k2, (MAX_LEN, D_MODEL), dtype=jnp.float32)
    return {"x": x, "pe": pe}

def reference(x, pe):
    # positions = arange(x.size(0)); gather rows from table; broadcast over batch dim 1
    positions = jnp.arange(x.shape[0])
    pos_emb = jnp.take(pe, positions, axis=0)  # [S, d_model]
    return x + pos_emb[:, None, :]

if __name__ == "__main__":
    import jax
    _d = setup_inputs()
    print(jax.jit(kernel)(*tuple(_d.values())))

</pallas_src>

<mosaic_0001>
#map = affine_map<(d0, d1) -> (0, 0, 0)>
#map1 = affine_map<(d0, d1) -> (0, 0)>
module attributes {stable_mosaic.version = 14 : i64} {
  func.func @_sc_add(%arg0: i32, %arg1: i32, %arg2: memref<4096x2x1024xf32, #tpu.memory_space<hbm>>, %arg3: memref<4096x1024xf32, #tpu.memory_space<hbm>>, %arg4: memref<4096x2x1024xf32, #tpu.memory_space<hbm>>, %arg5: memref<5x8x2x1024xf32, #tpu.memory_space<vmem>>, %arg6: memref<5x8x1024xf32, #tpu.memory_space<vmem>>, %arg7: memref<5x!tpu.dma_semaphore, #tpu.memory_space<semaphore_mem>>, %arg8: memref<5x!tpu.dma_semaphore, #tpu.memory_space<semaphore_mem>>, %arg9: memref<5x!tpu.dma_semaphore, #tpu.memory_space<semaphore_mem>>) attributes {dimension_semantics = [#tpu.dimension_semantics<core_parallel>, #tpu.dimension_semantics<subcore_parallel>], iteration_bounds = array<i64: 2, 16>, scalar_prefetch = 0 : i64, scratch_operands = 5 : i64, tpu.core_type = #tpu.core_type<sc_vector_subcore>, window_params = [{transform_indices = #map}, {transform_indices = #map1}, {transform_indices = #map}]} {
    %mul3A = arith.constant 2 : i32
    %mul3A_0 = arith.muli %arg1, %mul3A : i32
    %add3A = arith.addi %mul3A_0, %arg0 : i32
    %mul3A_1 = arith.constant 128 : i32
    %mul3A_2 = arith.muli %add3A, %mul3A_1 : i32
    %add3A_3 = arith.constant 0 : i32
    %add3A_4 = arith.addi %mul3A_2, %add3A_3 : i32
    %dma_start3A = arith.constant 0 : i32
    %dma_start3A_5 = arith.constant 0 : i32
    %dma_start3A_6 = arith.constant 0 : i32
    %dma_start3A_7 = arith.constant 0 : i32
    %dma_start3A_8 = arith.constant 0 : i32
    %dma_start3A_9 = tpu.memref_slice %arg5[%dma_start3A, %dma_start3A_6, %dma_start3A_7, %dma_start3A_8] : memref<5x8x2x1024xf32, #tpu.memory_space<vmem>> -> memref<1x8x2x1024xf32, #tpu.memory_space<vmem>>
    %dma_start3A_10 = tpu.memref_squeeze %dma_start3A_9 : memref<1x8x2x1024xf32, #tpu.memory_space<vmem>> -> memref<8x2x1024xf32, #tpu.memory_space<vmem>>
    %dma_start3A_11 = arith.constant 0 : i32
    %dma_start3A_12 = arith.constant 0 : i32
    %dma_start3A_13 = tpu.memref_slice %arg2[%add3A_4, %dma_start3A_11, %dma_start3A_12] : memref<4096x2x1024xf32, #tpu.memory_space<hbm>> -> memref<8x2x1024xf32, #tpu.memory_space<hbm>>
    %dma_start3A_14 = tpu.memref_slice %arg7[%dma_start3A_5] : memref<5x!tpu.dma_semaphore, #tpu.memory_space<semaphore_mem>> -> memref<1x!tpu.dma_semaphore, #tpu.memory_space<semaphore_mem>>
    %dma_start3A_15 = tpu.memref_squeeze %dma_start3A_14 : memref<1x!tpu.dma_semaphore, #tpu.memory_space<semaphore_mem>> -> memref<!tpu.dma_semaphore, #tpu.memory_space<semaphore_mem>>
    %dma_start3A_16 = arith.constant 0 : i32
    %dma_start3A_17 = arith.constant 0 : i32
    %dma_start3A_18 = arith.constant 0 : i32
    %dma_start3A_19 = tpu.memref_slice %arg5[%dma_start3A, %dma_start3A_16, %dma_start3A_17, %dma_start3A_18] : memref<5x8x2x1024xf32, #tpu.memory_space<vmem>> -> memref<1x8x2x1024xf32, #tpu.memory_space<vmem>>
    %dma_start3A_20 = tpu.memref_squeeze %dma_start3A_19 : memref<1x8x2x1024xf32, #tpu.memory_space<vmem>> -> memref<8x2x1024xf32, #tpu.memory_space<vmem>>
    %dma_start3A_21 = arith.constant 0 : i32
    %dma_start3A_22 = arith.constant 0 : i32
    %dma_start3A_23 = tpu.memref_slice %arg2[%add3A_4, %dma_start3A_21, %dma_start3A_22] : memref<4096x2x1024xf32, #tpu.memory_space<hbm>> -> memref<8x2x1024xf32, #tpu.memory_space<hbm>>
    tpu.enqueue_dma source(%dma_start3A_23 : memref<8x2x1024xf32, #tpu.memory_space<hbm>>) target(%dma_start3A_20 : memref<8x2x1024xf32, #tpu.memory_space<vmem>>) target_semaphore(%dma_start3A_15 : memref<!tpu.dma_semaphore, #tpu.memory_space<semaphore_mem>>)
    %dma_start3A_24 = arith.constant 0 : i32
    %dma_start3A_25 = arith.constant 0 : i32
    %dma_start3A_26 = arith.constant 0 : i32
    %dma_start3A_27 = arith.constant 0 : i32
    %dma_start3A_28 = tpu.memref_slice %arg6[%dma_start3A_24, %dma_start3A_26, %dma_start3A_27] : memref<5x8x1024xf32, #tpu.memory_space<vmem>> -> memref<1x8x1024xf32, #tpu.memory_space<vmem>>
    %dma_start3A_29 = tpu.memref_squeeze %dma_start3A_28 : memref<1x8x1024xf32, #tpu.memory_space<vmem>> -> memref<8x1024xf32, #tpu.memory_space<vmem>>
    %dma_start3A_30 = arith.constant 0 : i32
    %dma_start3A_31 = tpu.memref_slice %arg3[%add3A_4, %dma_start3A_30] : memref<4096x1024xf32, #tpu.memory_space<hbm>> -> memref<8x1024xf32, #tpu.memory_space<hbm>>
    %dma_start3A_32 = tpu.memref_slice %arg8[%dma_start3A_25] : memref<5x!tpu.dma_semaphore, #tpu.memory_space<semaphore_mem>> -> memref<1x!tpu.dma_semaphore, #tpu.memory_space<semaphore_mem>>
    %dma_start3A_33 = tpu.memref_squeeze %dma_start3A_32 : memref<1x!tpu.dma_semaphore, #tpu.memory_space<semaphore_mem>> -> memref<!tpu.dma_semaphore, #tpu.memory_space<semaphore_mem>>
    %dma_start3A_34 = arith.constant 0 : i32
    %dma_start3A_35 = arith.constant 0 : i32
    %dma_start3A_36 = tpu.memref_slice %arg6[%dma_start3A_24, %dma_start3A_34, %dma_start3A_35] : memref<5x8x1024xf32, #tpu.memory_space<vmem>> -> memref<1x8x1024xf32, #tpu.memory_space<vmem>>
    %dma_start3A_37 = tpu.memref_squeeze %dma_start3A_36 : memref<1x8x1024xf32, #tpu.memory_space<vmem>> -> memref<8x1024xf32, #tpu.memory_space<vmem>>
    %dma_start3A_38 = arith.constant 0 : i32
    %dma_start3A_39 = tpu.memref_slice %arg3[%add3A_4, %dma_start3A_38] : memref<4096x1024xf32, #tpu.memory_space<hbm>> -> memref<8x1024xf32, #tpu.memory_space<hbm>>
    tpu.enqueue_dma source(%dma_start3A_39 : memref<8x1024xf32, #tpu.memory_space<hbm>>) target(%dma_start3A_37 : memref<8x1024xf32, #tpu.memory_space<vmem>>) target_semaphore(%dma_start3A_33 : memref<!tpu.dma_semaphore, #tpu.memory_space<semaphore_mem>>)
    %add3A_40 = arith.constant 8 : i32
    %add3A_41 = arith.addi %mul3A_2, %add3A_40 : i32
    %dma_start3A_42 = arith.constant 1 : i32
    %dma_start3A_43 = arith.constant 1 : i32
    %dma_start3A_44 = arith.constant 0 : i32
    %dma_start3A_45 = arith.constant 0 : i32
    %dma_start3A_46 = arith.constant 0 : i32
    %dma_start3A_47 = tpu.memref_slice %arg5[%dma_start3A_42, %dma_start3A_44, %dma_start3A_45, %dma_start3A_46] : memref<5x8x2x1024xf32, #tpu.memory_space<vmem>> -> memref<1x8x2x1024xf32, #tpu.memory_space<vmem>>
    %dma_start3A_48 = tpu.memref_squeeze %dma_start3A_47 : memref<1x8x2x1024xf32, #tpu.memory_space<vmem>> -> memref<8x2x1024xf32, #tpu.memory_space<vmem>>
    %dma_start3A_49 = arith.constant 0 : i32
    %dma_start3A_50 = arith.constant 0 : i32
    %dma_start3A_51 = tpu.memref_slice %arg2[%add3A_41, %dma_start3A_49, %dma_start3A_50] : memref<4096x2x1024xf32, #tpu.memory_space<hbm>> -> memref<8x2x1024xf32, #tpu.memory_space<hbm>>
    %dma_start3A_52 = tpu.memref_slice %arg7[%dma_start3A_43] : memref<5x!tpu.dma_semaphore, #tpu.memory_space<semaphore_mem>> -> memref<1x!tpu.dma_semaphore, #tpu.memory_space<semaphore_mem>>
    %dma_start3A_53 = tpu.memref_squeeze %dma_start3A_52 : memref<1x!tpu.dma_semaphore, #tpu.memory_space<semaphore_mem>> -> memref<!tpu.dma_semaphore, #tpu.memory_space<semaphore_mem>>
    %dma_start3A_54 = arith.constant 0 : i32
    %dma_start3A_55 = arith.constant 0 : i32
    %dma_start3A_56 = arith.constant 0 : i32
    %dma_start3A_57 = tpu.memref_slice %arg5[%dma_start3A_42, %dma_start3A_54, %dma_start3A_55, %dma_start3A_56] : memref<5x8x2x1024xf32, #tpu.memory_space<vmem>> -> memref<1x8x2x1024xf32, #tpu.memory_space<vmem>>
    %dma_start3A_58 = tpu.memref_squeeze %dma_start3A_57 : memref<1x8x2x1024xf32, #tpu.memory_space<vmem>> -> memref<8x2x1024xf32, #tpu.memory_space<vmem>>
    %dma_start3A_59 = arith.constant 0 : i32
    %dma_start3A_60 = arith.constant 0 : i32
    %dma_start3A_61 = tpu.memref_slice %arg2[%add3A_41, %dma_start3A_59, %dma_start3A_60] : memref<4096x2x1024xf32, #tpu.memory_space<hbm>> -> memref<8x2x1024xf32, #tpu.memory_space<hbm>>
    tpu.enqueue_dma source(%dma_start3A_61 : memref<8x2x1024xf32, #tpu.memory_space<hbm>>) target(%dma_start3A_58 : memref<8x2x1024xf32, #tpu.memory_space<vmem>>) target_semaphore(%dma_start3A_53 : memref<!tpu.dma_semaphore, #tpu.memory_space<semaphore_mem>>)
    %dma_start3A_62 = arith.constant 1 : i32
    %dma_start3A_63 = arith.constant 1 : i32
    %dma_start3A_64 = arith.constant 0 : i32
    %dma_start3A_65 = arith.constant 0 : i32
    %dma_start3A_66 = tpu.memref_slice %arg6[%dma_start3A_62, %dma_start3A_64, %dma_start3A_65] : memref<5x8x1024xf32, #tpu.memory_space<vmem>> -> memref<1x8x1024xf32, #tpu.memory_space<vmem>>
    %dma_start3A_67 = tpu.memref_squeeze %dma_start3A_66 : memref<1x8x1024xf32, #tpu.memory_space<vmem>> -> memref<8x1024xf32, #tpu.memory_space<vmem>>
    %dma_start3A_68 = arith.constant 0 : i32
    %dma_start3A_69 = tpu.memref_slice %arg3[%add3A_41, %dma_start3A_68] : memref<4096x1024xf32, #tpu.memory_space<hbm>> -> memref<8x1024xf32, #tpu.memory_space<hbm>>
    %dma_start3A_70 = tpu.memref_slice %arg8[%dma_start3A_63] : memref<5x!tpu.dma_semaphore, #tpu.memory_space<semaphore_mem>> -> memref<1x!tpu.dma_semaphore, #tpu.memory_space<semaphore_mem>>
    %dma_start3A_71 = tpu.memref_squeeze %dma_start3A_70 : memref<1x!tpu.dma_semaphore, #tpu.memory_space<semaphore_mem>> -> memref<!tpu.dma_semaphore, #tpu.memory_space<semaphore_mem>>
    %dma_start3A_72 = arith.constant 0 : i32
    %dma_start3A_73 = arith.constant 0 : i32
    %dma_start3A_74 = tpu.memref_slice %arg6[%dma_start3A_62, %dma_start3A_72, %dma_start3A_73] : memref<5x8x1024xf32, #tpu.memory_space<vmem>> -> memref<1x8x1024xf32, #tpu.memory_space<vmem>>
    %dma_start3A_75 = tpu.memref_squeeze %dma_start3A_74 : memref<1x8x1024xf32, #tpu.memory_space<vmem>> -> memref<8x1024xf32, #tpu.memory_space<vmem>>
    %dma_start3A_76 = arith.constant 0 : i32
    %dma_start3A_77 = tpu.memref_slice %arg3[%add3A_41, %dma_start3A_76] : memref<4096x1024xf32, #tpu.memory_space<hbm>> -> memref<8x1024xf32, #tpu.memory_space<hbm>>
    tpu.enqueue_dma source(%dma_start3A_77 : memref<8x1024xf32, #tpu.memory_space<hbm>>) target(%dma_start3A_75 : memref<8x1024xf32, #tpu.memory_space<vmem>>) target_semaphore(%dma_start3A_71 : memref<!tpu.dma_semaphore, #tpu.memory_space<semaphore_mem>>)
    %add3A_78 = arith.constant 16 : i32
    %add3A_79 = arith.addi %mul3A_2, %add3A_78 : i32
    %dma_start3A_80 = arith.constant 2 : i32
    %dma_start3A_81 = arith.constant 2 : i32
    %dma_start3A_82 = arith.constant 0 : i32
    %dma_start3A_83 = arith.constant 0 : i32
    %dma_start3A_84 = arith.constant 0 : i32
    %dma_start3A_85 = tpu.memref_slice %arg5[%dma_start3A_80, %dma_start3A_82, %dma_start3A_83, %dma_start3A_84] : memref<5x8x2x1024xf32, #tpu.memory_space<vmem>> -> memref<1x8x2x1024xf32, #tpu.memory_space<vmem>>
    %dma_start3A_86 = tpu.memref_squeeze %dma_start3A_85 : memref<1x8x2x1024xf32, #tpu.memory_space<vmem>> -> memref<8x2x1024xf32, #tpu.memory_space<vmem>>
    %dma_start3A_87 = arith.constant 0 : i32
    %dma_start3A_88 = arith.constant 0 : i32
    %dma_start3A_89 = tpu.memref_slice %arg2[%add3A_79, %dma_start3A_87, %dma_start3A_88] : memref<4096x2x1024xf32, #tpu.memory_space<hbm>> -> memref<8x2x1024xf32, #tpu.memory_space<hbm>>
    %dma_start3A_90 = tpu.memref_slice %arg7[%dma_start3A_81] : memref<5x!tpu.dma_semaphore, #tpu.memory_space<semaphore_mem>> -> memref<1x!tpu.dma_semaphore, #tpu.memory_space<semaphore_mem>>
    %dma_start3A_91 = tpu.memref_squeeze %dma_start3A_90 : memref<1x!tpu.dma_semaphore, #tpu.memory_space<semaphore_mem>> -> memref<!tpu.dma_semaphore, #tpu.memory_space<semaphore_mem>>
    %dma_start3A_92 = arith.constant 0 : i32
    %dma_start3A_93 = arith.constant 0 : i32
    %dma_start3A_94 = arith.constant 0 : i32
    %dma_start3A_95 = tpu.memref_slice %arg5[%dma_start3A_80, %dma_start3A_92, %dma_start3A_93, %dma_start3A_94] : memref<5x8x2x1024xf32, #tpu.memory_space<vmem>> -> memref<1x8x2x1024xf32, #tpu.memory_space<vmem>>
    %dma_start3A_96 = tpu.memref_squeeze %dma_start3A_95 : memref<1x8x2x1024xf32, #tpu.memory_space<vmem>> -> memref<8x2x1024xf32, #tpu.memory_space<vmem>>
    %dma_start3A_97 = arith.constant 0 : i32
    %dma_start3A_98 = arith.constant 0 : i32
    %dma_start3A_99 = tpu.memref_slice %arg2[%add3A_79, %dma_start3A_97, %dma_start3A_98] : memref<4096x2x1024xf32, #tpu.memory_space<hbm>> -> memref<8x2x1024xf32, #tpu.memory_space<hbm>>
    tpu.enqueue_dma source(%dma_start3A_99 : memref<8x2x1024xf32, #tpu.memory_space<hbm>>) target(%dma_start3A_96 : memref<8x2x1024xf32, #tpu.memory_space<vmem>>) target_semaphore(%dma_start3A_91 : memref<!tpu.dma_semaphore, #tpu.memory_space<semaphore_mem>>)
    %dma_start3A_100 = arith.constant 2 : i32
    %dma_start3A_101 = arith.constant 2 : i32
    %dma_start3A_102 = arith.constant 0 : i32
    %dma_start3A_103 = arith.constant 0 : i32
    %dma_start3A_104 = tpu.memref_slice %arg6[%dma_start3A_100, %dma_start3A_102, %dma_start3A_103] : memref<5x8x1024xf32, #tpu.memory_space<vmem>> -> memref<1x8x1024xf32, #tpu.memory_space<vmem>>
    %dma_start3A_105 = tpu.memref_squeeze %dma_start3A_104 : memref<1x8x1024xf32, #tpu.memory_space<vmem>> -> memref<8x1024xf32, #tpu.memory_space<vmem>>
    %dma_start3A_106 = arith.constant 0 : i32
    %dma_start3A_107 = tpu.memref_slice %arg3[%add3A_79, %dma_start3A_106] : memref<4096x1024xf32, #tpu.memory_space<hbm>> -> memref<8x1024xf32, #tpu.memory_space<hbm>>
    %dma_start3A_108 = tpu.memref_slice %arg8[%dma_start3A_101] : memref<5x!tpu.dma_semaphore, #tpu.memory_space<semaphore_mem>> -> memref<1x!tpu.dma_semaphore, #tpu.memory_space<semaphore_mem>>
    %dma_start3A_109 = tpu.memref_squeeze %dma_start3A_108 : memref<1x!tpu.dma_semaphore, #tpu.memory_space<semaphore_mem>> -> memref<!tpu.dma_semaphore, #tpu.memory_space<semaphore_mem>>
    %dma_start3A_110 = arith.constant 0 : i32
    %dma_start3A_111 = arith.constant 0 : i32
    %dma_start3A_112 = tpu.memref_slice %arg6[%dma_start3A_100, %dma_start3A_110, %dma_start3A_111] : memref<5x8x1024xf32, #tpu.memory_space<vmem>> -> memref<1x8x1024xf32, #tpu.memory_space<vmem>>
    %dma_start3A_113 = tpu.memref_squeeze %dma_start3A_112 : memref<1x8x1024xf32, #tpu.memory_space<vmem>> -> memref<8x1024xf32, #tpu.memory_space<vmem>>
    %dma_start3A_114 = arith.constant 0 : i32
    %dma_start3A_115 = tpu.memref_slice %arg3[%add3A_79, %dma_start3A_114] : memref<4096x1024xf32, #tpu.memory_space<hbm>> -> memref<8x1024xf32, #tpu.memory_space<hbm>>
    tpu.enqueue_dma source(%dma_start3A_115 : memref<8x1024xf32, #tpu.memory_space<hbm>>) target(%dma_start3A_113 : memref<8x1024xf32, #tpu.memory_space<vmem>>) target_semaphore(%dma_start3A_109 : memref<!tpu.dma_semaphore, #tpu.memory_space<semaphore_mem>>)
    %add3A_116 = arith.constant 24 : i32
    %add3A_117 = arith.addi %mul3A_2, %add3A_116 : i32
    %dma_start3A_118 = arith.constant 3 : i32
    %dma_start3A_119 = arith.constant 3 : i32
    %dma_start3A_120 = arith.constant 0 : i32
    %dma_start3A_121 = arith.constant 0 : i32
    %dma_start3A_122 = arith.constant 0 : i32
    %dma_start3A_123 = tpu.memref_slice %arg5[%dma_start3A_118, %dma_start3A_120, %dma_start3A_121, %dma_start3A_122] : memref<5x8x2x1024xf32, #tpu.memory_space<vmem>> -> memref<1x8x2x1024xf32, #tpu.memory_space<vmem>>
    %dma_start3A_124 = tpu.memref_squeeze %dma_start3A_123 : memref<1x8x2x1024xf32, #tpu.memory_space<vmem>> -> memref<8x2x1024xf32, #tpu.memory_space<vmem>>
    %dma_start3A_125 = arith.constant 0 : i32
    %dma_start3A_126 = arith.constant 0 : i32
    %dma_start3A_127 = tpu.memref_slice %arg2[%add3A_117, %dma_start3A_125, %dma_start3A_126] : memref<4096x2x1024xf32, #tpu.memory_space<hbm>> -> memref<8x2x1024xf32, #tpu.memory_space<hbm>>
    %dma_start3A_128 = tpu.memref_slice %arg7[%dma_start3A_119] : memref<5x!tpu.dma_semaphore, #tpu.memory_space<semaphore_mem>> -> memref<1x!tpu.dma_semaphore, #tpu.memory_space<semaphore_mem>>
    %dma_start3A_129 = tpu.memref_squeeze %dma_start3A_128 : memref<1x!tpu.dma_semaphore, #tpu.memory_space<semaphore_mem>> -> memref<!tpu.dma_semaphore, #tpu.memory_space<semaphore_mem>>
    %dma_start3A_130 = arith.constant 0 : i32
    %dma_start3A_131 = arith.constant 0 : i32
    %dma_start3A_132 = arith.constant 0 : i32
    %dma_start3A_133 = tpu.memref_slice %arg5[%dma_start3A_118, %dma_start3A_130, %dma_start3A_131, %dma_start3A_132] : memref<5x8x2x1024xf32, #tpu.memory_space<vmem>> -> memref<1x8x2x1024xf32, #tpu.memory_space<vmem>>
    %dma_start3A_134 = tpu.memref_squeeze %dma_start3A_133 : memref<1x8x2x1024xf32, #tpu.memory_space<vmem>> -> memref<8x2x1024xf32, #tpu.memory_space<vmem>>
    %dma_start3A_135 = arith.constant 0 : i32
    %dma_start3A_136 = arith.constant 0 : i32
    %dma_start3A_137 = tpu.memref_slice %arg2[%add3A_117, %dma_start3A_135, %dma_start3A_136] : memref<4096x2x1024xf32, #tpu.memory_space<hbm>> -> memref<8x2x1024xf32, #tpu.memory_space<hbm>>
    tpu.enqueue_dma source(%dma_start3A_137 : memref<8x2x1024xf32, #tpu.memory_space<hbm>>) target(%dma_start3A_134 : memref<8x2x1024xf32, #tpu.memory_space<vmem>>) target_semaphore(%dma_start3A_129 : memref<!tpu.dma_semaphore, #tpu.memory_space<semaphore_mem>>)
    %dma_start3A_138 = arith.constant 3 : i32
    %dma_start3A_139 = arith.constant 3 : i32
    %dma_start3A_140 = arith.constant 0 : i32
    %dma_start3A_141 = arith.constant 0 : i32
    %dma_start3A_142 = tpu.memref_slice %arg6[%dma_start3A_138, %dma_start3A_140, %dma_start3A_141] : memref<5x8x1024xf32, #tpu.memory_space<vmem>> -> memref<1x8x1024xf32, #tpu.memory_space<vmem>>
    %dma_start3A_143 = tpu.memref_squeeze %dma_start3A_142 : memref<1x8x1024xf32, #tpu.memory_space<vmem>> -> memref<8x1024xf32, #tpu.memory_space<vmem>>
    %dma_start3A_144 = arith.constant 0 : i32
    %dma_start3A_145 = tpu.memref_slice %arg3[%add3A_117, %dma_start3A_144] : memref<4096x1024xf32, #tpu.memory_space<hbm>> -> memref<8x1024xf32, #tpu.memory_space<hbm>>
    %dma_start3A_146 = tpu.memref_slice %arg8[%dma_start3A_139] : memref<5x!tpu.dma_semaphore, #tpu.memory_space<semaphore_mem>> -> memref<1x!tpu.dma_semaphore, #tpu.memory_space<semaphore_mem>>
    %dma_start3A_147 = tpu.memref_squeeze %dma_start3A_146 : memref<1x!tpu.dma_semaphore, #tpu.memory_space<semaphore_mem>> -> memref<!tpu.dma_semaphore, #tpu.memory_space<semaphore_mem>>
    %dma_start3A_148 = arith.constant 0 : i32
    %dma_start3A_149 = arith.constant 0 : i32
    %dma_start3A_150 = tpu.memref_slice %arg6[%dma_start3A_138, %dma_start3A_148, %dma_start3A_149] : memref<5x8x1024xf32, #tpu.memory_space<vmem>> -> memref<1x8x1024xf32, #tpu.memory_space<vmem>>
    %dma_start3A_151 = tpu.memref_squeeze %dma_start3A_150 : memref<1x8x1024xf32, #tpu.memory_space<vmem>> -> memref<8x1024xf32, #tpu.memory_space<vmem>>
    %dma_start3A_152 = arith.constant 0 : i32
    %dma_start3A_153 = tpu.memref_slice %arg3[%add3A_117, %dma_start3A_152] : memref<4096x1024xf32, #tpu.memory_space<hbm>> -> memref<8x1024xf32, #tpu.memory_space<hbm>>
    tpu.enqueue_dma source(%dma_start3A_153 : memref<8x1024xf32, #tpu.memory_space<hbm>>) target(%dma_start3A_151 : memref<8x1024xf32, #tpu.memory_space<vmem>>) target_semaphore(%dma_start3A_147 : memref<!tpu.dma_semaphore, #tpu.memory_space<semaphore_mem>>)
    %scan3A = arith.constant 0 : i32
    %scan3A_154 = arith.constant 0 : i32
    %scan3A_155 = arith.constant 16 : i32
    %scan3A_156 = arith.addi %scan3A_154, %scan3A_155 : i32
    %scan3A_157 = arith.constant 1 : i32
    scf.for %scan3A_268 = %scan3A_154 to %scan3A_156 step %scan3A_157  : i32 {
      %rem3A = arith.constant 5 : i32
      %rem3A_269 = arith.remsi %scan3A_268, %rem3A : i32
      %add3A_270 = arith.constant 5 : i32
      %add3A_271 = arith.addi %scan3A_268, %add3A_270 : i32
      %sub3A = arith.constant 1 : i32
      %sub3A_272 = arith.subi %add3A_271, %sub3A : i32
      %lt3A = arith.constant 16 : i32
      %lt3A_273 = arith.cmpi slt, %sub3A_272, %lt3A : i32
      %convert_element_type3A = arith.extui %lt3A_273 : i1 to i32
      %cond3A = arith.constant 0 : i32
      %cond3A_274 = arith.cmpi ne, %convert_element_type3A, %cond3A : i32
      scf.if %cond3A_274 {
        %ge3A = arith.constant 1 : i32
        %ge3A_337 = arith.cmpi sge, %scan3A_268, %ge3A : i32
        %convert_element_type3A_338 = arith.extui %ge3A_337 : i1 to i32
        %cond3A_339 = arith.constant 0 : i32
        %cond3A_340 = arith.cmpi ne, %convert_element_type3A_338, %cond3A_339 : i32
        scf.if %cond3A_340 {
          %sub3A_386 = arith.constant 1 : i32
          %sub3A_387 = arith.subi %scan3A_268, %sub3A_386 : i32
          %sub3A_388 = arith.constant 1 : i32
          %sub3A_389 = arith.subi %scan3A_268, %sub3A_388 : i32
          %rem3A_390 = arith.constant 5 : i32
          %rem3A_391 = arith.remsi %sub3A_389, %rem3A_390 : i32
          %mul3A_392 = arith.constant 8 : i32
          %mul3A_393 = arith.muli %sub3A_387, %mul3A_392 : i32
          %add3A_394 = arith.addi %mul3A_2, %mul3A_393 : i32
          %dma_wait3A_395 = arith.constant 0 : i32
          %dma_wait3A_396 = arith.constant 0 : i32
          %dma_wait3A_397 = arith.constant 0 : i32
          %dma_wait3A_398 = tpu.memref_slice %arg5[%rem3A_391, %dma_wait3A_395, %dma_wait3A_396, %dma_wait3A_397] : memref<5x8x2x1024xf32, #tpu.memory_space<vmem>> -> memref<1x8x2x1024xf32, #tpu.memory_space<vmem>>
          %dma_wait3A_399 = tpu.memref_squeeze %dma_wait3A_398 : memref<1x8x2x1024xf32, #tpu.memory_space<vmem>> -> memref<8x2x1024xf32, #tpu.memory_space<vmem>>
          %dma_wait3A_400 = arith.constant 0 : i32
          %dma_wait3A_401 = arith.constant 0 : i32
          %dma_wait3A_402 = tpu.memref_slice %arg4[%add3A_394, %dma_wait3A_400, %dma_wait3A_401] : memref<4096x2x1024xf32, #tpu.memory_space<hbm>> -> memref<8x2x1024xf32, #tpu.memory_space<hbm>>
          %dma_wait3A_403 = tpu.memref_slice %arg9[%rem3A_391] : memref<5x!tpu.dma_semaphore, #tpu.memory_space<semaphore_mem>> -> memref<1x!tpu.dma_semaphore, #tpu.memory_space<semaphore_mem>>
          %dma_wait3A_404 = tpu.memref_squeeze %dma_wait3A_403 : memref<1x!tpu.dma_semaphore, #tpu.memory_space<semaphore_mem>> -> memref<!tpu.dma_semaphore, #tpu.memory_space<semaphore_mem>>
          %dma_wait3A_405 = arith.constant 0 : i32
          %dma_wait3A_406 = arith.constant 0 : i32
          %dma_wait3A_407 = tpu.memref_slice %arg4[%add3A_394, %dma_wait3A_405, %dma_wait3A_406] : memref<4096x2x1024xf32, #tpu.memory_space<hbm>> -> memref<8x2x1024xf32, #tpu.memory_space<hbm>>
          %dma_wait3A_408 = arith.constant 0 : i32
          %dma_wait3A_409 = arith.constant 0 : i32
          %dma_wait3A_410 = arith.constant 0 : i32
          %dma_wait3A_411 = tpu.memref_slice %arg5[%rem3A_391, %dma_wait3A_408, %dma_wait3A_409, %dma_wait3A_410] : memref<5x8x2x1024xf32, #tpu.memory_space<vmem>> -> memref<1x8x2x1024xf32, #tpu.memory_space<vmem>>
          %dma_wait3A_412 = tpu.memref_squeeze %dma_wait3A_411 : memref<1x8x2x1024xf32, #tpu.memory_space<vmem>> -> memref<8x2x1024xf32, #tpu.memory_space<vmem>>
          tpu.wait_dma2 semaphore(%dma_wait3A_404 : memref<!tpu.dma_semaphore, #tpu.memory_space<semaphore_mem>>) src(%dma_wait3A_412 : memref<8x2x1024xf32, #tpu.memory_space<vmem>>) dst(%dma_wait3A_407 : memref<8x2x1024xf32, #tpu.memory_space<hbm>>)
        } else {
        }
        %add3A_341 = arith.constant 5 : i32
        %add3A_342 = arith.addi %scan3A_268, %add3A_341 : i32
        %sub3A_343 = arith.constant 1 : i32
        %sub3A_344 = arith.subi %add3A_342, %sub3A_343 : i32
        %rem3A_345 = arith.constant 5 : i32
        %rem3A_346 = arith.remsi %sub3A_344, %rem3A_345 : i32
        %add3A_347 = arith.constant 5 : i32
        %add3A_348 = arith.addi %scan3A_268, %add3A_347 : i32
        %sub3A_349 = arith.constant 1 : i32
        %sub3A_350 = arith.subi %add3A_348, %sub3A_349 : i32
        %mul3A_351 = arith.constant 8 : i32
        %mul3A_352 = arith.muli %sub3A_350, %mul3A_351 : i32
        %add3A_353 = arith.addi %mul3A_2, %mul3A_352 : i32
        %dma_start3A_354 = arith.constant 0 : i32
        %dma_start3A_355 = arith.constant 0 : i32
        %dma_start3A_356 = arith.constant 0 : i32
        %dma_start3A_357 = tpu.memref_slice %arg5[%rem3A_346, %dma_start3A_354, %dma_start3A_355, %dma_start3A_356] : memref<5x8x2x1024xf32, #tpu.memory_space<vmem>> -> memref<1x8x2x1024xf32, #tpu.memory_space<vmem>>
        %dma_start3A_358 = tpu.memref_squeeze %dma_start3A_357 : memref<1x8x2x1024xf32, #tpu.memory_space<vmem>> -> memref<8x2x1024xf32, #tpu.memory_space<vmem>>
        %dma_start3A_359 = arith.constant 0 : i32
        %dma_start3A_360 = arith.constant 0 : i32
        %dma_start3A_361 = tpu.memref_slice %arg2[%add3A_353, %dma_start3A_359, %dma_start3A_360] : memref<4096x2x1024xf32, #tpu.memory_space<hbm>> -> memref<8x2x1024xf32, #tpu.memory_space<hbm>>
        %dma_start3A_362 = tpu.memref_slice %arg7[%rem3A_346] : memref<5x!tpu.dma_semaphore, #tpu.memory_space<semaphore_mem>> -> memref<1x!tpu.dma_semaphore, #tpu.memory_space<semaphore_mem>>
        %dma_start3A_363 = tpu.memref_squeeze %dma_start3A_362 : memref<1x!tpu.dma_semaphore, #tpu.memory_space<semaphore_mem>> -> memref<!tpu.dma_semaphore, #tpu.memory_space<semaphore_mem>>
        %dma_start3A_364 = arith.constant 0 : i32
        %dma_start3A_365 = arith.constant 0 : i32
        %dma_start3A_366 = arith.constant 0 : i32
        %dma_start3A_367 = tpu.memref_slice %arg5[%rem3A_346, %dma_start3A_364, %dma_start3A_365, %dma_start3A_366] : memref<5x8x2x1024xf32, #tpu.memory_space<vmem>> -> memref<1x8x2x1024xf32, #tpu.memory_space<vmem>>
        %dma_start3A_368 = tpu.memref_squeeze %dma_start3A_367 : memref<1x8x2x1024xf32, #tpu.memory_space<vmem>> -> memref<8x2x1024xf32, #tpu.memory_space<vmem>>
        %dma_start3A_369 = arith.constant 0 : i32
        %dma_start3A_370 = arith.constant 0 : i32
        %dma_start3A_371 = tpu.memref_slice %arg2[%add3A_353, %dma_start3A_369, %dma_start3A_370] : memref<4096x2x1024xf32, #tpu.memory_space<hbm>> -> memref<8x2x1024xf32, #tpu.memory_space<hbm>>
        tpu.enqueue_dma source(%dma_start3A_371 : memref<8x2x1024xf32, #tpu.memory_space<hbm>>) target(%dma_start3A_368 : memref<8x2x1024xf32, #tpu.memory_space<vmem>>) target_semaphore(%dma_start3A_363 : memref<!tpu.dma_semaphore, #tpu.memory_space<semaphore_mem>>)
        %dma_start3A_372 = arith.constant 0 : i32
        %dma_start3A_373 = arith.constant 0 : i32
        %dma_start3A_374 = tpu.memref_slice %arg6[%rem3A_346, %dma_start3A_372, %dma_start3A_373] : memref<5x8x1024xf32, #tpu.memory_space<vmem>> -> memref<1x8x1024xf32, #tpu.memory_space<vmem>>
        %dma_start3A_375 = tpu.memref_squeeze %dma_start3A_374 : memref<1x8x1024xf32, #tpu.memory_space<vmem>> -> memref<8x1024xf32, #tpu.memory_space<vmem>>
        %dma_start3A_376 = arith.constant 0 : i32
        %dma_start3A_377 = tpu.memref_slice %arg3[%add3A_353, %dma_start3A_376] : memref<4096x1024xf32, #tpu.memory_space<hbm>> -> memref<8x1024xf32, #tpu.memory_space<hbm>>
        %dma_start3A_378 = tpu.memref_slice %arg8[%rem3A_346] : memref<5x!tpu.dma_semaphore, #tpu.memory_space<semaphore_mem>> -> memref<1x!tpu.dma_semaphore, #tpu.memory_space<semaphore_mem>>
        %dma_start3A_379 = tpu.memref_squeeze %dma_start3A_378 : memref<1x!tpu.dma_semaphore, #tpu.memory_space<semaphore_mem>> -> memref<!tpu.dma_semaphore, #tpu.memory_space<semaphore_mem>>
        %dma_start3A_380 = arith.constant 0 : i32
        %dma_start3A_381 = arith.constant 0 : i32
        %dma_start3A_382 = tpu.memref_slice %arg6[%rem3A_346, %dma_start3A_380, %dma_start3A_381] : memref<5x8x1024xf32, #tpu.memory_space<vmem>> -> memref<1x8x1024xf32, #tpu.memory_space<vmem>>
        %dma_start3A_383 = tpu.memref_squeeze %dma_start3A_382 : memref<1x8x1024xf32, #tpu.memory_space<vmem>> -> memref<8x1024xf32, #tpu.memory_space<vmem>>
        %dma_start3A_384 = arith.constant 0 : i32
        %dma_start3A_385 = tpu.memref_slice %arg3[%add3A_353, %dma_start3A_384] : memref<4096x1024xf32, #tpu.memory_space<hbm>> -> memref<8x1024xf32, #tpu.memory_space<hbm>>
        tpu.enqueue_dma source(%dma_start3A_385 : memref<8x1024xf32, #tpu.memory_space<hbm>>) target(%dma_start3A_383 : memref<8x1024xf32, #tpu.memory_space<vmem>>) target_semaphore(%dma_start3A_379 : memref<!tpu.dma_semaphore, #tpu.memory_space<semaphore_mem>>)
      } else {
      }
      %mul3A_275 = arith.constant 8 : i32
      %mul3A_276 = arith.muli %scan3A_268, %mul3A_275 : i32
      %add3A_277 = arith.addi %mul3A_2, %mul3A_276 : i32
      %dma_wait3A_278 = arith.constant 0 : i32
      %dma_wait3A_279 = arith.constant 0 : i32
      %dma_wait3A_280 = arith.constant 0 : i32
      %dma_wait3A_281 = tpu.memref_slice %arg5[%rem3A_269, %dma_wait3A_278, %dma_wait3A_279, %dma_wait3A_280] : memref<5x8x2x1024xf32, #tpu.memory_space<vmem>> -> memref<1x8x2x1024xf32, #tpu.memory_space<vmem>>
      %dma_wait3A_282 = tpu.memref_squeeze %dma_wait3A_281 : memref<1x8x2x1024xf32, #tpu.memory_space<vmem>> -> memref<8x2x1024xf32, #tpu.memory_space<vmem>>
      %dma_wait3A_283 = arith.constant 0 : i32
      %dma_wait3A_284 = arith.constant 0 : i32
      %dma_wait3A_285 = tpu.memref_slice %arg2[%add3A_277, %dma_wait3A_283, %dma_wait3A_284] : memref<4096x2x1024xf32, #tpu.memory_space<hbm>> -> memref<8x2x1024xf32, #tpu.memory_space<hbm>>
      %dma_wait3A_286 = tpu.memref_slice %arg7[%rem3A_269] : memref<5x!tpu.dma_semaphore, #tpu.memory_space<semaphore_mem>> -> memref<1x!tpu.dma_semaphore, #tpu.memory_space<semaphore_mem>>
      %dma_wait3A_287 = tpu.memref_squeeze %dma_wait3A_286 : memref<1x!tpu.dma_semaphore, #tpu.memory_space<semaphore_mem>> -> memref<!tpu.dma_semaphore, #tpu.memory_space<semaphore_mem>>
      %dma_wait3A_288 = arith.constant 0 : i32
      %dma_wait3A_289 = arith.constant 0 : i32
      %dma_wait3A_290 = arith.constant 0 : i32
      %dma_wait3A_291 = tpu.memref_slice %arg5[%rem3A_269, %dma_wait3A_288, %dma_wait3A_289, %dma_wait3A_290] : memref<5x8x2x1024xf32, #tpu.memory_space<vmem>> -> memref<1x8x2x1024xf32, #tpu.memory_space<vmem>>
      %dma_wait3A_292 = tpu.memref_squeeze %dma_wait3A_291 : memref<1x8x2x1024xf32, #tpu.memory_space<vmem>> -> memref<8x2x1024xf32, #tpu.memory_space<vmem>>
      %dma_wait3A_293 = arith.constant 0 : i32
      %dma_wait3A_294 = arith.constant 0 : i32
      %dma_wait3A_295 = tpu.memref_slice %arg2[%add3A_277, %dma_wait3A_293, %dma_wait3A_294] : memref<4096x2x1024xf32, #tpu.memory_space<hbm>> -> memref<8x2x1024xf32, #tpu.memory_space<hbm>>
      tpu.wait_dma2 semaphore(%dma_wait3A_287 : memref<!tpu.dma_semaphore, #tpu.memory_space<semaphore_mem>>) src(%dma_wait3A_295 : memref<8x2x1024xf32, #tpu.memory_space<hbm>>) dst(%dma_wait3A_292 : memref<8x2x1024xf32, #tpu.memory_space<vmem>>)
      %dma_wait3A_296 = arith.constant 0 : i32
      %dma_wait3A_297 = arith.constant 0 : i32
      %dma_wait3A_298 = tpu.memref_slice %arg6[%rem3A_269, %dma_wait3A_296, %dma_wait3A_297] : memref<5x8x1024xf32, #tpu.memory_space<vmem>> -> memref<1x8x1024xf32, #tpu.memory_space<vmem>>
      %dma_wait3A_299 = tpu.memref_squeeze %dma_wait3A_298 : memref<1x8x1024xf32, #tpu.memory_space<vmem>> -> memref<8x1024xf32, #tpu.memory_space<vmem>>
      %dma_wait3A_300 = arith.constant 0 : i32
      %dma_wait3A_301 = tpu.memref_slice %arg3[%add3A_277, %dma_wait3A_300] : memref<4096x1024xf32, #tpu.memory_space<hbm>> -> memref<8x1024xf32, #tpu.memory_space<hbm>>
      %dma_wait3A_302 = tpu.memref_slice %arg8[%rem3A_269] : memref<5x!tpu.dma_semaphore, #tpu.memory_space<semaphore_mem>> -> memref<1x!tpu.dma_semaphore, #tpu.memory_space<semaphore_mem>>
      %dma_wait3A_303 = tpu.memref_squeeze %dma_wait3A_302 : memref<1x!tpu.dma_semaphore, #tpu.memory_space<semaphore_mem>> -> memref<!tpu.dma_semaphore, #tpu.memory_space<semaphore_mem>>
      %dma_wait3A_304 = arith.constant 0 : i32
      %dma_wait3A_305 = arith.constant 0 : i32
      %dma_wait3A_306 = tpu.memref_slice %arg6[%rem3A_269, %dma_wait3A_304, %dma_wait3A_305] : memref<5x8x1024xf32, #tpu.memory_space<vmem>> -> memref<1x8x1024xf32, #tpu.memory_space<vmem>>
      %dma_wait3A_307 = tpu.memref_squeeze %dma_wait3A_306 : memref<1x8x1024xf32, #tpu.memory_space<vmem>> -> memref<8x1024xf32, #tpu.memory_space<vmem>>
      %dma_wait3A_308 = arith.constant 0 : i32
      %dma_wait3A_309 = tpu.memref_slice %arg3[%add3A_277, %dma_wait3A_308] : memref<4096x1024xf32, #tpu.memory_space<hbm>> -> memref<8x1024xf32, #tpu.memory_space<hbm>>
      tpu.wait_dma2 semaphore(%dma_wait3A_303 : memref<!tpu.dma_semaphore, #tpu.memory_space<semaphore_mem>>) src(%dma_wait3A_309 : memref<8x1024xf32, #tpu.memory_space<hbm>>) dst(%dma_wait3A_307 : memref<8x1024xf32, #tpu.memory_space<vmem>>)
      %scan3A_310 = arith.constant 0 : i32
      %scan3A_311 = arith.constant 0 : i32
      %scan3A_312 = arith.constant 8 : i32
      %scan3A_313 = arith.addi %scan3A_311, %scan3A_312 : i32
      %scan3A_314 = arith.constant 1 : i32
      scf.for %scan3A_337 = %scan3A_311 to %scan3A_313 step %scan3A_314  : i32 {
        %get3A = arith.index_cast %rem3A_269 : i32 to index
        %get3A_338 = arith.index_cast %scan3A_337 : i32 to index
        %get3A_339 = arith.constant 0 : index
        %get3A_340 = tpu.vector_load %arg6[%get3A, %get3A_338, %get3A_339] {strides = array<i32>} : memref<5x8x1024xf32, #tpu.memory_space<vmem>>, vector<1x1x16xf32>,
        %get3A_341 = vector.shape_cast %get3A_340 : vector<1x1x16xf32> to vector<16xf32>
        %get3A_342 = arith.index_cast %rem3A_269 : i32 to index
        %get3A_343 = arith.index_cast %scan3A_337 : i32 to index
        %get3A_344 = arith.constant 16 : index
        %get3A_345 = tpu.vector_load %arg6[%get3A_342, %get3A_343, %get3A_344] {strides = array<i32>} : memref<5x8x1024xf32, #tpu.memory_space<vmem>>, vector<1x1x16xf32>,
        %get3A_346 = vector.shape_cast %get3A_345 : vector<1x1x16xf32> to vector<16xf32>
        %get3A_347 = arith.index_cast %rem3A_269 : i32 to index
        %get3A_348 = arith.index_cast %scan3A_337 : i32 to index
        %get3A_349 = arith.constant 32 : index
        %get3A_350 = tpu.vector_load %arg6[%get3A_347, %get3A_348, %get3A_349] {strides = array<i32>} : memref<5x8x1024xf32, #tpu.memory_space<vmem>>, vector<1x1x16xf32>,
        %get3A_351 = vector.shape_cast %get3A_350 : vector<1x1x16xf32> to vector<16xf32>
        %get3A_352 = arith.index_cast %rem3A_269 : i32 to index
        %get3A_353 = arith.index_cast %scan3A_337 : i32 to index
        %get3A_354 = arith.constant 48 : index
        %get3A_355 = tpu.vector_load %arg6[%get3A_352, %get3A_353, %get3A_354] {strides = array<i32>} : memref<5x8x1024xf32, #tpu.memory_space<vmem>>, vector<1x1x16xf32>,
        %get3A_356 = vector.shape_cast %get3A_355 : vector<1x1x16xf32> to vector<16xf32>
        %get3A_357 = arith.index_cast %rem3A_269 : i32 to index
        %get3A_358 = arith.index_cast %scan3A_337 : i32 to index
        %get3A_359 = arith.constant 64 : index
        %get3A_360 = tpu.vector_load %arg6[%get3A_357, %get3A_358, %get3A_359] {strides = array<i32>} : memref<5x8x1024xf32, #tpu.memory_space<vmem>>, vector<1x1x16xf32>,
        %get3A_361 = vector.shape_cast %get3A_360 : vector<1x1x16xf32> to vector<16xf32>
        %get3A_362 = arith.index_cast %rem3A_269 : i32 to index
        %get3A_363 = arith.index_cast %scan3A_337 : i32 to index
        %get3A_364 = arith.constant 80 : index
        %get3A_365 = tpu.vector_load %arg6[%get3A_362, %get3A_363, %get3A_364] {strides = array<i32>} : memref<5x8x1024xf32, #tpu.memory_space<vmem>>, vector<1x1x16xf32>,
        %get3A_366 = vector.shape_cast %get3A_365 : vector<1x1x16xf32> to vector<16xf32>
        %get3A_367 = arith.index_cast %rem3A_269 : i32 to index
        %get3A_368 = arith.index_cast %scan3A_337 : i32 to index
        %get3A_369 = arith.constant 96 : index
        %get3A_370 = tpu.vector_load %arg6[%get3A_367, %get3A_368, %get3A_369] {strides = array<i32>} : memref<5x8x1024xf32, #tpu.memory_space<vmem>>, vector<1x1x16xf32>,
        %get3A_371 = vector.shape_cast %get3A_370 : vector<1x1x16xf32> to vector<16xf32>
        %get3A_372 = arith.index_cast %rem3A_269 : i32 to index
        %get3A_373 = arith.index_cast %scan3A_337 : i32 to index
        %get3A_374 = arith.constant 112 : index
        %get3A_375 = tpu.vector_load %arg6[%get3A_372, %get3A_373, %get3A_374] {strides = array<i32>} : memref<5x8x1024xf32, #tpu.memory_space<vmem>>, vector<1x1x16xf32>,
        %get3A_376 = vector.shape_cast %get3A_375 : vector<1x1x16xf32> to vector<16xf32>
        %get3A_377 = arith.constant 0 : i32
        %get3A_378 = arith.index_cast %rem3A_269 : i32 to index
        %get3A_379 = arith.index_cast %scan3A_337 : i32 to index
        %get3A_380 = arith.index_cast %get3A_377 : i32 to index
        %get3A_381 = arith.constant 0 : index
        %get3A_382 = tpu.vector_load %arg5[%get3A_378, %get3A_379, %get3A_380, %get3A_381] {strides = array<i32>} : memref<5x8x2x1024xf32, #tpu.memory_space<vmem>>, vector<1x1x1x16xf32>,
        %get3A_383 = vector.shape_cast %get3A_382 : vector<1x1x1x16xf32> to vector<16xf32>
        %add3A_384 = arith.addf %get3A_383, %get3A_341 : vector<16xf32>
        %get3A_385 = arith.constant 0 : i32
        %get3A_386 = arith.index_cast %rem3A_269 : i32 to index
        %get3A_387 = arith.index_cast %scan3A_337 : i32 to index
        %get3A_388 = arith.index_cast %get3A_385 : i32 to index
        %get3A_389 = arith.constant 16 : index
        %get3A_390 = tpu.vector_load %arg5[%get3A_386, %get3A_387, %get3A_388, %get3A_389] {strides = array<i32>} : memref<5x8x2x1024xf32, #tpu.memory_space<vmem>>, vector<1x1x1x16xf32>,
        %get3A_391 = vector.shape_cast %get3A_390 : vector<1x1x1x16xf32> to vector<16xf32>
        %add3A_392 = arith.addf %get3A_391, %get3A_346 : vector<16xf32>
        %get3A_393 = arith.constant 0 : i32
        %get3A_394 = arith.index_cast %rem3A_269 : i32 to index
        %get3A_395 = arith.index_cast %scan3A_337 : i32 to index
        %get3A_396 = arith.index_cast %get3A_393 : i32 to index
        %get3A_397 = arith.constant 32 : index
        %get3A_398 = tpu.vector_load %arg5[%get3A_394, %get3A_395, %get3A_396, %get3A_397] {strides = array<i32>} : memref<5x8x2x1024xf32, #tpu.memory_space<vmem>>, vector<1x1x1x16xf32>,
        %get3A_399 = vector.shape_cast %get3A_398 : vector<1x1x1x16xf32> to vector<16xf32>
        %add3A_400 = arith.addf %get3A_399, %get3A_351 : vector<16xf32>
        %get3A_401 = arith.constant 0 : i32
        %get3A_402 = arith.index_cast %rem3A_269 : i32 to index
        %get3A_403 = arith.index_cast %scan3A_337 : i32 to index
        %get3A_404 = arith.index_cast %get3A_401 : i32 to index
        %get3A_405 = arith.constant 48 : index
        %get3A_406 = tpu.vector_load %arg5[%get3A_402, %get3A_403, %get3A_404, %get3A_405] {strides = array<i32>} : memref<5x8x2x1024xf32, #tpu.memory_space<vmem>>, vector<1x1x1x16xf32>,
        %get3A_407 = vector.shape_cast %get3A_406 : vector<1x1x1x16xf32> to vector<16xf32>
        %add3A_408 = arith.addf %get3A_407, %get3A_356 : vector<16xf32>
        %get3A_409 = arith.constant 0 : i32
        %get3A_410 = arith.index_cast %rem3A_269 : i32 to index
        %get3A_411 = arith.index_cast %scan3A_337 : i32 to index
        %get3A_412 = arith.index_cast %get3A_409 : i32 to index
        %get3A_413 = arith.constant 64 : index
        %get3A_414 = tpu.vector_load %arg5[%get3A_410, %get3A_411, %get3A_412, %get3A_413] {strides = array<i32>} : memref<5x8x2x1024xf32, #tpu.memory_space<vmem>>, vector<1x1x1x16xf32>,
        %get3A_415 = vector.shape_cast %get3A_414 : vector<1x1x1x16xf32> to vector<16xf32>
        %add3A_416 = arith.addf %get3A_415, %get3A_361 : vector<16xf32>
        %get3A_417 = arith.constant 0 : i32
        %get3A_418 = arith.index_cast %rem3A_269 : i32 to index
        %get3A_419 = arith.index_cast %scan3A_337 : i32 to index
        %get3A_420 = arith.index_cast %get3A_417 : i32 to index
        %get3A_421 = arith.constant 80 : index
        %get3A_422 = tpu.vector_load %arg5[%get3A_418, %get3A_419, %get3A_420, %get3A_421] {strides = array<i32>} : memref<5x8x2x1024xf32, #tpu.memory_space<vmem>>, vector<1x1x1x16xf32>,
        %get3A_423 = vector.shape_cast %get3A_422 : vector<1x1x1x16xf32> to vector<16xf32>
        %add3A_424 = arith.addf %get3A_423, %get3A_366 : vector<16xf32>
        %get3A_425 = arith.constant 0 : i32
        %get3A_426 = arith.index_cast %rem3A_269 : i32 to index
        %get3A_427 = arith.index_cast %scan3A_337 : i32 to index
        %get3A_428 = arith.index_cast %get3A_425 : i32 to index
        %get3A_429 = arith.constant 96 : index
        %get3A_430 = tpu.vector_load %arg5[%get3A_426, %get3A_427, %get3A_428, %get3A_429] {strides = array<i32>} : memref<5x8x2x1024xf32, #tpu.memory_space<vmem>>, vector<1x1x1x16xf32>,
        %get3A_431 = vector.shape_cast %get3A_430 : vector<1x1x1x16xf32> to vector<16xf32>
        %add3A_432 = arith.addf %get3A_431, %get3A_371 : vector<16xf32>
        %get3A_433 = arith.constant 0 : i32
        %get3A_434 = arith.index_cast %rem3A_269 : i32 to index
        %get3A_435 = arith.index_cast %scan3A_337 : i32 to index
        %get3A_436 = arith.index_cast %get3A_433 : i32 to index
        %get3A_437 = arith.constant 112 : index
        %get3A_438 = tpu.vector_load %arg5[%get3A_434, %get3A_435, %get3A_436, %get3A_437] {strides = array<i32>} : memref<5x8x2x1024xf32, #tpu.memory_space<vmem>>, vector<1x1x1x16xf32>,
        %get3A_439 = vector.shape_cast %get3A_438 : vector<1x1x1x16xf32> to vector<16xf32>
        %add3A_440 = arith.addf %get3A_439, %get3A_376 : vector<16xf32>
        %get3A_441 = arith.constant 1 : i32
        %get3A_442 = arith.index_cast %rem3A_269 : i32 to index
        %get3A_443 = arith.index_cast %scan3A_337 : i32 to index
        %get3A_444 = arith.index_cast %get3A_441 : i32 to index
        %get3A_445 = arith.constant 0 : index
        %get3A_446 = tpu.vector_load %arg5[%get3A_442, %get3A_443, %get3A_444, %get3A_445] {strides = array<i32>} : memref<5x8x2x1024xf32, #tpu.memory_space<vmem>>, vector<1x1x1x16xf32>,
        %get3A_447 = vector.shape_cast %get3A_446 : vector<1x1x1x16xf32> to vector<16xf32>
        %add3A_448 = arith.addf %get3A_447, %get3A_341 : vector<16xf32>
        %get3A_449 = arith.constant 1 : i32
        %get3A_450 = arith.index_cast %rem3A_269 : i32 to index
        %get3A_451 = arith.index_cast %scan3A_337 : i32 to index
        %get3A_452 = arith.index_cast %get3A_449 : i32 to index
        %get3A_453 = arith.constant 16 : index
        %get3A_454 = tpu.vector_load %arg5[%get3A_450, %get3A_451, %get3A_452, %get3A_453] {strides = array<i32>} : memref<5x8x2x1024xf32, #tpu.memory_space<vmem>>, vector<1x1x1x16xf32>,
        %get3A_455 = vector.shape_cast %get3A_454 : vector<1x1x1x16xf32> to vector<16xf32>
        %add3A_456 = arith.addf %get3A_455, %get3A_346 : vector<16xf32>
        %get3A_457 = arith.constant 1 : i32
        %get3A_458 = arith.index_cast %rem3A_269 : i32 to index
        %get3A_459 = arith.index_cast %scan3A_337 : i32 to index
        %get3A_460 = arith.index_cast %get3A_457 : i32 to index
        %get3A_461 = arith.constant 32 : index
        %get3A_462 = tpu.vector_load %arg5[%get3A_458, %get3A_459, %get3A_460, %get3A_461] {strides = array<i32>} : memref<5x8x2x1024xf32, #tpu.memory_space<vmem>>, vector<1x1x1x16xf32>,
        %get3A_463 = vector.shape_cast %get3A_462 : vector<1x1x1x16xf32> to vector<16xf32>
        %add3A_464 = arith.addf %get3A_463, %get3A_351 : vector<16xf32>
        %get3A_465 = arith.constant 1 : i32
        %get3A_466 = arith.index_cast %rem3A_269 : i32 to index
        %get3A_467 = arith.index_cast %scan3A_337 : i32 to index
        %get3A_468 = arith.index_cast %get3A_465 : i32 to index
        %get3A_469 = arith.constant 48 : index
        %get3A_470 = tpu.vector_load %arg5[%get3A_466, %get3A_467, %get3A_468, %get3A_469] {strides = array<i32>} : memref<5x8x2x1024xf32, #tpu.memory_space<vmem>>, vector<1x1x1x16xf32>,
        %get3A_471 = vector.shape_cast %get3A_470 : vector<1x1x1x16xf32> to vector<16xf32>
        %add3A_472 = arith.addf %get3A_471, %get3A_356 : vector<16xf32>
        %get3A_473 = arith.constant 1 : i32
        %get3A_474 = arith.index_cast %rem3A_269 : i32 to index
        %get3A_475 = arith.index_cast %scan3A_337 : i32 to index
        %get3A_476 = arith.index_cast %get3A_473 : i32 to index
        %get3A_477 = arith.constant 64 : index
        %get3A_478 = tpu.vector_load %arg5[%get3A_474, %get3A_475, %get3A_476, %get3A_477] {strides = array<i32>} : memref<5x8x2x1024xf32, #tpu.memory_space<vmem>>, vector<1x1x1x16xf32>,
        %get3A_479 = vector.shape_cast %get3A_478 : vector<1x1x1x16xf32> to vector<16xf32>
        %add3A_480 = arith.addf %get3A_479, %get3A_361 : vector<16xf32>
        %get3A_481 = arith.constant 1 : i32
        %get3A_482 = arith.index_cast %rem3A_269 : i32 to index
        %get3A_483 = arith.index_cast %scan3A_337 : i32 to index
        %get3A_484 = arith.index_cast %get3A_481 : i32 to index
        %get3A_485 = arith.constant 80 : index
        %get3A_486 = tpu.vector_load %arg5[%get3A_482, %get3A_483, %get3A_484, %get3A_485] {strides = array<i32>} : memref<5x8x2x1024xf32, #tpu.memory_space<vmem>>, vector<1x1x1x16xf32>,
        %get3A_487 = vector.shape_cast %get3A_486 : vector<1x1x1x16xf32> to vector<16xf32>
        %add3A_488 = arith.addf %get3A_487, %get3A_366 : vector<16xf32>
        %get3A_489 = arith.constant 1 : i32
        %get3A_490 = arith.index_cast %rem3A_269 : i32 to index
        %get3A_491 = arith.index_cast %scan3A_337 : i32 to index
        %get3A_492 = arith.index_cast %get3A_489 : i32 to index
        %get3A_493 = arith.constant 96 : index
        %get3A_494 = tpu.vector_load %arg5[%get3A_490, %get3A_491, %get3A_492, %get3A_493] {strides = array<i32>} : memref<5x8x2x1024xf32, #tpu.memory_space<vmem>>, vector<1x1x1x16xf32>,
        %get3A_495 = vector.shape_cast %get3A_494 : vector<1x1x1x16xf32> to vector<16xf32>
        %add3A_496 = arith.addf %get3A_495, %get3A_371 : vector<16xf32>
        %get3A_497 = arith.constant 1 : i32
        %get3A_498 = arith.index_cast %rem3A_269 : i32 to index
        %get3A_499 = arith.index_cast %scan3A_337 : i32 to index
        %get3A_500 = arith.index_cast %get3A_497 : i32 to index
        %get3A_501 = arith.constant 112 : index
        %get3A_502 = tpu.vector_load %arg5[%get3A_498, %get3A_499, %get3A_500, %get3A_501] {strides = array<i32>} : memref<5x8x2x1024xf32, #tpu.memory_space<vmem>>, vector<1x1x1x16xf32>,
        %get3A_503 = vector.shape_cast %get3A_502 : vector<1x1x1x16xf32> to vector<16xf32>
        %add3A_504 = arith.addf %get3A_503, %get3A_376 : vector<16xf32>
        %swap3A = arith.constant 0 : i32
        %swap3A_505 = arith.index_cast %rem3A_269 : i32 to index
        %swap3A_506 = arith.index_cast %scan3A_337 : i32 to index
        %swap3A_507 = arith.index_cast %swap3A : i32 to index
        %swap3A_508 = arith.constant 0 : index
        %swap3A_509 = tpu.vector_load %arg5[%swap3A_505, %swap3A_506, %swap3A_507, %swap3A_508] {strides = array<i32>} : memref<5x8x2x1024xf32, #tpu.memory_space<vmem>>, vector<1x1x1x16xf32>,
        %swap3A_510 = vector.shape_cast %swap3A_509 : vector<1x1x1x16xf32> to vector<16xf32>
        %swap3A_511 = vector.shape_cast %add3A_384 : vector<16xf32> to vector<1x1x1x16xf32>
        tpu.vector_store %arg5[%swap3A_505, %swap3A_506, %swap3A_507, %swap3A_508], %swap3A_511 {strides = array<i32>} : memref<5x8x2x1024xf32, #tpu.memory_space<vmem>>, vector<1x1x1x16xf32>,
        %swap3A_512 = arith.constant 0 : i32
        %swap3A_513 = arith.index_cast %rem3A_269 : i32 to index
        %swap3A_514 = arith.index_cast %scan3A_337 : i32 to index
        %swap3A_515 = arith.index_cast %swap3A_512 : i32 to index
        %swap3A_516 = arith.constant 16 : index
        %swap3A_517 = tpu.vector_load %arg5[%swap3A_513, %swap3A_514, %swap3A_515, %swap3A_516] {strides = array<i32>} : memref<5x8x2x1024xf32, #tpu.memory_space<vmem>>, vector<1x1x1x16xf32>,
        %swap3A_518 = vector.shape_cast %swap3A_517 : vector<1x1x1x16xf32> to vector<16xf32>
        %swap3A_519 = vector.shape_cast %add3A_392 : vector<16xf32> to vector<1x1x1x16xf32>
        tpu.vector_store %arg5[%swap3A_513, %swap3A_514, %swap3A_515, %swap3A_516], %swap3A_519 {strides = array<i32>} : memref<5x8x2x1024xf32, #tpu.memory_space<vmem>>, vector<1x1x1x16xf32>,
        %swap3A_520 = arith.constant 0 : i32
        %swap3A_521 = arith.index_cast %rem3A_269 : i32 to index
        %swap3A_522 = arith.index_cast %scan3A_337 : i32 to index
        %swap3A_523 = arith.index_cast %swap3A_520 : i32 to index
        %swap3A_524 = arith.constant 32 : index
        %swap3A_525 = tpu.vector_load %arg5[%swap3A_521, %swap3A_522, %swap3A_523, %swap3A_524] {strides = array<i32>} : memref<5x8x2x1024xf32, #tpu.memory_space<vmem>>, vector<1x1x1x16xf32>,
        %swap3A_526 = vector.shape_cast %swap3A_525 : vector<1x1x1x16xf32> to vector<16xf32>
        %swap3A_527 = vector.shape_cast %add3A_400 : vector<16xf32> to vector<1x1x1x16xf32>
        tpu.vector_store %arg5[%swap3A_521, %swap3A_522, %swap3A_523, %swap3A_524], %swap3A_527 {strides = array<i32>} : memref<5x8x2x1024xf32, #tpu.memory_space<vmem>>, vector<1x1x1x16xf32>,
        %swap3A_528 = arith.constant 0 : i32
        %swap3A_529 = arith.index_cast %rem3A_269 : i32 to index
        %swap3A_530 = arith.index_cast %scan3A_337 : i32 to index
        %swap3A_531 = arith.index_cast %swap3A_528 : i32 to index
        %swap3A_532 = arith.constant 48 : index
        %swap3A_533 = tpu.vector_load %arg5[%swap3A_529, %swap3A_530, %swap3A_531, %swap3A_532] {strides = array<i32>} : memref<5x8x2x1024xf32, #tpu.memory_space<vmem>>, vector<1x1x1x16xf32>,
        %swap3A_534 = vector.shape_cast %swap3A_533 : vector<1x1x1x16xf32> to vector<16xf32>
        %swap3A_535 = vector.shape_cast %add3A_408 : vector<16xf32> to vector<1x1x1x16xf32>
        tpu.vector_store %arg5[%swap3A_529, %swap3A_530, %swap3A_531, %swap3A_532], %swap3A_535 {strides = array<i32>} : memref<5x8x2x1024xf32, #tpu.memory_space<vmem>>, vector<1x1x1x16xf32>,
        %swap3A_536 = arith.constant 0 : i32
        %swap3A_537 = arith.index_cast %rem3A_269 : i32 to index
        %swap3A_538 = arith.index_cast %scan3A_337 : i32 to index
        %swap3A_539 = arith.index_cast %swap3A_536 : i32 to index
        %swap3A_540 = arith.constant 64 : index
        %swap3A_541 = tpu.vector_load %arg5[%swap3A_537, %swap3A_538, %swap3A_539, %swap3A_540] {strides = array<i32>} : memref<5x8x2x1024xf32, #tpu.memory_space<vmem>>, vector<1x1x1x16xf32>,
        %swap3A_542 = vector.shape_cast %swap3A_541 : vector<1x1x1x16xf32> to vector<16xf32>
        %swap3A_543 = vector.shape_cast %add3A_416 : vector<16xf32> to vector<1x1x1x16xf32>
        tpu.vector_store %arg5[%swap3A_537, %swap3A_538, %swap3A_539, %swap3A_540], %swap3A_543 {strides = array<i32>} : memref<5x8x2x1024xf32, #tpu.memory_space<vmem>>, vector<1x1x1x16xf32>,
        %swap3A_544 = arith.constant 0 : i32
        %swap3A_545 = arith.index_cast %rem3A_269 : i32 to index
        %swap3A_546 = arith.index_cast %scan3A_337 : i32 to index
        %swap3A_547 = arith.index_cast %swap3A_544 : i32 to index
        %swap3A_548 = arith.constant 80 : index
        %swap3A_549 = tpu.vector_load %arg5[%swap3A_545, %swap3A_546, %swap3A_547, %swap3A_548] {strides = array<i32>} : memref<5x8x2x1024xf32, #tpu.memory_space<vmem>>, vector<1x1x1x16xf32>,
        %swap3A_550 = vector.shape_cast %swap3A_549 : vector<1x1x1x16xf32> to vector<16xf32>
        %swap3A_551 = vector.shape_cast %add3A_424 : vector<16xf32> to vector<1x1x1x16xf32>
        tpu.vector_store %arg5[%swap3A_545, %swap3A_546, %swap3A_547, %swap3A_548], %swap3A_551 {strides = array<i32>} : memref<5x8x2x1024xf32, #tpu.memory_space<vmem>>, vector<1x1x1x16xf32>,
        %swap3A_552 = arith.constant 0 : i32
        %swap3A_553 = arith.index_cast %rem3A_269 : i32 to index
        %swap3A_554 = arith.index_cast %scan3A_337 : i32 to index
        %swap3A_555 = arith.index_cast %swap3A_552 : i32 to index
        %swap3A_556 = arith.constant 96 : index
        %swap3A_557 = tpu.vector_load %arg5[%swap3A_553, %swap3A_554, %swap3A_555, %swap3A_556] {strides = array<i32>} : memref<5x8x2x1024xf32, #tpu.memory_space<vmem>>, vector<1x1x1x16xf32>,
        %swap3A_558 = vector.shape_cast %swap3A_557 : vector<1x1x1x16xf32> to vector<16xf32>
        %swap3A_559 = vector.shape_cast %add3A_432 : vector<16xf32> to vector<1x1x1x16xf32>
        tpu.vector_store %arg5[%swap3A_553, %swap3A_554, %swap3A_555, %swap3A_556], %swap3A_559 {strides = array<i32>} : memref<5x8x2x1024xf32, #tpu.memory_space<vmem>>, vector<1x1x1x16xf32>,
        %swap3A_560 = arith.constant 0 : i32
        %swap3A_561 = arith.index_cast %rem3A_269 : i32 to index
        %swap3A_562 = arith.index_cast %scan3A_337 : i32 to index
        %swap3A_563 = arith.index_cast %swap3A_560 : i32 to index
        %swap3A_564 = arith.constant 112 : index
        %swap3A_565 = tpu.vector_load %arg5[%swap3A_561, %swap3A_562, %swap3A_563, %swap3A_564] {strides = array<i32>} : memref<5x8x2x1024xf32, #tpu.memory_space<vmem>>, vector<1x1x1x16xf32>,
        %swap3A_566 = vector.shape_cast %swap3A_565 : vector<1x1x1x16xf32> to vector<16xf32>
        %swap3A_567 = vector.shape_cast %add3A_440 : vector<16xf32> to vector<1x1x1x16xf32>
        tpu.vector_store %arg5[%swap3A_561, %swap3A_562, %swap3A_563, %swap3A_564], %swap3A_567 {strides = array<i32>} : memref<5x8x2x1024xf32, #tpu.memory_space<vmem>>, vector<1x1x1x16xf32>,
        %swap3A_568 = arith.constant 1 : i32
        %swap3A_569 = arith.index_cast %rem3A_269 : i32 to index
        %swap3A_570 = arith.index_cast %scan3A_337 : i32 to index
        %swap3A_571 = arith.index_cast %swap3A_568 : i32 to index
        %swap3A_572 = arith.constant 0 : index
        %swap3A_573 = tpu.vector_load %arg5[%swap3A_569, %swap3A_570, %swap3A_571, %swap3A_572] {strides = array<i32>} : memref<5x8x2x1024xf32, #tpu.memory_space<vmem>>, vector<1x1x1x16xf32>,
        %swap3A_574 = vector.shape_cast %swap3A_573 : vector<1x1x1x16xf32> to vector<16xf32>
        %swap3A_575 = vector.shape_cast %add3A_448 : vector<16xf32> to vector<1x1x1x16xf32>
        tpu.vector_store %arg5[%swap3A_569, %swap3A_570, %swap3A_571, %swap3A_572], %swap3A_575 {strides = array<i32>} : memref<5x8x2x1024xf32, #tpu.memory_space<vmem>>, vector<1x1x1x16xf32>,
        %swap3A_576 = arith.constant 1 : i32
        %swap3A_577 = arith.index_cast %rem3A_269 : i32 to index
        %swap3A_578 = arith.index_cast %scan3A_337 : i32 to index
        %swap3A_579 = arith.index_cast %swap3A_576 : i32 to index
        %swap3A_580 = arith.constant 16 : index
        %swap3A_581 = tpu.vector_load %arg5[%swap3A_577, %swap3A_578, %swap3A_579, %swap3A_580] {strides = array<i32>} : memref<5x8x2x1024xf32, #tpu.memory_space<vmem>>, vector<1x1x1x16xf32>,
        %swap3A_582 = vector.shape_cast %swap3A_581 : vector<1x1x1x16xf32> to vector<16xf32>
        %swap3A_583 = vector.shape_cast %add3A_456 : vector<16xf32> to vector<1x1x1x16xf32>
        tpu.vector_store %arg5[%swap3A_577, %swap3A_578, %swap3A_579, %swap3A_580], %swap3A_583 {strides = array<i32>} : memref<5x8x2x1024xf32, #tpu.memory_space<vmem>>, vector<1x1x1x16xf32>,
        %swap3A_584 = arith.constant 1 : i32
        %swap3A_585 = arith.index_cast %rem3A_269 : i32 to index
        %swap3A_586 = arith.index_cast %scan3A_337 : i32 to index
        %swap3A_587 = arith.index_cast %swap3A_584 : i32 to index
        %swap3A_588 = arith.constant 32 : index
        %swap3A_589 = tpu.vector_load %arg5[%swap3A_585, %swap3A_586, %swap3A_587, %swap3A_588] {strides = array<i32>} : memref<5x8x2x1024xf32, #tpu.memory_space<vmem>>, vector<1x1x1x16xf32>,
        %swap3A_590 = vector.shape_cast %swap3A_589 : vector<1x1x1x16xf32> to vector<16xf32>
        %swap3A_591 = vector.shape_cast %add3A_464 : vector<16xf32> to vector<1x1x1x16xf32>
        tpu.vector_store %arg5[%swap3A_585, %swap3A_586, %swap3A_587, %swap3A_588], %swap3A_591 {strides = array<i32>} : memref<5x8x2x1024xf32, #tpu.memory_space<vmem>>, vector<1x1x1x16xf32>,
        %swap3A_592 = arith.constant 1 : i32
        %swap3A_593 = arith.index_cast %rem3A_269 : i32 to index
        %swap3A_594 = arith.index_cast %scan3A_337 : i32 to index
        %swap3A_595 = arith.index_cast %swap3A_592 : i32 to index
        %swap3A_596 = arith.constant 48 : index
        %swap3A_597 = tpu.vector_load %arg5[%swap3A_593, %swap3A_594, %swap3A_595, %swap3A_596] {strides = array<i32>} : memref<5x8x2x1024xf32, #tpu.memory_space<vmem>>, vector<1x1x1x16xf32>,
        %swap3A_598 = vector.shape_cast %swap3A_597 : vector<1x1x1x16xf32> to vector<16xf32>
        %swap3A_599 = vector.shape_cast %add3A_472 : vector<16xf32> to vector<1x1x1x16xf32>
        tpu.vector_store %arg5[%swap3A_593, %swap3A_594, %swap3A_595, %swap3A_596], %swap3A_599 {strides = array<i32>} : memref<5x8x2x1024xf32, #tpu.memory_space<vmem>>, vector<1x1x1x16xf32>,
        %swap3A_600 = arith.constant 1 : i32
        %swap3A_601 = arith.index_cast %rem3A_269 : i32 to index
        %swap3A_602 = arith.index_cast %scan3A_337 : i32 to index
        %swap3A_603 = arith.index_cast %swap3A_600 : i32 to index
        %swap3A_604 = arith.constant 64 : index
        %swap3A_605 = tpu.vector_load %arg5[%swap3A_601, %swap3A_602, %swap3A_603, %swap3A_604] {strides = array<i32>} : memref<5x8x2x1024xf32, #tpu.memory_space<vmem>>, vector<1x1x1x16xf32>,
        %swap3A_606 = vector.shape_cast %swap3A_605 : vector<1x1x1x16xf32> to vector<16xf32>
        %swap3A_607 = vector.shape_cast %add3A_480 : vector<16xf32> to vector<1x1x1x16xf32>
        tpu.vector_store %arg5[%swap3A_601, %swap3A_602, %swap3A_603, %swap3A_604], %swap3A_607 {strides = array<i32>} : memref<5x8x2x1024xf32, #tpu.memory_space<vmem>>, vector<1x1x1x16xf32>,
        %swap3A_608 = arith.constant 1 : i32
        %swap3A_609 = arith.index_cast %rem3A_269 : i32 to index
        %swap3A_610 = arith.index_cast %scan3A_337 : i32 to index
        %swap3A_611 = arith.index_cast %swap3A_608 : i32 to index
        %swap3A_612 = arith.constant 80 : index
        %swap3A_613 = tpu.vector_load %arg5[%swap3A_609, %swap3A_610, %swap3A_611, %swap3A_612] {strides = array<i32>} : memref<5x8x2x1024xf32, #tpu.memory_space<vmem>>, vector<1x1x1x16xf32>,
        %swap3A_614 = vector.shape_cast %swap3A_613 : vector<1x1x1x16xf32> to vector<16xf32>
        %swap3A_615 = vector.shape_cast %add3A_488 : vector<16xf32> to vector<1x1x1x16xf32>
        tpu.vector_store %arg5[%swap3A_609, %swap3A_610, %swap3A_611, %swap3A_612], %swap3A_615 {strides = array<i32>} : memref<5x8x2x1024xf32, #tpu.memory_space<vmem>>, vector<1x1x1x16xf32>,
        %swap3A_616 = arith.constant 1 : i32
        %swap3A_617 = arith.index_cast %rem3A_269 : i32 to index
        %swap3A_618 = arith.index_cast %scan3A_337 : i32 to index
        %swap3A_619 = arith.index_cast %swap3A_616 : i32 to index
        %swap3A_620 = arith.constant 96 : index
        %swap3A_621 = tpu.vector_load %arg5[%swap3A_617, %swap3A_618, %swap3A_619, %swap3A_620] {strides = array<i32>} : memref<5x8x2x1024xf32, #tpu.memory_space<vmem>>, vector<1x1x1x16xf32>,
        %swap3A_622 = vector.shape_cast %swap3A_621 : vector<1x1x1x16xf32> to vector<16xf32>
        %swap3A_623 = vector.shape_cast %add3A_496 : vector<16xf32> to vector<1x1x1x16xf32>
        tpu.vector_store %arg5[%swap3A_617, %swap3A_618, %swap3A_619, %swap3A_620], %swap3A_623 {strides = array<i32>} : memref<5x8x2x1024xf32, #tpu.memory_space<vmem>>, vector<1x1x1x16xf32>,
        %swap3A_624 = arith.constant 1 : i32
        %swap3A_625 = arith.index_cast %rem3A_269 : i32 to index
        %swap3A_626 = arith.index_cast %scan3A_337 : i32 to index
        %swap3A_627 = arith.index_cast %swap3A_624 : i32 to index
        %swap3A_628 = arith.constant 112 : index
        %swap3A_629 = tpu.vector_load %arg5[%swap3A_625, %swap3A_626, %swap3A_627, %swap3A_628] {strides = array<i32>} : memref<5x8x2x1024xf32, #tpu.memory_space<vmem>>, vector<1x1x1x16xf32>,
        %swap3A_630 = vector.shape_cast %swap3A_629 : vector<1x1x1x16xf32> to vector<16xf32>
        %swap3A_631 = vector.shape_cast %add3A_504 : vector<16xf32> to vector<1x1x1x16xf32>
        tpu.vector_store %arg5[%swap3A_625, %swap3A_626, %swap3A_627, %swap3A_628], %swap3A_631 {strides = array<i32>} : memref<5x8x2x1024xf32, #tpu.memory_space<vmem>>, vector<1x1x1x16xf32>,
        %get3A_632 = arith.index_cast %rem3A_269 : i32 to index
        %get3A_633 = arith.index_cast %scan3A_337 : i32 to index
        %get3A_634 = arith.constant 128 : index
        %get3A_635 = tpu.vector_load %arg6[%get3A_632, %get3A_633, %get3A_634] {strides = array<i32>} : memref<5x8x1024xf32, #tpu.memory_space<vmem>>, vector<1x1x16xf32>,
        %get3A_636 = vector.shape_cast %get3A_635 : vector<1x1x16xf32> to vector<16xf32>
        %get3A_637 = arith.index_cast %rem3A_269 : i32 to index
        %get3A_638 = arith.index_cast %scan3A_337 : i32 to index
        %get3A_639 = arith.constant 144 : index
        %get3A_640 = tpu.vector_load %arg6[%get3A_637, %get3A_638, %get3A_639] {strides = array<i32>} : memref<5x8x1024xf32, #tpu.memory_space<vmem>>, vector<1x1x16xf32>,
        %get3A_641 = vector.shape_cast %get3A_640 : vector<1x1x16xf32> to vector<16xf32>
        %get3A_642 = arith.index_cast %rem3A_269 : i32 to index
        %get3A_643 = arith.index_cast %scan3A_337 : i32 to index
        %get3A_644 = arith.constant 160 : index
        %get3A_645 = tpu.vector_load %arg6[%get3A_642, %get3A_643, %get3A_644] {strides = array<i32>} : memref<5x8x1024xf32, #tpu.memory_space<vmem>>, vector<1x1x16xf32>,
        %get3A_646 = vector.shape_cast %get3A_645 : vector<1x1x16xf32> to vector<16xf32>
        %get3A_647 = arith.index_cast %rem3A_269 : i32 to index
        %get3A_648 = arith.index_cast %scan3A_337 : i32 to index
        %get3A_649 = arith.constant 176 : index
        %get3A_650 = tpu.vector_load %arg6[%get3A_647, %get3A_648, %get3A_649] {strides = array<i32>} : memref<5x8x1024xf32, #tpu.memory_space<vmem>>, vector<1x1x16xf32>,
        %get3A_651 = vector.shape_cast %get3A_650 : vector<1x1x16xf32> to vector<16xf32>
        %get3A_652 = arith.index_cast %rem3A_269 : i32 to index
        %get3A_653 = arith.index_cast %scan3A_337 : i32 to index
        %get3A_654 = arith.constant 192 : index
        %get3A_655 = tpu.vector_load %arg6[%get3A_652, %get3A_653, %get3A_654] {strides = array<i32>} : memref<5x8x1024xf32, #tpu.memory_space<vmem>>, vector<1x1x16xf32>,
        %get3A_656 = vector.shape_cast %get3A_655 : vector<1x1x16xf32> to vector<16xf32>
        %get3A_657 = arith.index_cast %rem3A_269 : i32 to index
        %get3A_658 = arith.index_cast %scan3A_337 : i32 to index
        %get3A_659 = arith.constant 208 : index
        %get3A_660 = tpu.vector_load %arg6[%get3A_657, %get3A_658, %get3A_659] {strides = array<i32>} : memref<5x8x1024xf32, #tpu.memory_space<vmem>>, vector<1x1x16xf32>,
        %get3A_661 = vector.shape_cast %get3A_660 : vector<1x1x16xf32> to vector<16xf32>
        %get3A_662 = arith.index_cast %rem3A_269 : i32 to index
        %get3A_663 = arith.index_cast %scan3A_337 : i32 to index
        %get3A_664 = arith.constant 224 : index
        %get3A_665 = tpu.vector_load %arg6[%get3A_662, %get3A_663, %get3A_664] {strides = array<i32>} : memref<5x8x1024xf32, #tpu.memory_space<vmem>>, vector<1x1x16xf32>,
        %get3A_666 = vector.shape_cast %get3A_665 : vector<1x1x16xf32> to vector<16xf32>
        %get3A_667 = arith.index_cast %rem3A_269 : i32 to index
        %get3A_668 = arith.index_cast %scan3A_337 : i32 to index
        %get3A_669 = arith.constant 240 : index
        %get3A_670 = tpu.vector_load %arg6[%get3A_667, %get3A_668, %get3A_669] {strides = array<i32>} : memref<5x8x1024xf32, #tpu.memory_space<vmem>>, vector<1x1x16xf32>,
        %get3A_671 = vector.shape_cast %get3A_670 : vector<1x1x16xf32> to vector<16xf32>
        %get3A_672 = arith.constant 0 : i32
        %get3A_673 = arith.index_cast %rem3A_269 : i32 to index
        %get3A_674 = arith.index_cast %scan3A_337 : i32 to index
        %get3A_675 = arith.index_cast %get3A_672 : i32 to index
        %get3A_676 = arith.constant 128 : index
        %get3A_677 = tpu.vector_load %arg5[%get3A_673, %get3A_674, %get3A_675, %get3A_676] {strides = array<i32>} : memref<5x8x2x1024xf32, #tpu.memory_space<vmem>>, vector<1x1x1x16xf32>,
        %get3A_678 = vector.shape_cast %get3A_677 : vector<1x1x1x16xf32> to vector<16xf32>
        %add3A_679 = arith.addf %get3A_678, %get3A_636 : vector<16xf32>
        %get3A_680 = arith.constant 0 : i32
        %get3A_681 = arith.index_cast %rem3A_269 : i32 to index
        %get3A_682 = arith.index_cast %scan3A_337 : i32 to index
        %get3A_683 = arith.index_cast %get3A_680 : i32 to index
        %get3A_684 = arith.constant 144 : index
        %get3A_685 = tpu.vector_load %arg5[%get3A_681, %get3A_682, %get3A_683, %get3A_684] {strides = array<i32>} : memref<5x8x2x1024xf32, #tpu.memory_space<vmem>>, vector<1x1x1x16xf32>,
        %get3A_686 = vector.shape_cast %get3A_685 : vector<1x1x1x16xf32> to vector<16xf32>
        %add3A_687 = arith.addf %get3A_686, %get3A_641 : vector<16xf32>
        %get3A_688 = arith.constant 0 : i32
        %get3A_689 = arith.index_cast %rem3A_269 : i32 to index
        %get3A_690 = arith.index_cast %scan3A_337 : i32 to index
        %get3A_691 = arith.index_cast %get3A_688 : i32 to index
        %get3A_692 = arith.constant 160 : index
        %get3A_693 = tpu.vector_load %arg5[%get3A_689, %get3A_690, %get3A_691, %get3A_692] {strides = array<i32>} : memref<5x8x2x1024xf32, #tpu.memory_space<vmem>>, vector<1x1x1x16xf32>,
        %get3A_694 = vector.shape_cast %get3A_693 : vector<1x1x1x16xf32> to vector<16xf32>
        %add3A_695 = arith.addf %get3A_694, %get3A_646 : vector<16xf32>
        %get3A_696 = arith.constant 0 : i32
        %get3A_697 = arith.index_cast %rem3A_269 : i32 to index
        %get3A_698 = arith.index_cast %scan3A_337 : i32 to index
        %get3A_699 = arith.index_cast %get3A_696 : i32 to index
        %get3A_700 = arith.constant 176 : index
        %get3A_701 = tpu.vector_load %arg5[%get3A_697, %get3A_698, %get3A_699, %get3A_700] {strides = array<i32>} : memref<5x8x2x1024xf32, #tpu.memory_space<vmem>>, vector<1x1x1x16xf32>,
        %get3A_702 = vector.shape_cast %get3A_701 : vector<1x1x1x16xf32> to vector<16xf32>
        %add3A_703 = arith.addf %get3A_702, %get3A_651 : vector<16xf32>
        %get3A_704 = arith.constant 0 : i32
        %get3A_705 = arith.index_cast %rem3A_269 : i32 to index
        %get3A_706 = arith.index_cast %scan3A_337 : i32 to index
        %get3A_707 = arith.index_cast %get3A_704 : i32 to index
        %get3A_708 = arith.constant 192 : index
        %get3A_709 = tpu.vector_load %arg5[%get3A_705, %get3A_706, %get3A_707, %get3A_708] {strides = array<i32>} : memref<5x8x2x1024xf32, #tpu.memory_space<vmem>>, vector<1x1x1x16xf32>,
        %get3A_710 = vector.shape_cast %get3A_709 : vector<1x1x1x16xf32> to vector<16xf32>
        %add3A_711 = arith.addf %get3A_710, %get3A_656 : vector<16xf32>
        %get3A_712 = arith.constant 0 : i32
        %get3A_713 = arith.index_cast %rem3A_269 : i32 to index
        %get3A_714 = arith.index_cast %scan3A_337 : i32 to index
        %get3A_715 = arith.index_cast %get3A_712 : i32 to index
        %get3A_716 = arith.constant 208 : index
        %get3A_717 = tpu.vector_load %arg5[%get3A_713, %get3A_714, %get3A_715, %get3A_716] {strides = array<i32>} : memref<5x8x2x1024xf32, #tpu.memory_space<vmem>>, vector<1x1x1x16xf32>,
        %get3A_718 = vector.shape_cast %get3A_717 : vector<1x1x1x16xf32> to vector<16xf32>
        %add3A_719 = arith.addf %get3A_718, %get3A_661 : vector<16xf32>
        %get3A_720 = arith.constant 0 : i32
        %get3A_721 = arith.index_cast %rem3A_269 : i32 to index
        %get3A_722 = arith.index_cast %scan3A_337 : i32 to index
        %get3A_723 = arith.index_cast %get3A_720 : i32 to index
        %get3A_724 = arith.constant 224 : index
        %get3A_725 = tpu.vector_load %arg5[%get3A_721, %get3A_722, %get3A_723, %get3A_724] {strides = array<i32>} : memref<5x8x2x1024xf32, #tpu.memory_space<vmem>>, vector<1x1x1x16xf32>,
        %get3A_726 = vector.shape_cast %get3A_725 : vector<1x1x1x16xf32> to vector<16xf32>
        %add3A_727 = arith.addf %get3A_726, %get3A_666 : vector<16xf32>
        %get3A_728 = arith.constant 0 : i32
        %get3A_729 = arith.index_cast %rem3A_269 : i32 to index
        %get3A_730 = arith.index_cast %scan3A_337 : i32 to index
        %get3A_731 = arith.index_cast %get3A_728 : i32 to index
        %get3A_732 = arith.constant 240 : index
        %get3A_733 = tpu.vector_load %arg5[%get3A_729, %get3A_730, %get3A_731, %get3A_732] {strides = array<i32>} : memref<5x8x2x1024xf32, #tpu.memory_space<vmem>>, vector<1x1x1x16xf32>,
        %get3A_734 = vector.shape_cast %get3A_733 : vector<1x1x1x16xf32> to vector<16xf32>
        %add3A_735 = arith.addf %get3A_734, %get3A_671 : vector<16xf32>
        %get3A_736 = arith.constant 1 : i32
        %get3A_737 = arith.index_cast %rem3A_269 : i32 to index
        %get3A_738 = arith.index_cast %scan3A_337 : i32 to index
        %get3A_739 = arith.index_cast %get3A_736 : i32 to index
        %get3A_740 = arith.constant 128 : index
        %get3A_741 = tpu.vector_load %arg5[%get3A_737, %get3A_738, %get3A_739, %get3A_740] {strides = array<i32>} : memref<5x8x2x1024xf32, #tpu.memory_space<vmem>>, vector<1x1x1x16xf32>,
        %get3A_742 = vector.shape_cast %get3A_741 : vector<1x1x1x16xf32> to vector<16xf32>
        %add3A_743 = arith.addf %get3A_742, %get3A_636 : vector<16xf32>
        %get3A_744 = arith.constant 1 : i32
        %get3A_745 = arith.index_cast %rem3A_269 : i32 to index
        %get3A_746 = arith.index_cast %scan3A_337 : i32 to index
        %get3A_747 = arith.index_cast %get3A_744 : i32 to index
        %get3A_748 = arith.constant 144 : index
        %get3A_749 = tpu.vector_load %arg5[%get3A_745, %get3A_746, %get3A_747, %get3A_748] {strides = array<i32>} : memref<5x8x2x1024xf32, #tpu.memory_space<vmem>>, vector<1x1x1x16xf32>,
        %get3A_750 = vector.shape_cast %get3A_749 : vector<1x1x1x16xf32> to vector<16xf32>
        %add3A_751 = arith.addf %get3A_750, %get3A_641 : vector<16xf32>
        %get3A_752 = arith.constant 1 : i32
        %get3A_753 = arith.index_cast %rem3A_269 : i32 to index
        %get3A_754 = arith.index_cast %scan3A_337 : i32 to index
        %get3A_755 = arith.index_cast %get3A_752 : i32 to index
        %get3A_756 = arith.constant 160 : index
        %get3A_757 = tpu.vector_load %arg5[%get3A_753, %get3A_754, %get3A_755, %get3A_756] {strides = array<i32>} : memref<5x8x2x1024xf32, #tpu.memory_space<vmem>>, vector<1x1x1x16xf32>,
        %get3A_758 = vector.shape_cast %get3A_757 : vector<1x1x1x16xf32> to vector<16xf32>
        %add3A_759 = arith.addf %get3A_758, %get3A_646 : vector<16xf32>
        %get3A_760 = arith.constant 1 : i32
        %get3A_761 = arith.index_cast %rem3A_269 : i32 to index
        %get3A_762 = arith.index_cast %scan3A_337 : i32 to index
        %get3A_763 = arith.index_cast %get3A_760 : i32 to index
        %get3A_764 = arith.constant 176 : index
        %get3A_765 = tpu.vector_load %arg5[%get3A_761, %get3A_762, %get3A_763, %get3A_764] {strides = array<i32>} : memref<5x8x2x1024xf32, #tpu.memory_space<vmem>>, vector<1x1x1x16xf32>,
        %get3A_766 = vector.shape_cast %get3A_765 : vector<1x1x1x16xf32> to vector<16xf32>
        %add3A_767 = arith.addf %get3A_766, %get3A_651 : vector<16xf32>
        %get3A_768 = arith.constant 1 : i32
        %get3A_769 = arith.index_cast %rem3A_269 : i32 to index
        %get3A_770 = arith.index_cast %scan3A_337 : i32 to index
        %get3A_771 = arith.index_cast %get3A_768 : i32 to index
        %get3A_772 = arith.constant 192 : index
        %get3A_773 = tpu.vector_load %arg5[%get3A_769, %get3A_770, %get3A_771, %get3A_772] {strides = array<i32>} : memref<5x8x2x1024xf32, #tpu.memory_space<vmem>>, vector<1x1x1x16xf32>,
        %get3A_774 = vector.shape_cast %get3A_773 : vector<1x1x1x16xf32> to vector<16xf32>
        %add3A_775 = arith.addf %get3A_774, %get3A_656 : vector<16xf32>
        %get3A_776 = arith.constant 1 : i32
        %get3A_777 = arith.index_cast %rem3A_269 : i32 to index
        %get3A_778 = arith.index_cast %scan3A_337 : i32 to index
        %get3A_779 = arith.index_cast %get3A_776 : i32 to index
        %get3A_780 = arith.constant 208 : index
        %get3A_781 = tpu.vector_load %arg5[%get3A_777, %get3A_778, %get3A_779, %get3A_780] {strides = array<i32>} : memref<5x8x2x1024xf32, #tpu.memory_space<vmem>>, vector<1x1x1x16xf32>,
        %get3A_782 = vector.shape_cast %get3A_781 : vector<1x1x1x16xf32> to vector<16xf32>
        %add3A_783 = arith.addf %get3A_782, %get3A_661 : vector<16xf32>
        %get3A_784 = arith.constant 1 : i32
        %get3A_785 = arith.index_cast %rem3A_269 : i32 to index
        %get3A_786 = arith.index_cast %scan3A_337 : i32 to index
        %get3A_787 = arith.index_cast %get3A_784 : i32 to index
        %get3A_788 = arith.constant 224 : index
        %get3A_789 = tpu.vector_load %arg5[%get3A_785, %get3A_786, %get3A_787, %get3A_788] {strides = array<i32>} : memref<5x8x2x1024xf32, #tpu.memory_space<vmem>>, vector<1x1x1x16xf32>,
        %get3A_790 = vector.shape_cast %get3A_789 : vector<1x1x1x16xf32> to vector<16xf32>
        %add3A_791 = arith.addf %get3A_790, %get3A_666 : vector<16xf32>
        %get3A_792 = arith.constant 1 : i32
        %get3A_793 = arith.index_cast %rem3A_269 : i32 to index
        %get3A_794 = arith.index_cast %scan3A_337 : i32 to index
        %get3A_795 = arith.index_cast %get3A_792 : i32 to index
        %get3A_796 = arith.constant 240 : index
        %get3A_797 = tpu.vector_load %arg5[%get3A_793, %get3A_794, %get3A_795, %get3A_796] {strides = array<i32>} : memref<5x8x2x1024xf32, #tpu.memory_space<vmem>>, vector<1x1x1x16xf32>,
        %get3A_798 = vector.shape_cast %get3A_797 : vector<1x1x1x16xf32> to vector<16xf32>
        %add3A_799 = arith.addf %get3A_798, %get3A_671 : vector<16xf32>
        %swap3A_800 = arith.constant 0 : i32
        %swap3A_801 = arith.index_cast %rem3A_269 : i32 to index
        %swap3A_802 = arith.index_cast %scan3A_337 : i32 to index
        %swap3A_803 = arith.index_cast %swap3A_800 : i32 to index
        %swap3A_804 = arith.constant 128 : index
        %swap3A_805 = tpu.vector_load %arg5[%swap3A_801, %swap3A_802, %swap3A_803, %swap3A_804] {strides = array<i32>} : memref<5x8x2x1024xf32, #tpu.memory_space<vmem>>, vector<1x1x1x16xf32>,
        %swap3A_806 = vector.shape_cast %swap3A_805 : vector<1x1x1x16xf32> to vector<16xf32>
        %swap3A_807 = vector.shape_cast %add3A_679 : vector<16xf32> to vector<1x1x1x16xf32>
        tpu.vector_store %arg5[%swap3A_801, %swap3A_802, %swap3A_803, %swap3A_804], %swap3A_807 {strides = array<i32>} : memref<5x8x2x1024xf32, #tpu.memory_space<vmem>>, vector<1x1x1x16xf32>,
        %swap3A_808 = arith.constant 0 : i32
        %swap3A_809 = arith.index_cast %rem3A_269 : i32 to index
        %swap3A_810 = arith.index_cast %scan3A_337 : i32 to index
        %swap3A_811 = arith.index_cast %swap3A_808 : i32 to index
        %swap3A_812 = arith.constant 144 : index
        %swap3A_813 = tpu.vector_load %arg5[%swap3A_809, %swap3A_810, %swap3A_811, %swap3A_812] {strides = array<i32>} : memref<5x8x2x1024xf32, #tpu.memory_space<vmem>>, vector<1x1x1x16xf32>,
        %swap3A_814 = vector.shape_cast %swap3A_813 : vector<1x1x1x16xf32> to vector<16xf32>
        %swap3A_815 = vector.shape_cast %add3A_687 : vector<16xf32> to vector<1x1x1x16xf32>
        tpu.vector_store %arg5[%swap3A_809, %swap3A_810, %swap3A_811, %swap3A_812], %swap3A_815 {strides = array<i32>} : memref<5x8x2x1024xf32, #tpu.memory_space<vmem>>, vector<1x1x1x16xf32>,
        %swap3A_816 = arith.constant 0 : i32
        %swap3A_817 = arith.index_cast %rem3A_269 : i32 to index
        %swap3A_818 = arith.index_cast %scan3A_337 : i32 to index
        %swap3A_819 = arith.index_cast %swap3A_816 : i32 to index
        %swap3A_820 = arith.constant 160 : index
        %swap3A_821 = tpu.vector_load %arg5[%swap3A_817, %swap3A_818, %swap3A_819, %swap3A_820] {strides = array<i32>} : memref<5x8x2x1024xf32, #tpu.memory_space<vmem>>, vector<1x1x1x16xf32>,
        %swap3A_822 = vector.shape_cast %swap3A_821 : vector<1x1x1x16xf32> to vector<16xf32>
        %swap3A_823 = vector.shape_cast %add3A_695 : vector<16xf32> to vector<1x1x1x16xf32>
        tpu.vector_store %arg5[%swap3A_817, %swap3A_818, %swap3A_819, %swap3A_820], %swap3A_823 {strides = array<i32>} : memref<5x8x2x1024xf32, #tpu.memory_space<vmem>>, vector<1x1x1x16xf32>,
        %swap3A_824 = arith.constant 0 : i32
        %swap3A_825 = arith.index_cast %rem3A_269 : i32 to index
        %swap3A_826 = arith.index_cast %scan3A_337 : i32 to index
        %swap3A_827 = arith.index_cast %swap3A_824 : i32 to index
        %swap3A_828 = arith.constant 176 : index
        %swap3A_829 = tpu.vector_load %arg5[%swap3A_825, %swap3A_826, %swap3A_827, %swap3A_828] {strides = array<i32>} : memref<5x8x2x1024xf32, #tpu.memory_space<vmem>>, vector<1x1x1x16xf32>,
        %swap3A_830 = vector.shape_cast %swap3A_829 : vector<1x1x1x16xf32> to vector<16xf32>
        %swap3A_831 = vector.shape_cast %add3A_703 : vector<16xf32> to vector<1x1x1x16xf32>
        tpu.vector_store %arg5[%swap3A_825, %swap3A_826, %swap3A_827, %swap3A_828], %swap3A_831 {strides = array<i32>} : memref<5x8x2x1024xf32, #tpu.memory_space<vmem>>, vector<1x1x1x16xf32>,
        %swap3A_832 = arith.constant 0 : i32
        %swap3A_833 = arith.index_cast %rem3A_269 : i32 to index
        %swap3A_834 = arith.index_cast %scan3A_337 : i32 to index
        %swap3A_835 = arith.index_cast %swap3A_832 : i32 to index
        %swap3A_836 = arith.constant 192 : index
        %swap3A_837 = tpu.vector_load %arg5[%swap3A_833, %swap3A_834, %swap3A_835, %swap3A_836] {strides = array<i32>} : memref<5x8x2x1024xf32, #tpu.memory_space<vmem>>, vector<1x1x1x16xf32>,
        %swap3A_838 = vector.shape_cast %swap3A_837 : vector<1x1x1x16xf32> to vector<16xf32>
        %swap3A_839 = vector.shape_cast %add3A_711 : vector<16xf32> to vector<1x1x1x16xf32>
        tpu.vector_store %arg5[%swap3A_833, %swap3A_834, %swap3A_835, %swap3A_836], %swap3A_839 {strides = array<i32>} : memref<5x8x2x1024xf32, #tpu.memory_space<vmem>>, vector<1x1x1x16xf32>,
        %swap3A_840 = arith.constant 0 : i32
        %swap3A_841 = arith.index_cast %rem3A_269 : i32 to index
        %swap3A_842 = arith.index_cast %scan3A_337 : i32 to index
        %swap3A_843 = arith.index_cast %swap3A_840 : i32 to index
        %swap3A_844 = arith.constant 208 : index
        %swap3A_845 = tpu.vector_load %arg5[%swap3A_841, %swap3A_842, %swap3A_843, %swap3A_844] {strides = array<i32>} : memref<5x8x2x1024xf32, #tpu.memory_space<vmem>>, vector<1x1x1x16xf32>,
        %swap3A_846 = vector.shape_cast %swap3A_845 : vector<1x1x1x16xf32> to vector<16xf32>
        %swap3A_847 = vector.shape_cast %add3A_719 : vector<16xf32> to vector<1x1x1x16xf32>
        tpu.vector_store %arg5[%swap3A_841, %swap3A_842, %swap3A_843, %swap3A_844], %swap3A_847 {strides = array<i32>} : memref<5x8x2x1024xf32, #tpu.memory_space<vmem>>, vector<1x1x1x16xf32>,
        %swap3A_848 = arith.constant 0 : i32
        %swap3A_849 = arith.index_cast %rem3A_269 : i32 to index
        %swap3A_850 = arith.index_cast %scan3A_337 : i32 to index
        %swap3A_851 = arith.index_cast %swap3A_848 : i32 to index
        %swap3A_852 = arith.constant 224 : index
        %swap3A_853 = tpu.vector_load %arg5[%swap3A_849, %swap3A_850, %swap3A_851, %swap3A_852] {strides = array<i32>} : memref<5x8x2x1024xf32, #tpu.memory_space<vmem>>, vector<1x1x1x16xf32>,
        %swap3A_854 = vector.shape_cast %swap3A_853 : vector<1x1x1x16xf32> to vector<16xf32>
        %swap3A_855 = vector.shape_cast %add3A_727 : vector<16xf32> to vector<1x1x1x16xf32>
        tpu.vector_store %arg5[%swap3A_849, %swap3A_850, %swap3A_851, %swap3A_852], %swap3A_855 {strides = array<i32>} : memref<5x8x2x1024xf32, #tpu.memory_space<vmem>>, vector<1x1x1x16xf32>,
        %swap3A_856 = arith.constant 0 : i32
        %swap3A_857 = arith.index_cast %rem3A_269 : i32 to index
        %swap3A_858 = arith.index_cast %scan3A_337 : i32 to index
        %swap3A_859 = arith.index_cast %swap3A_856 : i32 to index
        %swap3A_860 = arith.constant 240 : index
        %swap3A_861 = tpu.vector_load %arg5[%swap3A_857, %swap3A_858, %swap3A_859, %swap3A_860] {strides = array<i32>} : memref<5x8x2x1024xf32, #tpu.memory_space<vmem>>, vector<1x1x1x16xf32>,
        %swap3A_862 = vector.shape_cast %swap3A_861 : vector<1x1x1x16xf32> to vector<16xf32>
        %swap3A_863 = vector.shape_cast %add3A_735 : vector<16xf32> to vector<1x1x1x16xf32>
        tpu.vector_store %arg5[%swap3A_857, %swap3A_858, %swap3A_859, %swap3A_860], %swap3A_863 {strides = array<i32>} : memref<5x8x2x1024xf32, #tpu.memory_space<vmem>>, vector<1x1x1x16xf32>,
        %swap3A_864 = arith.constant 1 : i32
        %swap3A_865 = arith.index_cast %rem3A_269 : i32 to index
        %swap3A_866 = arith.index_cast %scan3A_337 : i32 to index
        %swap3A_867 = arith.index_cast %swap3A_864 : i32 to index
        %swap3A_868 = arith.constant 128 : index
        %swap3A_869 = tpu.vector_load %arg5[%swap3A_865, %swap3A_866, %swap3A_867, %swap3A_868] {strides = array<i32>} : memref<5x8x2x1024xf32, #tpu.memory_space<vmem>>, vector<1x1x1x16xf32>,
        %swap3A_870 = vector.shape_cast %swap3A_869 : vector<1x1x1x16xf32> to vector<16xf32>
        %swap3A_871 = vector.shape_cast %add3A_743 : vector<16xf32> to vector<1x1x1x16xf32>
        tpu.vector_store %arg5[%swap3A_865, %swap3A_866, %swap3A_867, %swap3A_868], %swap3A_871 {strides = array<i32>} : memref<5x8x2x1024xf32, #tpu.memory_space<vmem>>, vector<1x1x1x16xf32>,
        %swap3A_872 = arith.constant 1 : i32
        %swap3A_873 = arith.index_cast %rem3A_269 : i32 to index
        %swap3A_874 = arith.index_cast %scan3A_337 : i32 to index
        %swap3A_875 = arith.index_cast %swap3A_872 : i32 to index
        %swap3A_876 = arith.constant 144 : index
        %swap3A_877 = tpu.vector_load %arg5[%swap3A_873, %swap3A_874, %swap3A_875, %swap3A_876] {strides = array<i32>} : memref<5x8x2x1024xf32, #tpu.memory_space<vmem>>, vector<1x1x1x16xf32>,
        %swap3A_878 = vector.shape_cast %swap3A_877 : vector<1x1x1x16xf32> to vector<16xf32>
        %swap3A_879 = vector.shape_cast %add3A_751 : vector<16xf32> to vector<1x1x1x16xf32>
        tpu.vector_store %arg5[%swap3A_873, %swap3A_874, %swap3A_875, %swap3A_876], %swap3A_879 {strides = array<i32>} : memref<5x8x2x1024xf32, #tpu.memory_space<vmem>>, vector<1x1x1x16xf32>,
        %swap3A_880 = arith.constant 1 : i32
        %swap3A_881 = arith.index_cast %rem3A_269 : i32 to index
        %swap3A_882 = arith.index_cast %scan3A_337 : i32 to index
        %swap3A_883 = arith.index_cast %swap3A_880 : i32 to index
        %swap3A_884 = arith.constant 160 : index
        %swap3A_885 = tpu.vector_load %arg5[%swap3A_881, %swap3A_882, %swap3A_883, %swap3A_884] {strides = array<i32>} : memref<5x8x2x1024xf32, #tpu.memory_space<vmem>>, vector<1x1x1x16xf32>,
        %swap3A_886 = vector.shape_cast %swap3A_885 : vector<1x1x1x16xf32> to vector<16xf32>
        %swap3A_887 = vector.shape_cast %add3A_759 : vector<16xf32> to vector<1x1x1x16xf32>
        tpu.vector_store %arg5[%swap3A_881, %swap3A_882, %swap3A_883, %swap3A_884], %swap3A_887 {strides = array<i32>} : memref<5x8x2x1024xf32, #tpu.memory_space<vmem>>, vector<1x1x1x16xf32>,
        %swap3A_888 = arith.constant 1 : i32
        %swap3A_889 = arith.index_cast %rem3A_269 : i32 to index
        %swap3A_890 = arith.index_cast %scan3A_337 : i32 to index
        %swap3A_891 = arith.index_cast %swap3A_888 : i32 to index
        %swap3A_892 = arith.constant 176 : index
        %swap3A_893 = tpu.vector_load %arg5[%swap3A_889, %swap3A_890, %swap3A_891, %swap3A_892] {strides = array<i32>} : memref<5x8x2x1024xf32, #tpu.memory_space<vmem>>, vector<1x1x1x16xf32>,
        %swap3A_894 = vector.shape_cast %swap3A_893 : vector<1x1x1x16xf32> to vector<16xf32>
        %swap3A_895 = vector.shape_cast %add3A_767 : vector<16xf32> to vector<1x1x1x16xf32>
        tpu.vector_store %arg5[%swap3A_889, %swap3A_890, %swap3A_891, %swap3A_892], %swap3A_895 {strides = array<i32>} : memref<5x8x2x1024xf32, #tpu.memory_space<vmem>>, vector<1x1x1x16xf32>,
        %swap3A_896 = arith.constant 1 : i32
        %swap3A_897 = arith.index_cast %rem3A_269 : i32 to index
        %swap3A_898 = arith.index_cast %scan3A_337 : i32 to index
        %swap3A_899 = arith.index_cast %swap3A_896 : i32 to index
        %swap3A_900 = arith.constant 192 : index
        %swap3A_901 = tpu.vector_load %arg5[%swap3A_897, %swap3A_898, %swap3A_899, %swap3A_900] {strides = array<i32>} : memref<5x8x2x1024xf32, #tpu.memory_space<vmem>>, vector<1x1x1x16xf32>,
        %swap3A_902 = vector.shape_cast %swap3A_901 : vector<1x1x1x16xf32> to vector<16xf32>
        %swap3A_903 = vector.shape_cast %add3A_775 : vector<16xf32> to vector<1x1x1x16xf32>
        tpu.vector_store %arg5[%swap3A_897, %swap3A_898, %swap3A_899, %swap3A_900], %swap3A_903 {strides = array<i32>} : memref<5x8x2x1024xf32, #tpu.memory_space<vmem>>, vector<1x1x1x16xf32>,
        %swap3A_904 = arith.constant 1 : i32
        %swap3A_905 = arith.index_cast %rem3A_269 : i32 to index
        %swap3A_906 = arith.index_cast %scan3A_337 : i32 to index
        %swap3A_907 = arith.index_cast %swap3A_904 : i32 to index
        %swap3A_908 = arith.constant 208 : index
        %swap3A_909 = tpu.vector_load %arg5[%swap3A_905, %swap3A_906, %swap3A_907, %swap3A_908] {strides = array<i32>} : memref<5x8x2x1024xf32, #tpu.memory_space<vmem>>, vector<1x1x1x16xf32>,
        %swap3A_910 = vector.shape_cast %swap3A_909 : vector<1x1x1x16xf32> to vector<16xf32>
        %swap3A_911 = vector.shape_cast %add3A_783 : vector<16xf32> to vector<1x1x1x16xf32>
        tpu.vector_store %arg5[%swap3A_905, %swap3A_906, %swap3A_907, %swap3A_908], %swap3A_911 {strides = array<i32>} : memref<5x8x2x1024xf32, #tpu.memory_space<vmem>>, vector<1x1x1x16xf32>,
        %swap3A_912 = arith.constant 1 : i32
        %swap3A_913 = arith.index_cast %rem3A_269 : i32 to index
        %swap3A_914 = arith.index_cast %scan3A_337 : i32 to index
        %swap3A_915 = arith.index_cast %swap3A_912 : i32 to index
        %swap3A_916 = arith.constant 224 : index
        %swap3A_917 = tpu.vector_load %arg5[%swap3A_913, %swap3A_914, %swap3A_915, %swap3A_916] {strides = array<i32>} : memref<5x8x2x1024xf32, #tpu.memory_space<vmem>>, vector<1x1x1x16xf32>,
        %swap3A_918 = vector.shape_cast %swap3A_917 : vector<1x1x1x16xf32> to vector<16xf32>
        %swap3A_919 = vector.shape_cast %add3A_791 : vector<16xf32> to vector<1x1x1x16xf32>
        tpu.vector_store %arg5[%swap3A_913, %swap3A_914, %swap3A_915, %swap3A_916], %swap3A_919 {strides = array<i32>} : memref<5x8x2x1024xf32, #tpu.memory_space<vmem>>, vector<1x1x1x16xf32>,
        %swap3A_920 = arith.constant 1 : i32
        %swap3A_921 = arith.index_cast %rem3A_269 : i32 to index
        %swap3A_922 = arith.index_cast %scan3A_337 : i32 to index
        %swap3A_923 = arith.index_cast %swap3A_920 : i32 to index
        %swap3A_924 = arith.constant 240 : index
        %swap3A_925 = tpu.vector_load %arg5[%swap3A_921, %swap3A_922, %swap3A_923, %swap3A_924] {strides = array<i32>} : memref<5x8x2x1024xf32, #tpu.memory_space<vmem>>, vector<1x1x1x16xf32>,
        %swap3A_926 = vector.shape_cast %swap3A_925 : vector<1x1x1x16xf32> to vector<16xf32>
        %swap3A_927 = vector.shape_cast %add3A_799 : vector<16xf32> to vector<1x1x1x16xf32>
        tpu.vector_store %arg5[%swap3A_921, %swap3A_922, %swap3A_923, %swap3A_924], %swap3A_927 {strides = array<i32>} : memref<5x8x2x1024xf32, #tpu.memory_space<vmem>>, vector<1x1x1x16xf32>,
        %get3A_928 = arith.index_cast %rem3A_269 : i32 to index
        %get3A_929 = arith.index_cast %scan3A_337 : i32 to index
        %get3A_930 = arith.constant 256 : index
        %get3A_931 = tpu.vector_load %arg6[%get3A_928, %get3A_929, %get3A_930] {strides = array<i32>} : memref<5x8x1024xf32, #tpu.memory_space<vmem>>, vector<1x1x16xf32>,
        %get3A_932 = vector.shape_cast %get3A_931 : vector<1x1x16xf32> to vector<16xf32>
        %get3A_933 = arith.index_cast %rem3A_269 : i32 to index
        %get3A_934 = arith.index_cast %scan3A_337 : i32 to index
        %get3A_935 = arith.constant 272 : index
        %get3A_936 = tpu.vector_load %arg6[%get3A_933, %get3A_934, %get3A_935] {strides = array<i32>} : memref<5x8x1024xf32, #tpu.memory_space<vmem>>, vector<1x1x16xf32>,
        %get3A_937 = vector.shape_cast %get3A_936 : vector<1x1x16xf32> to vector<16xf32>
        %get3A_938 = arith.index_cast %rem3A_269 : i32 to index
        %get3A_939 = arith.index_cast %scan3A_337 : i32 to index
        %get3A_940 = arith.constant 288 : index
        %get3A_941 = tpu.vector_load %arg6[%get3A_938, %get3A_939, %get3A_940] {strides = array<i32>} : memref<5x8x1024xf32, #tpu.memory_space<vmem>>, vector<1x1x16xf32>,
        %get3A_942 = vector.shape_cast %get3A_941 : vector<1x1x16xf32> to vector<16xf32>
        %get3A_943 = arith.index_cast %rem3A_269 : i32 to index
        %get3A_944 = arith.index_cast %scan3A_337 : i32 to index
        %get3A_945 = arith.constant 304 : index
        %get3A_946 = tpu.vector_load %arg6[%get3A_943, %get3A_944, %get3A_945] {strides = array<i32>} : memref<5x8x1024xf32, #tpu.memory_space<vmem>>, vector<1x1x16xf32>,
        %get3A_947 = vector.shape_cast %get3A_946 : vector<1x1x16xf32> to vector<16xf32>
        %get3A_948 = arith.index_cast %rem3A_269 : i32 to index
        %get3A_949 = arith.index_cast %scan3A_337 : i32 to index
        %get3A_950 = arith.constant 320 : index
        %get3A_951 = tpu.vector_load %arg6[%get3A_948, %get3A_949, %get3A_950] {strides = array<i32>} : memref<5x8x1024xf32, #tpu.memory_space<vmem>>, vector<1x1x16xf32>,
        %get3A_952 = vector.shape_cast %get3A_951 : vector<1x1x16xf32> to vector<16xf32>
        %get3A_953 = arith.index_cast %rem3A_269 : i32 to index
        %get3A_954 = arith.index_cast %scan3A_337 : i32 to index
        %get3A_955 = arith.constant 336 : index
        %get3A_956 = tpu.vector_load %arg6[%get3A_953, %get3A_954, %get3A_955] {strides = array<i32>} : memref<5x8x1024xf32, #tpu.memory_space<vmem>>, vector<1x1x16xf32>,
        %get3A_957 = vector.shape_cast %get3A_956 : vector<1x1x16xf32> to vector<16xf32>
        %get3A_958 = arith.index_cast %rem3A_269 : i32 to index
        %get3A_959 = arith.index_cast %scan3A_337 : i32 to index
        %get3A_960 = arith.constant 352 : index
        %get3A_961 = tpu.vector_load %arg6[%get3A_958, %get3A_959, %get3A_960] {strides = array<i32>} : memref<5x8x1024xf32, #tpu.memory_space<vmem>>, vector<1x1x16xf32>,
        %get3A_962 = vector.shape_cast %get3A_961 : vector<1x1x16xf32> to vector<16xf32>
        %get3A_963 = arith.index_cast %rem3A_269 : i32 to index
        %get3A_964 = arith.index_cast %scan3A_337 : i32 to index
        %get3A_965 = arith.constant 368 : index
        %get3A_966 = tpu.vector_load %arg6[%get3A_963, %get3A_964, %get3A_965] {strides = array<i32>} : memref<5x8x1024xf32, #tpu.memory_space<vmem>>, vector<1x1x16xf32>,
        %get3A_967 = vector.shape_cast %get3A_966 : vector<1x1x16xf32> to vector<16xf32>
        %get3A_968 = arith.constant 0 : i32
        %get3A_969 = arith.index_cast %rem3A_269 : i32 to index
        %get3A_970 = arith.index_cast %scan3A_337 : i32 to index
        %get3A_971 = arith.index_cast %get3A_968 : i32 to index
        %get3A_972 = arith.constant 256 : index
        %get3A_973 = tpu.vector_load %arg5[%get3A_969, %get3A_970, %get3A_971, %get3A_972] {strides = array<i32>} : memref<5x8x2x1024xf32, #tpu.memory_space<vmem>>, vector<1x1x1x16xf32>,
        %get3A_974 = vector.shape_cast %get3A_973 : vector<1x1x1x16xf32> to vector<16xf32>
        %add3A_975 = arith.addf %get3A_974, %get3A_932 : vector<16xf32>
        %get3A_976 = arith.constant 0 : i32
        %get3A_977 = arith.index_cast %rem3A_269 : i32 to index
        %get3A_978 = arith.index_cast %scan3A_337 : i32 to index
        %get3A_979 = arith.index_cast %get3A_976 : i32 to index
        %get3A_980 = arith.constant 272 : index
        %get3A_981 = tpu.vector_load %arg5[%get3A_977, %get3A_978, %get3A_979, %get3A_980] {strides = array<i32>} : memref<5x8x2x1024xf32, #tpu.memory_space<vmem>>, vector<1x1x1x16xf32>,
        %get3A_982 = vector.shape_cast %get3A_981 : vector<1x1x1x16xf32> to vector<16xf32>
        %add3A_983 = arith.addf %get3A_982, %get3A_937 : vector<16xf32>
        %get3A_984 = arith.constant 0 : i32
        %get3A_985 = arith.index_cast %rem3A_269 : i32 to index
        %get3A_986 = arith.index_cast %scan3A_337 : i32 to index
        %get3A_987 = arith.index_cast %get3A_984 : i32 to index
        %get3A_988 = arith.constant 288 : index
        %get3A_989 = tpu.vector_load %arg5[%get3A_985, %get3A_986, %get3A_987, %get3A_988] {strides = array<i32>} : memref<5x8x2x1024xf32, #tpu.memory_space<vmem>>, vector<1x1x1x16xf32>,
        %get3A_990 = vector.shape_cast %get3A_989 : vector<1x1x1x16xf32> to vector<16xf32>
        %add3A_991 = arith.addf %get3A_990, %get3A_942 : vector<16xf32>
        %get3A_992 = arith.constant 0 : i32
        %get3A_993 = arith.index_cast %rem3A_269 : i32 to index
        %get3A_994 = arith.index_cast %scan3A_337 : i32 to index
        %get3A_995 = arith.index_cast %get3A_992 : i32 to index
        %get3A_996 = arith.constant 304 : index
        %get3A_997 = tpu.vector_load %arg5[%get3A_993, %get3A_994, %get3A_995, %get3A_996] {strides = array<i32>} : memref<5x8x2x1024xf32, #tpu.memory_space<vmem>>, vector<1x1x1x16xf32>,
        %get3A_998 = vector.shape_cast %get3A_997 : vector<1x1x1x16xf32> to vector<16xf32>
        %add3A_999 = arith.addf %get3A_998, %get3A_947 : vector<16xf32>
        %get3A_1000 = arith.constant 0 : i32
        %get3A_1001 = arith.index_cast %rem3A_269 : i32 to index
        %get3A_1002 = arith.index_cast %scan3A_337 : i32 to index
        %get3A_1003 = arith.index_cast %get3A_1000 : i32 to index
        %get3A_1004 = arith.constant 320 : index
        %get3A_1005 = tpu.vector_load %arg5[%get3A_1001, %get3A_1002, %get3A_1003, %get3A_1004] {strides = array<i32>} : memref<5x8x2x1024xf32, #tpu.memory_space<vmem>>, vector<1x1x1x16xf32>,
        %get3A_1006 = vector.shape_cast %get3A_1005 : vector<1x1x1x16xf32> to vector<16xf32>
        %add3A_1007 = arith.addf %get3A_1006, %get3A_952 : vector<16xf32>
        %get3A_1008 = arith.constant 0 : i32
        %get3A_1009 = arith.index_cast %rem3A_269 : i32 to index
        %get3A_1010 = arith.index_cast %scan3A_337 : i32 to index
        %get3A_1011 = arith.index_cast %get3A_1008 : i32 to index
        %get3A_1012 = arith.constant 336 : index
        %get3A_1013 = tpu.vector_load %arg5[%get3A_1009, %get3A_1010, %get3A_1011, %get3A_1012] {strides = array<i32>} : memref<5x8x2x1024xf32, #tpu.memory_space<vmem>>, vector<1x1x1x16xf32>,
        %get3A_1014 = vector.shape_cast %get3A_1013 : vector<1x1x1x16xf32> to vector<16xf32>
        %add3A_1015 = arith.addf %get3A_1014, %get3A_957 : vector<16xf32>
        %get3A_1016 = arith.constant 0 : i32
        %get3A_1017 = arith.index_cast %rem3A_269 : i32 to index
        %get3A_1018 = arith.index_cast %scan3A_337 : i32 to index
        %get3A_1019 = arith.index_cast %get3A_1016 : i32 to index
        %get3A_1020 = arith.constant 352 : index
        %get3A_1021 = tpu.vector_load %arg5[%get3A_1017, %get3A_1018, %get3A_1019, %get3A_1020] {strides = array<i32>} : memref<5x8x2x1024xf32, #tpu.memory_space<vmem>>, vector<1x1x1x16xf32>,
        %get3A_1022 = vector.shape_cast %get3A_1021 : vector<1x1x1x16xf32> to vector<16xf32>
        %add3A_1023 = arith.addf %get3A_1022, %get3A_962 : vector<16xf32>
        %get3A_1024 = arith.constant 0 : i32
        %get3A_1025 = arith.index_cast %rem3A_269 : i32 to index
        %get3A_1026 = arith.index_cast %scan3A_337 : i32 to index
        %get3A_1027 = arith.index_cast %get3A_1024 : i32 to index
        %get3A_1028 = arith.constant 368 : index
        %get3A_1029 = tpu.vector_load %arg5[%get3A_1025, %get3A_1026, %get3A_1027, %get3A_1028] {strides = array<i32>} : memref<5x8x2x1024xf32, #tpu.memory_space<vmem>>, vector<1x1x1x16xf32>,
        %get3A_1030 = vector.shape_cast %get3A_1029 : vector<1x1x1x16xf32> to vector<16xf32>
        %add3A_1031 = arith.addf %get3A_1030, %get3A_967 : vector<16xf32>
        %get3A_1032 = arith.constant 1 : i32
        %get3A_1033 = arith.index_cast %rem3A_269 : i32 to index
        %get3A_1034 = arith.index_cast %scan3A_337 : i32 to index
        %get3A_1035 = arith.index_cast %get3A_1032 : i32 to index
        %get3A_1036 = arith.constant 256 : index
        %get3A_1037 = tpu.vector_load %arg5[%get3A_1033, %get3A_1034, %get3A_1035, %get3A_1036] {strides = array<i32>} : memref<5x8x2x1024xf32, #tpu.memory_space<vmem>>, vector<1x1x1x16xf32>,
        %get3A_1038 = vector.shape_cast %get3A_1037 : vector<1x1x1x16xf32> to vector<16xf32>
        %add3A_1039 = arith.addf %get3A_1038, %get3A_932 : vector<16xf32>
        %get3A_1040 = arith.constant 1 : i32
        %get3A_1041 = arith.index_cast %rem3A_269 : i32 to index
        %get3A_1042 = arith.index_cast %scan3A_337 : i32 to index
        %get3A_1043 = arith.index_cast %get3A_1040 : i32 to index
        %get3A_1044 = arith.constant 272 : index
        %get3A_1045 = tpu.vector_load %arg5[%get3A_1041, %get3A_1042, %get3A_1043, %get3A_1044] {strides = array<i32>} : memref<5x8x2x1024xf32, #tpu.memory_space<vmem>>, vector<1x1x1x16xf32>,
        %get3A_1046 = vector.shape_cast %get3A_1045 : vector<1x1x1x16xf32> to vector<16xf32>
        %add3A_1047 = arith.addf %get3A_1046, %get3A_937 : vector<16xf32>
        %get3A_1048 = arith.constant 1 : i32
        %get3A_1049 = arith.index_cast %rem3A_269 : i32 to index
        %get3A_1050 = arith.index_cast %scan3A_337 : i32 to index
        %get3A_1051 = arith.index_cast %get3A_1048 : i32 to index
        %get3A_1052 = arith.constant 288 : index
        %get3A_1053 = tpu.vector_load %arg5[%get3A_1049, %get3A_1050, %get3A_1051, %get3A_1052] {strides = array<i32>} : memref<5x8x2x1024xf32, #tpu.memory_space<vmem>>, vector<1x1x1x16xf32>,
        %get3A_1054 = vector.shape_cast %get3A_1053 : vector<1x1x1x16xf32> to vector<16xf32>
        %add3A_1055 = arith.addf %get3A_1054, %get3A_942 : vector<16xf32>
        %get3A_1056 = arith.constant 1 : i32
        %get3A_1057 = arith.index_cast %rem3A_269 : i32 to index
        %get3A_1058 = arith.index_cast %scan3A_337 : i32 to index
        %get3A_1059 = arith.index_cast %get3A_1056 : i32 to index
        %get3A_1060 = arith.constant 304 : index
        %get3A_1061 = tpu.vector_load %arg5[%get3A_1057, %get3A_1058, %get3A_1059, %get3A_1060] {strides = array<i32>} : memref<5x8x2x1024xf32, #tpu.memory_space<vmem>>, vector<1x1x1x16xf32>,
        %get3A_1062 = vector.shape_cast %get3A_1061 : vector<1x1x1x16xf32> to vector<16xf32>
        %add3A_1063 = arith.addf %get3A_1062, %get3A_947 : vector<16xf32>
        %get3A_1064 = arith.constant 1 : i32
        %get3A_1065 = arith.index_cast %rem3A_269 : i32 to index
        %get3A_1066 = arith.index_cast %scan3A_337 : i32 to index
        %get3A_1067 = arith.index_cast %get3A_1064 : i32 to index
        %get3A_1068 = arith.constant 320 : index
        %get3A_1069 = tpu.vector_load %arg5[%get3A_1065, %get3A_1066, %get3A_1067, %get3A_1068] {strides = array<i32>} : memref<5x8x2x1024xf32, #tpu.memory_space<vmem>>, vector<1x1x1x16xf32>,
        %get3A_1070 = vector.shape_cast %get3A_1069 : vector<1x1x1x16xf32> to vector<16xf32>
        %add3A_1071 = arith.addf %get3A_1070, %get3A_952 : vector<16xf32>
        %get3A_1072 = arith.constant 1 : i32
        %get3A_1073 = arith.index_cast %rem3A_269 : i32 to index
        %get3A_1074 = arith.index_cast %scan3A_337 : i32 to index
        %get3A_1075 = arith.index_cast %get3A_1072 : i32 to index
        %get3A_1076 = arith.constant 336 : index
        %get3A_1077 = tpu.vector_load %arg5[%get3A_1073, %get3A_1074, %get3A_1075, %get3A_1076] {strides = array<i32>} : memref<5x8x2x1024xf32, #tpu.memory_space<vmem>>, vector<1x1x1x16xf32>,
        %get3A_1078 = vector.shape_cast %get3A_1077 : vector<1x1x1x16xf32> to vector<16xf32>
        %add3A_1079 = arith.addf %get3A_1078, %get3A_957 : vector<16xf32>
        %get3A_1080 = arith.constant 1 : i32
        %get3A_1081 = arith.index_cast %rem3A_269 : i32 to index
        %get3A_1082 = arith.index_cast %scan3A_337 : i32 to index
        %get3A_1083 = arith.index_cast %get3A_1080 : i32 to index
        %get3A_1084 = arith.constant 352 : index
        %get3A_1085 = tpu.vector_load %arg5[%get3A_1081, %get3A_1082, %get3A_1083, %get3A_1084] {strides = array<i32>} : memref<5x8x2x1024xf32, #tpu.memory_space<vmem>>, vector<1x1x1x16xf32>,
        %get3A_1086 = vector.shape_cast %get3A_1085 : vector<1x1x1x16xf32> to vector<16xf32>
        %add3A_1087 = arith.addf %get3A_1086, %get3A_962 : vector<16xf32>
        %get3A_1088 = arith.constant 1 : i32
        %get3A_1089 = arith.index_cast %rem3A_269 : i32 to index
        %get3A_1090 = arith.index_cast %scan3A_337 : i32 to index
        %get3A_1091 = arith.index_cast %get3A_1088 : i32 to index
        %get3A_1092 = arith.constant 368 : index
        %get3A_1093 = tpu.vector_load %arg5[%get3A_1089, %get3A_1090, %get3A_1091, %get3A_1092] {strides = array<i32>} : memref<5x8x2x1024xf32, #tpu.memory_space<vmem>>, vector<1x1x1x16xf32>,
        %get3A_1094 = vector.shape_cast %get3A_1093 : vector<1x1x1x16xf32> to vector<16xf32>
        %add3A_1095 = arith.addf %get3A_1094, %get3A_967 : vector<16xf32>
        %swap3A_1096 = arith.constant 0 : i32
        %swap3A_1097 = arith.index_cast %rem3A_269 : i32 to index
        %swap3A_1098 = arith.index_cast %scan3A_337 : i32 to index
        %swap3A_1099 = arith.index_cast %swap3A_1096 : i32 to index
        %swap3A_1100 = arith.constant 256 : index
        %swap3A_1101 = tpu.vector_load %arg5[%swap3A_1097, %swap3A_1098, %swap3A_1099, %swap3A_1100] {strides = array<i32>} : memref<5x8x2x1024xf32, #tpu.memory_space<vmem>>, vector<1x1x1x16xf32>,
        %swap3A_1102 = vector.shape_cast %swap3A_1101 : vector<1x1x1x16xf32> to vector<16xf32>
        %swap3A_1103 = vector.shape_cast %add3A_975 : vector<16xf32> to vector<1x1x1x16xf32>
        tpu.vector_store %arg5[%swap3A_1097, %swap3A_1098, %swap3A_1099, %swap3A_1100], %swap3A_1103 {strides = array<i32>} : memref<5x8x2x1024xf32, #tpu.memory_space<vmem>>, vector<1x1x1x16xf32>,
        %swap3A_1104 = arith.constant 0 : i32
        %swap3A_1105 = arith.index_cast %rem3A_269 : i32 to index
        %swap3A_1106 = arith.index_cast %scan3A_337 : i32 to index
        %swap3A_1107 = arith.index_cast %swap3A_1104 : i32 to index
        %swap3A_1108 = arith.constant 272 : index
        %swap3A_1109 = tpu.vector_load %arg5[%swap3A_1105, %swap3A_1106, %swap3A_1107, %swap3A_1108] {strides = array<i32>} : memref<5x8x2x1024xf32, #tpu.memory_space<vmem>>, vector<1x1x1x16xf32>,
        %swap3A_1110 = vector.shape_cast %swap3A_1109 : vector<1x1x1x16xf32> to vector<16xf32>
        %swap3A_1111 = vector.shape_cast %add3A_983 : vector<16xf32> to vector<1x1x1x16xf32>
        tpu.vector_store %arg5[%swap3A_1105, %swap3A_1106, %swap3A_1107, %swap3A_1108], %swap3A_1111 {strides = array<i32>} : memref<5x8x2x1024xf32, #tpu.memory_space<vmem>>, vector<1x1x1x16xf32>,
        %swap3A_1112 = arith.constant 0 : i32
        %swap3A_1113 = arith.index_cast %rem3A_269 : i32 to index
        %swap3A_1114 = arith.index_cast %scan3A_337 : i32 to index
        %swap3A_1115 = arith.index_cast %swap3A_1112 : i32 to index
        %swap3A_1116 = arith.constant 288 : index
        %swap3A_1117 = tpu.vector_load %arg5[%swap3A_1113, %swap3A_1114, %swap3A_1115, %swap3A_1116] {strides = array<i32>} : memref<5x8x2x1024xf32, #tpu.memory_space<vmem>>, vector<1x1x1x16xf32>,
        %swap3A_1118 = vector.shape_cast %swap3A_1117 : vector<1x1x1x16xf32> to vector<16xf32>
        %swap3A_1119 = vector.shape_cast %add3A_991 : vector<16xf32> to vector<1x1x1x16xf32>
        tpu.vector_store %arg5[%swap3A_1113, %swap3A_1114, %swap3A_1115, %swap3A_1116], %swap3A_1119 {strides = array<i32>} : memref<5x8x2x1024xf32, #tpu.memory_space<vmem>>, vector<1x1x1x16xf32>,
        %swap3A_1120 = arith.constant 0 : i32
        %swap3A_1121 = arith.index_cast %rem3A_269 : i32 to index
        %swap3A_1122 = arith.index_cast %scan3A_337 : i32 to index
        %swap3A_1123 = arith.index_cast %swap3A_1120 : i32 to index
        %swap3A_1124 = arith.constant 304 : index
        %swap3A_1125 = tpu.vector_load %arg5[%swap3A_1121, %swap3A_1122, %swap3A_1123, %swap3A_1124] {strides = array<i32>} : memref<5x8x2x1024xf32, #tpu.memory_space<vmem>>, vector<1x1x1x16xf32>,
        %swap3A_1126 = vector.shape_cast %swap3A_1125 : vector<1x1x1x16xf32> to vector<16xf32>
        %swap3A_1127 = vector.shape_cast %add3A_999 : vector<16xf32> to vector<1x1x1x16xf32>
        tpu.vector_store %arg5[%swap3A_1121, %swap3A_1122, %swap3A_1123, %swap3A_1124], %swap3A_1127 {strides = array<i32>} : memref<5x8x2x1024xf32, #tpu.memory_space<vmem>>, vector<1x1x1x16xf32>,
        %swap3A_1128 = arith.constant 0 : i32
        %swap3A_1129 = arith.index_cast %rem3A_269 : i32 to index
        %swap3A_1130 = arith.index_cast %scan3A_337 : i32 to index
        %swap3A_1131 = arith.index_cast %swap3A_1128 : i32 to index
        %swap3A_1132 = arith.constant 320 : index
        %swap3A_1133 = tpu.vector_load %arg5[%swap3A_1129, %swap3A_1130, %swap3A_1131, %swap3A_1132] {strides = array<i32>} : memref<5x8x2x1024xf32, #tpu.memory_space<vmem>>, vector<1x1x1x16xf32>,
        %swap3A_1134 = vector.shape_cast %swap3A_1133 : vector<1x1x1x16xf32> to vector<16xf32>
        %swap3A_1135 = vector.shape_cast %add3A_1007 : vector<16xf32> to vector<1x1x1x16xf32>
        tpu.vector_store %arg5[%swap3A_1129, %swap3A_1130, %swap3A_1131, %swap3A_1132], %swap3A_1135 {strides = array<i32>} : memref<5x8x2x1024xf32, #tpu.memory_space<vmem>>, vector<1x1x1x16xf32>,
        %swap3A_1136 = arith.constant 0 : i32
        %swap3A_1137 = arith.index_cast %rem3A_269 : i32 to index
        %swap3A_1138 = arith.index_cast %scan3A_337 : i32 to index
        %swap3A_1139 = arith.index_cast %swap3A_1136 : i32 to index
        %swap3A_1140 = arith.constant 336 : index
        %swap3A_1141 = tpu.vector_load %arg5[%swap3A_1137, %swap3A_1138, %swap3A_1139, %swap3A_1140] {strides = array<i32>} : memref<5x8x2x1024xf32, #tpu.memory_space<vmem>>, vector<1x1x1x16xf32>,
        %swap3A_1142 = vector.shape_cast %swap3A_1141 : vector<1x1x1x16xf32> to vector<16xf32>
        %swap3A_1143 = vector.shape_cast %add3A_1015 : vector<16xf32> to vector<1x1x1x16xf32>
        tpu.vector_store %arg5[%swap3A_1137, %swap3A_1138, %swap3A_1139, %swap3A_1140], %swap3A_1143 {strides = array<i32>} : memref<5x8x2x1024xf32, #tpu.memory_space<vmem>>, vector<1x1x1x16xf32>,
        %swap3A_1144 = arith.constant 0 : i32
        %swap3A_1145 = arith.index_cast %rem3A_269 : i32 to index
        %swap3A_1146 = arith.index_cast %scan3A_337 : i32 to index
        %swap3A_1147 = arith.index_cast %swap3A_1144 : i32 to index
        %swap3A_1148 = arith.constant 352 : index
        %swap3A_1149 = tpu.vector_load %arg5[%swap3A_1145, %swap3A_1146, %swap3A_1147, %swap3A_1148] {strides = array<i32>} : memref<5x8x2x1024xf32, #tpu.memory_space<vmem>>, vector<1x1x1x16xf32>,
        %swap3A_1150 = vector.shape_cast %swap3A_1149 : vector<1x1x1x16xf32> to vector<16xf32>
        %swap3A_1151 = vector.shape_cast %add3A_1023 : vector<16xf32> to vector<1x1x1x16xf32>
        tpu.vector_store %arg5[%swap3A_1145, %swap3A_1146, %swap3A_1147, %swap3A_1148], %swap3A_1151 {strides = array<i32>} : memref<5x8x2x1024xf32, #tpu.memory_space<vmem>>, vector<1x1x1x16xf32>,
        %swap3A_1152 = arith.constant 0 : i32
        %swap3A_1153 = arith.index_cast %rem3A_269 : i32 to index
        %swap3A_1154 = arith.index_cast %scan3A_337 : i32 to index
        %swap3A_1155 = arith.index_cast %swap3A_1152 : i32 to index
        %swap3A_1156 = arith.constant 368 : index
        %swap3A_1157 = tpu.vector_load %arg5[%swap3A_1153, %swap3A_1154, %swap3A_1155, %swap3A_1156] {strides = array<i32>} : memref<5x8x2x1024xf32, #tpu.memory_space<vmem>>, vector<1x1x1x16xf32>,
        %swap3A_1158 = vector.shape_cast %swap3A_1157 : vector<1x1x1x16xf32> to vector<16xf32>
        %swap3A_1159 = vector.shape_cast %add3A_1031 : vector<16xf32> to vector<1x1x1x16xf32>
        tpu.vector_store %arg5[%swap3A_1153, %swap3A_1154, %swap3A_1155, %swap3A_1156], %swap3A_1159 {strides = array<i32>} : memref<5x8x2x1024xf32, #tpu.memory_space<vmem>>, vector<1x1x1x16xf32>,
        %swap3A_1160 = arith.constant 1 : i32
        %swap3A_1161 = arith.index_cast %rem3A_269 : i32 to index
        %swap3A_1162 = arith.index_cast %scan3A_337 : i32 to index
        %swap3A_1163 = arith.index_cast %swap3A_1160 : i32 to index
        %swap3A_1164 = arith.constant 256 : index
        %swap3A_1165 = tpu.vector_load %arg5[%swap3A_1161, %swap3A_1162, %swap3A_1163, %swap3A_1164] {strides = array<i32>} : memref<5x8x2x1024xf32, #tpu.memory_space<vmem>>, vector<1x1x1x16xf32>,
        %swap3A_1166 = vector.shape_cast %swap3A_1165 : vector<1x1x1x16xf32> to vector<16xf32>
        %swap3A_1167 = vector.shape_cast %add3A_1039 : vector<16xf32> to vector<1x1x1x16xf32>
        tpu.vector_store %arg5[%swap3A_1161, %swap3A_1162, %swap3A_1163, %swap3A_1164], %swap3A_1167 {strides = array<i32>} : memref<5x8x2x1024xf32, #tpu.memory_space<vmem>>, vector<1x1x1x16xf32>,
        %swap3A_1168 = arith.constant 1 : i32
        %swap3A_1169 = arith.index_cast %rem3A_269 : i32 to index
        %swap3A_1170 = arith.index_cast %scan3A_337 : i32 to index
        %swap3A_1171 = arith.index_cast %swap3A_1168 : i32 to index
        %swap3A_1172 = arith.constant 272 : index
        %swap3A_1173 = tpu.vector_load %arg5[%swap3A_1169, %swap3A_1170, %swap3A_1171, %swap3A_1172] {strides = array<i32>} : memref<5x8x2x1024xf32, #tpu.memory_space<vmem>>, vector<1x1x1x16xf32>,
        %swap3A_1174 = vector.shape_cast %swap3A_1173 : vector<1x1x1x16xf32> to vector<16xf32>
        %swap3A_1175 = vector.shape_cast %add3A_1047 : vector<16xf32> to vector<1x1x1x16xf32>
        tpu.vector_store %arg5[%swap3A_1169, %swap3A_1170, %swap3A_1171, %swap3A_1172], %swap3A_1175 {strides = array<i32>} : memref<5x8x2x1024xf32, #tpu.memory_space<vmem>>, vector<1x1x1x16xf32>,
        %swap3A_1176 = arith.constant 1 : i32
        %swap3A_1177 = arith.index_cast %rem3A_269 : i32 to index
        %swap3A_1178 = arith.index_cast %scan3A_337 : i32 to index
        %swap3A_1179 = arith.index_cast %swap3A_1176 : i32 to index
        %swap3A_1180 = arith.constant 288 : index
        %swap3A_1181 = tpu.vector_load %arg5[%swap3A_1177, %swap3A_1178, %swap3A_1179, %swap3A_1180] {strides = array<i32>} : memref<5x8x2x1024xf32, #tpu.memory_space<vmem>>, vector<1x1x1x16xf32>,
        %swap3A_1182 = vector.shape_cast %swap3A_1181 : vector<1x1x1x16xf32> to vector<16xf32>
        %swap3A_1183 = vector.shape_cast %add3A_1055 : vector<16xf32> to vector<1x1x1x16xf32>
        tpu.vector_store %arg5[%swap3A_1177, %swap3A_1178, %swap3A_1179, %swap3A_1180], %swap3A_1183 {strides = array<i32>} : memref<5x8x2x1024xf32, #tpu.memory_space<vmem>>, vector<1x1x1x16xf32>,
        %swap3A_1184 = arith.constant 1 : i32
        %swap3A_1185 = arith.index_cast %rem3A_269 : i32 to index
        %swap3A_1186 = arith.index_cast %scan3A_337 : i32 to index
        %swap3A_1187 = arith.index_cast %swap3A_1184 : i32 to index
        %swap3A_1188 = arith.constant 304 : index
        %swap3A_1189 = tpu.vector_load %arg5[%swap3A_1185, %swap3A_1186, %swap3A_1187, %swap3A_1188] {strides = array<i32>} : memref<5x8x2x1024xf32, #tpu.memory_space<vmem>>, vector<1x1x1x16xf32>,
        %swap3A_1190 = vector.shape_cast %swap3A_1189 : vector<1x1x1x16xf32> to vector<16xf32>
        %swap3A_1191 = vector.shape_cast %add3A_1063 : vector<16xf32> to vector<1x1x1x16xf32>
        tpu.vector_store %arg5[%swap3A_1185, %swap3A_1186, %swap3A_1187, %swap3A_1188], %swap3A_1191 {strides = array<i32>} : memref<5x8x2x1024xf32, #tpu.memory_space<vmem>>, vector<1x1x1x16xf32>,
        %swap3A_1192 = arith.constant 1 : i32
        %swap3A_1193 = arith.index_cast %rem3A_269 : i32 to index
        %swap3A_1194 = arith.index_cast %scan3A_337 : i32 to index
        %swap3A_1195 = arith.index_cast %swap3A_1192 : i32 to index
        %swap3A_1196 = arith.constant 320 : index
        %swap3A_1197 = tpu.vector_load %arg5[%swap3A_1193, %swap3A_1194, %swap3A_1195, %swap3A_1196] {strides = array<i32>} : memref<5x8x2x1024xf32, #tpu.memory_space<vmem>>, vector<1x1x1x16xf32>,
        %swap3A_1198 = vector.shape_cast %swap3A_1197 : vector<1x1x1x16xf32> to vector<16xf32>
        %swap3A_1199 = vector.shape_cast %add3A_1071 : vector<16xf32> to vector<1x1x1x16xf32>
        tpu.vector_store %arg5[%swap3A_1193, %swap3A_1194, %swap3A_1195, %swap3A_1196], %swap3A_1199 {strides = array<i32>} : memref<5x8x2x1024xf32, #tpu.memory_space<vmem>>, vector<1x1x1x16xf32>,
        %swap3A_1200 = arith.constant 1 : i32
        %swap3A_1201 = arith.index_cast %rem3A_269 : i32 to index
        %swap3A_1202 = arith.index_cast %scan3A_337 : i32 to index
        %swap3A_1203 = arith.index_cast %swap3A_1200 : i32 to index
        %swap3A_1204 = arith.constant 336 : index
        %swap3A_1205 = tpu.vector_load %arg5[%swap3A_1201, %swap3A_1202, %swap3A_1203, %swap3A_1204] {strides = array<i32>} : memref<5x8x2x1024xf32, #tpu.memory_space<vmem>>, vector<1x1x1x16xf32>,
        %swap3A_1206 = vector.shape_cast %swap3A_1205 : vector<1x1x1x16xf32> to vector<16xf32>
        %swap3A_1207 = vector.shape_cast %add3A_1079 : vector<16xf32> to vector<1x1x1x16xf32>
        tpu.vector_store %arg5[%swap3A_1201, %swap3A_1202, %swap3A_1203, %swap3A_1204], %swap3A_1207 {strides = array<i32>} : memref<5x8x2x1024xf32, #tpu.memory_space<vmem>>, vector<1x1x1x16xf32>,
        %swap3A_1208 = arith.constant 1 : i32
        %swap3A_1209 = arith.index_cast %rem3A_269 : i32 to index
        %swap3A_1210 = arith.index_cast %scan3A_337 : i32 to index
        %swap3A_1211 = arith.index_cast %swap3A_1208 : i32 to index
        %swap3A_1212 = arith.constant 352 : index
        %swap3A_1213 = tpu.vector_load %arg5[%swap3A_1209, %swap3A_1210, %swap3A_1211, %swap3A_1212] {strides = array<i32>} : memref<5x8x2x1024xf32, #tpu.memory_space<vmem>>, vector<1x1x1x16xf32>,
        %swap3A_1214 = vector.shape_cast %swap3A_1213 : vector<1x1x1x16xf32> to vector<16xf32>
        %swap3A_1215 = vector.shape_cast %add3A_1087 : vector<16xf32> to vector<1x1x1x16xf32>
        tpu.vector_store %arg5[%swap3A_1209, %swap3A_1210, %swap3A_1211, %swap3A_1212], %swap3A_1215 {strides = array<i32>} : memref<5x8x2x1024xf32, #tpu.memory_space<vmem>>, vector<1x1x1x16xf32>,
        %swap3A_1216 = arith.constant 1 : i32
        %swap3A_1217 = arith.index_cast %rem3A_269 : i32 to index
        %swap3A_1218 = arith.index_cast %scan3A_337 : i32 to index
        %swap3A_1219 = arith.index_cast %swap3A_1216 : i32 to index
        %swap3A_1220 = arith.constant 368 : index
        %swap3A_1221 = tpu.vector_load %arg5[%swap3A_1217, %swap3A_1218, %swap3A_1219, %swap3A_1220] {strides = array<i32>} : memref<5x8x2x1024xf32, #tpu.memory_space<vmem>>, vector<1x1x1x16xf32>,
        %swap3A_1222 = vector.shape_cast %swap3A_1221 : vector<1x1x1x16xf32> to vector<16xf32>
        %swap3A_1223 = vector.shape_cast %add3A_1095 : vector<16xf32> to vector<1x1x1x16xf32>
        tpu.vector_store %arg5[%swap3A_1217, %swap3A_1218, %swap3A_1219, %swap3A_1220], %swap3A_1223 {strides = array<i32>} : memref<5x8x2x1024xf32, #tpu.memory_space<vmem>>, vector<1x1x1x16xf32>,
        %get3A_1224 = arith.index_cast %rem3A_269 : i32 to index
        %get3A_1225 = arith.index_cast %scan3A_337 : i32 to index
        %get3A_1226 = arith.constant 384 : index
        %get3A_1227 = tpu.vector_load %arg6[%get3A_1224, %get3A_1225, %get3A_1226] {strides = array<i32>} : memref<5x8x1024xf32, #tpu.memory_space<vmem>>, vector<1x1x16xf32>,
        %get3A_1228 = vector.shape_cast %get3A_1227 : vector<1x1x16xf32> to vector<16xf32>
        %get3A_1229 = arith.index_cast %rem3A_269 : i32 to index
        %get3A_1230 = arith.index_cast %scan3A_337 : i32 to index
        %get3A_1231 = arith.constant 400 : index
        %get3A_1232 = tpu.vector_load %arg6[%get3A_1229, %get3A_1230, %get3A_1231] {strides = array<i32>} : memref<5x8x1024xf32, #tpu.memory_space<vmem>>, vector<1x1x16xf32>,
        %get3A_1233 = vector.shape_cast %get3A_1232 : vector<1x1x16xf32> to vector<16xf32>
        %get3A_1234 = arith.index_cast %rem3A_269 : i32 to index
        %get3A_1235 = arith.index_cast %scan3A_337 : i32 to index
        %get3A_1236 = arith.constant 416 : index
        %get3A_1237 = tpu.vector_load %arg6[%get3A_1234, %get3A_1235, %get3A_1236] {strides = array<i32>} : memref<5x8x1024xf32, #tpu.memory_space<vmem>>, vector<1x1x16xf32>,
        %get3A_1238 = vector.shape_cast %get3A_1237 : vector<1x1x16xf32> to vector<16xf32>
        %get3A_1239 = arith.index_cast %rem3A_269 : i32 to index
        %get3A_1240 = arith.index_cast %scan3A_337 : i32 to index
        %get3A_1241 = arith.constant 432 : index
        %get3A_1242 = tpu.vector_load %arg6[%get3A_1239, %get3A_1240, %get3A_1241] {strides = array<i32>} : memref<5x8x1024xf32, #tpu.memory_space<vmem>>, vector<1x1x16xf32>,
        %get3A_1243 = vector.shape_cast %get3A_1242 : vector<1x1x16xf32> to vector<16xf32>
        %get3A_1244 = arith.index_cast %rem3A_269 : i32 to index
        %get3A_1245 = arith.index_cast %scan3A_337 : i32 to index
        %get3A_1246 = arith.constant 448 : index
        %get3A_1247 = tpu.vector_load %arg6[%get3A_1244, %get3A_1245, %get3A_1246] {strides = array<i32>} : memref<5x8x1024xf32, #tpu.memory_space<vmem>>, vector<1x1x16xf32>,
        %get3A_1248 = vector.shape_cast %get3A_1247 : vector<1x1x16xf32> to vector<16xf32>
        %get3A_1249 = arith.index_cast %rem3A_269 : i32 to index
        %get3A_1250 = arith.index_cast %scan3A_337 : i32 to index
        %get3A_1251 = arith.constant 464 : index
        %get3A_1252 = tpu.vector_load %arg6[%get3A_1249, %get3A_1250, %get3A_1251] {strides = array<i32>} : memref<5x8x1024xf32, #tpu.memory_space<vmem>>, vector<1x1x16xf32>,
        %get3A_1253 = vector.shape_cast %get3A_1252 : vector<1x1x16xf32> to vector<16xf32>
        %get3A_1254 = arith.index_cast %rem3A_269 : i32 to index
        %get3A_1255 = arith.index_cast %scan3A_337 : i32 to index
        %get3A_1256 = arith.constant 480 : index
        %get3A_1257 = tpu.vector_load %arg6[%get3A_1254, %get3A_1255, %get3A_1256] {strides = array<i32>} : memref<5x8x1024xf32, #tpu.memory_space<vmem>>, vector<1x1x16xf32>,
        %get3A_1258 = vector.shape_cast %get3A_1257 : vector<1x1x16xf32> to vector<16xf32>
        %get3A_1259 = arith.index_cast %rem3A_269 : i32 to index
        %get3A_1260 = arith.index_cast %scan3A_337 : i32 to index
        %get3A_1261 = arith.constant 496 : index
        %get3A_1262 = tpu.vector_load %arg6[%get3A_1259, %get3A_1260, %get3A_1261] {strides = array<i32>} : memref<5x8x1024xf32, #tpu.memory_space<vmem>>, vector<1x1x16xf32>,
        %get3A_1263 = vector.shape_cast %get3A_1262 : vector<1x1x16xf32> to vector<16xf32>
        %get3A_1264 = arith.constant 0 : i32
        %get3A_1265 = arith.index_cast %rem3A_269 : i32 to index
        %get3A_1266 = arith.index_cast %scan3A_337 : i32 to index
        %get3A_1267 = arith.index_cast %get3A_1264 : i32 to index
        %get3A_1268 = arith.constant 384 : index
        %get3A_1269 = tpu.vector_load %arg5[%get3A_1265, %get3A_1266, %get3A_1267, %get3A_1268] {strides = array<i32>} : memref<5x8x2x1024xf32, #tpu.memory_space<vmem>>, vector<1x1x1x16xf32>,
        %get3A_1270 = vector.shape_cast %get3A_1269 : vector<1x1x1x16xf32> to vector<16xf32>
        %add3A_1271 = arith.addf %get3A_1270, %get3A_1228 : vector<16xf32>
        %get3A_1272 = arith.constant 0 : i32
        %get3A_1273 = arith.index_cast %rem3A_269 : i32 to index
        %get3A_1274 = arith.index_cast %scan3A_337 : i32 to index
        %get3A_1275 = arith.index_cast %get3A_1272 : i32 to index
        %get3A_1276 = arith.constant 400 : index
        %get3A_1277 = tpu.vector_load %arg5[%get3A_1273, %get3A_1274, %get3A_1275, %get3A_1276] {strides = array<i32>} : memref<5x8x2x1024xf32, #tpu.memory_space<vmem>>, vector<1x1x1x16xf32>,
        %get3A_1278 = vector.shape_cast %get3A_1277 : vector<1x1x1x16xf32> to vector<16xf32>
        %add3A_1279 = arith.addf %get3A_1278, %get3A_1233 : vector<16xf32>
        %get3A_1280 = arith.constant 0 : i32
        %get3A_1281 = arith.index_cast %rem3A_269 : i32 to index
        %get3A_1282 = arith.index_cast %scan3A_337 : i32 to index
        %get3A_1283 = arith.index_cast %get3A_1280 : i32 to index
        %get3A_1284 = arith.constant 416 : index
        %get3A_1285 = tpu.vector_load %arg5[%get3A_1281, %get3A_1282, %get3A_1283, %get3A_1284] {strides = array<i32>} : memref<5x8x2x1024xf32, #tpu.memory_space<vmem>>, vector<1x1x1x16xf32>,
        %get3A_1286 = vector.shape_cast %get3A_1285 : vector<1x1x1x16xf32> to vector<16xf32>
        %add3A_1287 = arith.addf %get3A_1286, %get3A_1238 : vector<16xf32>
        %get3A_1288 = arith.constant 0 : i32
        %get3A_1289 = arith.index_cast %rem3A_269 : i32 to index
        %get3A_1290 = arith.index_cast %scan3A_337 : i32 to index
        %get3A_1291 = arith.index_cast %get3A_1288 : i32 to index
        %get3A_1292 = arith.constant 432 : index
        %get3A_1293 = tpu.vector_load %arg5[%get3A_1289, %get3A_1290, %get3A_1291, %get3A_1292] {strides = array<i32>} : memref<5x8x2x1024xf32, #tpu.memory_space<vmem>>, vector<1x1x1x16xf32>,
        %get3A_1294 = vector.shape_cast %get3A_1293 : vector<1x1x1x16xf32> to vector<16xf32>
        %add3A_1295 = arith.addf %get3A_1294, %get3A_1243 : vector<16xf32>
        %get3A_1296 = arith.constant 0 : i32
        %get3A_1297 = arith.index_cast %rem3A_269 : i32 to index
        %get3A_1298 = arith.index_cast %scan3A_337 : i32 to index
        %get3A_1299 = arith.index_cast %get3A_1296 : i32 to index
        %get3A_1300 = arith.constant 448 : index
        %get3A_1301 = tpu.vector_load %arg5[%get3A_1297, %get3A_1298, %get3A_1299, %get3A_1300] {strides = array<i32>} : memref<5x8x2x1024xf32, #tpu.memory_space<vmem>>, vector<1x1x1x16xf32>,
        %get3A_1302 = vector.shape_cast %get3A_1301 : vector<1x1x1x16xf32> to vector<16xf32>
        %add3A_1303 = arith.addf %get3A_1302, %get3A_1248 : vector<16xf32>
        %get3A_1304 = arith.constant 0 : i32
        %get3A_1305 = arith.index_cast %rem3A_269 : i32 to index
        %get3A_1306 = arith.index_cast %scan3A_337 : i32 to index
        %get3A_1307 = arith.index_cast %get3A_1304 : i32 to index
        %get3A_1308 = arith.constant 464 : index
        %get3A_1309 = tpu.vector_load %arg5[%get3A_1305, %get3A_1306, %get3A_1307, %get3A_1308] {strides = array<i32>} : memref<5x8x2x1024xf32, #tpu.memory_space<vmem>>, vector<1x1x1x16xf32>,
        %get3A_1310 = vector.shape_cast %get3A_1309 : vector<1x1x1x16xf32> to vector<16xf32>
        %add3A_1311 = arith.addf %get3A_1310, %get3A_1253 : vector<16xf32>
        %get3A_1312 = arith.constant 0 : i32
        %get3A_1313 = arith.index_cast %rem3A_269 : i32 to index
        %get3A_1314 = arith.index_cast %scan3A_337 : i32 to index
        %get3A_1315 = arith.index_cast %get3A_1312 : i32 to index
        %get3A_1316 = arith.constant 480 : index
        %get3A_1317 = tpu.vector_load %arg5[%get3A_1313, %get3A_1314, %get3A_1315, %get3A_1316] {strides = array<i32>} : memref<5x8x2x1024xf32, #tpu.memory_space<vmem>>, vector<1x1x1x16xf32>,
        %get3A_1318 = vector.shape_cast %get3A_1317 : vector<1x1x1x16xf32> to vector<16xf32>
        %add3A_1319 = arith.addf %get3A_1318, %get3A_1258 : vector<16xf32>
        %get3A_1320 = arith.constant 0 : i32
        %get3A_1321 = arith.index_cast %rem3A_269 : i32 to index
        %get3A_1322 = arith.index_cast %scan3A_337 : i32 to index
        %get3A_1323 = arith.index_cast %get3A_1320 : i32 to index
        %get3A_1324 = arith.constant 496 : index
        %get3A_1325 = tpu.vector_load %arg5[%get3A_1321, %get3A_1322, %get3A_1323, %get3A_1324] {strides = array<i32>} : memref<5x8x2x1024xf32, #tpu.memory_space<vmem>>, vector<1x1x1x16xf32>,
        %get3A_1326 = vector.shape_cast %get3A_1325 : vector<1x1x1x16xf32> to vector<16xf32>
        %add3A_1327 = arith.addf %get3A_1326, %get3A_1263 : vector<16xf32>
        %get3A_1328 = arith.constant 1 : i32
        %get3A_1329 = arith.index_cast %rem3A_269 : i32 to index
        %get3A_1330 = arith.index_cast %scan3A_337 : i32 to index
        %get3A_1331 = arith.index_cast %get3A_1328 : i32 to index
        %get3A_1332 = arith.constant 384 : index
        %get3A_1333 = tpu.vector_load %arg5[%get3A_1329, %get3A_1330, %get3A_1331, %get3A_1332] {strides = array<i32>} : memref<5x8x2x1024xf32, #tpu.memory_space<vmem>>, vector<1x1x1x16xf32>,
        %get3A_1334 = vector.shape_cast %get3A_1333 : vector<1x1x1x16xf32> to vector<16xf32>
        %add3A_1335 = arith.addf %get3A_1334, %get3A_1228 : vector<16xf32>
        %get3A_1336 = arith.constant 1 : i32
        %get3A_1337 = arith.index_cast %rem3A_269 : i32 to index
        %get3A_1338 = arith.index_cast %scan3A_337 : i32 to index
        %get3A_1339 = arith.index_cast %get3A_1336 : i32 to index
        %get3A_1340 = arith.constant 400 : index
        %get3A_1341 = tpu.vector_load %arg5[%get3A_1337, %get3A_1338, %get3A_1339, %get3A_1340] {strides = array<i32>} : memref<5x8x2x1024xf32, #tpu.memory_space<vmem>>, vector<1x1x1x16xf32>,
        %get3A_1342 = vector.shape_cast %get3A_1341 : vector<1x1x1x16xf32> to vector<16xf32>
        %add3A_1343 = arith.addf %get3A_1342, %get3A_1233 : vector<16xf32>
        %get3A_1344 = arith.constant 1 : i32
        %get3A_1345 = arith.index_cast %rem3A_269 : i32 to index
        %get3A_1346 = arith.index_cast %scan3A_337 : i32 to index
        %get3A_1347 = arith.index_cast %get3A_1344 : i32 to index
        %get3A_1348 = arith.constant 416 : index
        %get3A_1349 = tpu.vector_load %arg5[%get3A_1345, %get3A_1346, %get3A_1347, %get3A_1348] {strides = array<i32>} : memref<5x8x2x1024xf32, #tpu.memory_space<vmem>>, vector<1x1x1x16xf32>,
        %get3A_1350 = vector.shape_cast %get3A_1349 : vector<1x1x1x16xf32> to vector<16xf32>
        %add3A_1351 = arith.addf %get3A_1350, %get3A_1238 : vector<16xf32>
        %get3A_1352 = arith.constant 1 : i32
        %get3A_1353 = arith.index_cast %rem3A_269 : i32 to index
        %get3A_1354 = arith.index_cast %scan3A_337 : i32 to index
        %get3A_1355 = arith.index_cast %get3A_1352 : i32 to index
        %get3A_1356 = arith.constant 432 : index
        %get3A_1357 = tpu.vector_load %arg5[%get3A_1353, %get3A_1354, %get3A_1355, %get3A_1356] {strides = array<i32>} : memref<5x8x2x1024xf32, #tpu.memory_space<vmem>>, vector<1x1x1x16xf32>,
        %get3A_1358 = vector.shape_cast %get3A_1357 : vector<1x1x1x16xf32> to vector<16xf32>
        %add3A_1359 = arith.addf %get3A_1358, %get3A_1243 : vector<16xf32>
        %get3A_1360 = arith.constant 1 : i32
        %get3A_1361 = arith.index_cast %rem3A_269 : i32 to index
        %get3A_1362 = arith.index_cast %scan3A_337 : i32 to index
        %get3A_1363 = arith.index_cast %get3A_1360 : i32 to index
        %get3A_1364 = arith.constant 448 : index
        %get3A_1365 = tpu.vector_load %arg5[%get3A_1361, %get3A_1362, %get3A_1363, %get3A_1364] {strides = array<i32>} : memref<5x8x2x1024xf32, #tpu.memory_space<vmem>>, vector<1x1x1x16xf32>,
        %get3A_1366 = vector.shape_cast %get3A_1365 : vector<1x1x1x16xf32> to vector<16xf32>
        %add3A_1367 = arith.addf %get3A_1366, %get3A_1248 : vector<16xf32>
        %get3A_1368 = arith.constant 1 : i32
        %get3A_1369 = arith.index_cast %rem3A_269 : i32 to index
        %get3A_1370 = arith.index_cast %scan3A_337 : i32 to index
        %get3A_1371 = arith.index_cast %get3A_1368 : i32 to index
        %get3A_1372 = arith.constant 464 : index
        %get3A_1373 = tpu.vector_load %arg5[%get3A_1369, %get3A_1370, %get3A_1371, %get3A_1372] {strides = array<i32>} : memref<5x8x2x1024xf32, #tpu.memory_space<vmem>>, vector<1x1x1x16xf32>,
        %get3A_1374 = vector.shape_cast %get3A_1373 : vector<1x1x1x16xf32> to vector<16xf32>
        %add3A_1375 = arith.addf %get3A_1374, %get3A_1253 : vector<16xf32>
        %get3A_1376 = arith.constant 1 : i32
        %get3A_1377 = arith.index_cast %rem3A_269 : i32 to index
        %get3A_1378 = arith.index_cast %scan3A_337 : i32 to index
        %get3A_1379 = arith.index_cast %get3A_1376 : i32 to index
        %get3A_1380 = arith.constant 480 : index
        %get3A_1381 = tpu.vector_load %arg5[%get3A_1377, %get3A_1378, %get3A_1379, %get3A_1380] {strides = array<i32>} : memref<5x8x2x1024xf32, #tpu.memory_space<vmem>>, vector<1x1x1x16xf32>,
        %get3A_1382 = vector.shape_cast %get3A_1381 : vector<1x1x1x16xf32> to vector<16xf32>
        %add3A_1383 = arith.addf %get3A_1382, %get3A_1258 : vector<16xf32>
        %get3A_1384 = arith.constant 1 : i32
        %get3A_1385 = arith.index_cast %rem3A_269 : i32 to index
        %get3A_1386 = arith.index_cast %scan3A_337 : i32 to index
        %get3A_1387 = arith.index_cast %get3A_1384 : i32 to index
        %get3A_1388 = arith.constant 496 : index
        %get3A_1389 = tpu.vector_load %arg5[%get3A_1385, %get3A_1386, %get3A_1387, %get3A_1388] {strides = array<i32>} : memref<5x8x2x1024xf32, #tpu.memory_space<vmem>>, vector<1x1x1x16xf32>,
        %get3A_1390 = vector.shape_cast %get3A_1389 : vector<1x1x1x16xf32> to vector<16xf32>
        %add3A_1391 = arith.addf %get3A_1390, %get3A_1263 : vector<16xf32>
        %swap3A_1392 = arith.constant 0 : i32
        %swap3A_1393 = arith.index_cast %rem3A_269 : i32 to index
        %swap3A_1394 = arith.index_cast %scan3A_337 : i32 to index
        %swap3A_1395 = arith.index_cast %swap3A_1392 : i32 to index
        %swap3A_1396 = arith.constant 384 : index
        %swap3A_1397 = tpu.vector_load %arg5[%swap3A_1393, %swap3A_1394, %swap3A_1395, %swap3A_1396] {strides = array<i32>} : memref<5x8x2x1024xf32, #tpu.memory_space<vmem>>, vector<1x1x1x16xf32>,
        %swap3A_1398 = vector.shape_cast %swap3A_1397 : vector<1x1x1x16xf32> to vector<16xf32>
        %swap3A_1399 = vector.shape_cast %add3A_1271 : vector<16xf32> to vector<1x1x1x16xf32>
        tpu.vector_store %arg5[%swap3A_1393, %swap3A_1394, %swap3A_1395, %swap3A_1396], %swap3A_1399 {strides = array<i32>} : memref<5x8x2x1024xf32, #tpu.memory_space<vmem>>, vector<1x1x1x16xf32>,
        %swap3A_1400 = arith.constant 0 : i32
        %swap3A_1401 = arith.index_cast %rem3A_269 : i32 to index
        %swap3A_1402 = arith.index_cast %scan3A_337 : i32 to index
        %swap3A_1403 = arith.index_cast %swap3A_1400 : i32 to index
        %swap3A_1404 = arith.constant 400 : index
        %swap3A_1405 = tpu.vector_load %arg5[%swap3A_1401, %swap3A_1402, %swap3A_1403, %swap3A_1404] {strides = array<i32>} : memref<5x8x2x1024xf32, #tpu.memory_space<vmem>>, vector<1x1x1x16xf32>,
        %swap3A_1406 = vector.shape_cast %swap3A_1405 : vector<1x1x1x16xf32> to vector<16xf32>
        %swap3A_1407 = vector.shape_cast %add3A_1279 : vector<16xf32> to vector<1x1x1x16xf32>
        tpu.vector_store %arg5[%swap3A_1401, %swap3A_1402, %swap3A_1403, %swap3A_1404], %swap3A_1407 {strides = array<i32>} : memref<5x8x2x1024xf32, #tpu.memory_space<vmem>>, vector<1x1x1x16xf32>,
        %swap3A_1408 = arith.constant 0 : i32
        %swap3A_1409 = arith.index_cast %rem3A_269 : i32 to index
        %swap3A_1410 = arith.index_cast %scan3A_337 : i32 to index
        %swap3A_1411 = arith.index_cast %swap3A_1408 : i32 to index
        %swap3A_1412 = arith.constant 416 : index
        %swap3A_1413 = tpu.vector_load %arg5[%swap3A_1409, %swap3A_1410, %swap3A_1411, %swap3A_1412] {strides = array<i32>} : memref<5x8x2x1024xf32, #tpu.memory_space<vmem>>, vector<1x1x1x16xf32>,
        %swap3A_1414 = vector.shape_cast %swap3A_1413 : vector<1x1x1x16xf32> to vector<16xf32>
        %swap3A_1415 = vector.shape_cast %add3A_1287 : vector<16xf32> to vector<1x1x1x16xf32>
        tpu.vector_store %arg5[%swap3A_1409, %swap3A_1410, %swap3A_1411, %swap3A_1412], %swap3A_1415 {strides = array<i32>} : memref<5x8x2x1024xf32, #tpu.memory_space<vmem>>, vector<1x1x1x16xf32>,
        %swap3A_1416 = arith.constant 0 : i32
        %swap3A_1417 = arith.index_cast %rem3A_269 : i32 to index
        %swap3A_1418 = arith.index_cast %scan3A_337 : i32 to index
        %swap3A_1419 = arith.index_cast %swap3A_1416 : i32 to index
        %swap3A_1420 = arith.constant 432 : index
        %swap3A_1421 = tpu.vector_load %arg5[%swap3A_1417, %swap3A_1418, %swap3A_1419, %swap3A_1420] {strides = array<i32>} : memref<5x8x2x1024xf32, #tpu.memory_space<vmem>>, vector<1x1x1x16xf32>,
        %swap3A_1422 = vector.shape_cast %swap3A_1421 : vector<1x1x1x16xf32> to vector<16xf32>
        %swap3A_1423 = vector.shape_cast %add3A_1295 : vector<16xf32> to vector<1x1x1x16xf32>
        tpu.vector_store %arg5[%swap3A_1417, %swap3A_1418, %swap3A_1419, %swap3A_1420], %swap3A_1423 {strides = array<i32>} : memref<5x8x2x1024xf32, #tpu.memory_space<vmem>>, vector<1x1x1x16xf32>,
        %swap3A_1424 = arith.constant 0 : i32
        %swap3A_1425 = arith.index_cast %rem3A_269 : i32 to index
        %swap3A_1426 = arith.index_cast %scan3A_337 : i32 to index
        %swap3A_1427 = arith.index_cast %swap3A_1424 : i32 to index
        %swap3A_1428 = arith.constant 448 : index
        %swap3A_1429 = tpu.vector_load %arg5[%swap3A_1425, %swap3A_1426, %swap3A_1427, %swap3A_1428] {strides = array<i32>} : memref<5x8x2x1024xf32, #tpu.memory_space<vmem>>, vector<1x1x1x16xf32>,
        %swap3A_1430 = vector.shape_cast %swap3A_1429 : vector<1x1x1x16xf32> to vector<16xf32>
        %swap3A_1431 = vector.shape_cast %add3A_1303 : vector<16xf32> to vector<1x1x1x16xf32>
        tpu.vector_store %arg5[%swap3A_1425, %swap3A_1426, %swap3A_1427, %swap3A_1428], %swap3A_1431 {strides = array<i32>} : memref<5x8x2x1024xf32, #tpu.memory_space<vmem>>, vector<1x1x1x16xf32>,
        %swap3A_1432 = arith.constant 0 : i32
        %swap3A_1433 = arith.index_cast %rem3A_269 : i32 to index
        %swap3A_1434 = arith.index_cast %scan3A_337 : i32 to index
        %swap3A_1435 = arith.index_cast %swap3A_1432 : i32 to index
        %swap3A_1436 = arith.constant 464 : index
        %swap3A_1437 = tpu.vector_load %arg5[%swap3A_1433, %swap3A_1434, %swap3A_1435, %swap3A_1436] {strides = array<i32>} : memref<5x8x2x1024xf32, #tpu.memory_space<vmem>>, vector<1x1x1x16xf32>,
        %swap3A_1438 = vector.shape_cast %swap3A_1437 : vector<1x1x1x16xf32> to vector<16xf32>
        %swap3A_1439 = vector.shape_cast %add3A_1311 : vector<16xf32> to vector<1x1x1x16xf32>
        tpu.vector_store %arg5[%swap3A_1433, %swap3A_1434, %swap3A_1435, %swap3A_1436], %swap3A_1439 {strides = array<i32>} : memref<5x8x2x1024xf32, #tpu.memory_space<vmem>>, vector<1x1x1x16xf32>,
        %swap3A_1440 = arith.constant 0 : i32
        %swap3A_1441 = arith.index_cast %rem3A_269 : i32 to index
        %swap3A_1442 = arith.index_cast %scan3A_337 : i32 to index
        %swap3A_1443 = arith.index_cast %swap3A_1440 : i32 to index
        %swap3A_1444 = arith.constant 480 : index
        %swap3A_1445 = tpu.vector_load %arg5[%swap3A_1441, %swap3A_1442, %swap3A_1443, %swap3A_1444] {strides = array<i32>} : memref<5x8x2x1024xf32, #tpu.memory_space<vmem>>, vector<1x1x1x16xf32>,
        %swap3A_1446 = vector.shape_cast %swap3A_1445 : vector<1x1x1x16xf32> to vector<16xf32>
        %swap3A_1447 = vector.shape_cast %add3A_1319 : vector<16xf32> to vector<1x1x1x16xf32>
        tpu.vector_store %arg5[%swap3A_1441, %swap3A_1442, %swap3A_1443, %swap3A_1444], %swap3A_1447 {strides = array<i32>} : memref<5x8x2x1024xf32, #tpu.memory_space<vmem>>, vector<1x1x1x16xf32>,
        %swap3A_1448 = arith.constant 0 : i32
        %swap3A_1449 = arith.index_cast %rem3A_269 : i32 to index
        %swap3A_1450 = arith.index_cast %scan3A_337 : i32 to index
        %swap3A_1451 = arith.index_cast %swap3A_1448 : i32 to index
        %swap3A_1452 = arith.constant 496 : index
        %swap3A_1453 = tpu.vector_load %arg5[%swap3A_1449, %swap3A_1450, %swap3A_1451, %swap3A_1452] {strides = array<i32>} : memref<5x8x2x1024xf32, #tpu.memory_space<vmem>>, vector<1x1x1x16xf32>,
        %swap3A_1454 = vector.shape_cast %swap3A_1453 : vector<1x1x1x16xf32> to vector<16xf32>
        %swap3A_1455 = vector.shape_cast %add3A_1327 : vector<16xf32> to vector<1x1x1x16xf32>
        tpu.vector_store %arg5[%swap3A_1449, %swap3A_1450, %swap3A_1451, %swap3A_1452], %swap3A_1455 {strides = array<i32>} : memref<5x8x2x1024xf32, #tpu.memory_space<vmem>>, vector<1x1x1x16xf32>,
        %swap3A_1456 = arith.constant 1 : i32
        %swap3A_1457 = arith.index_cast %rem3A_269 : i32 to index
        %swap3A_1458 = arith.index_cast %scan3A_337 : i32 to index
        %swap3A_1459 = arith.index_cast %swap3A_1456 : i32 to index
        %swap3A_1460 = arith.constant 384 : index
        %swap3A_1461 = tpu.vector_load %arg5[%swap3A_1457, %swap3A_1458, %swap3A_1459, %swap3A_1460] {strides = array<i32>} : memref<5x8x2x1024xf32, #tpu.memory_space<vmem>>, vector<1x1x1x16xf32>,
        %swap3A_1462 = vector.shape_cast %swap3A_1461 : vector<1x1x1x16xf32> to vector<16xf32>
        %swap3A_1463 = vector.shape_cast %add3A_1335 : vector<16xf32> to vector<1x1x1x16xf32>
        tpu.vector_store %arg5[%swap3A_1457, %swap3A_1458, %swap3A_1459, %swap3A_1460], %swap3A_1463 {strides = array<i32>} : memref<5x8x2x1024xf32, #tpu.memory_space<vmem>>, vector<1x1x1x16xf32>,
        %swap3A_1464 = arith.constant 1 : i32
        %swap3A_1465 = arith.index_cast %rem3A_269 : i32 to index
        %swap3A_1466 = arith.index_cast %scan3A_337 : i32 to index
        %swap3A_1467 = arith.index_cast %swap3A_1464 : i32 to index
        %swap3A_1468 = arith.constant 400 : index
        %swap3A_1469 = tpu.vector_load %arg5[%swap3A_1465, %swap3A_1466, %swap3A_1467, %swap3A_1468] {strides = array<i32>} : memref<5x8x2x1024xf32, #tpu.memory_space<vmem>>, vector<1x1x1x16xf32>,
        %swap3A_1470 = vector.shape_cast %swap3A_1469 : vector<1x1x1x16xf32> to vector<16xf32>
        %swap3A_1471 = vector.shape_cast %add3A_1343 : vector<16xf32> to vector<1x1x1x16xf32>
        tpu.vector_store %arg5[%swap3A_1465, %swap3A_1466, %swap3A_1467, %swap3A_1468], %swap3A_1471 {strides = array<i32>} : memref<5x8x2x1024xf32, #tpu.memory_space<vmem>>, vector<1x1x1x16xf32>,
        %swap3A_1472 = arith.constant 1 : i32
        %swap3A_1473 = arith.index_cast %rem3A_269 : i32 to index
        %swap3A_1474 = arith.index_cast %scan3A_337 : i32 to index
        %swap3A_1475 = arith.index_cast %swap3A_1472 : i32 to index
        %swap3A_1476 = arith.constant 416 : index
        %swap3A_1477 = tpu.vector_load %arg5[%swap3A_1473, %swap3A_1474, %swap3A_1475, %swap3A_1476] {strides = array<i32>} : memref<5x8x2x1024xf32, #tpu.memory_space<vmem>>, vector<1x1x1x16xf32>,
        %swap3A_1478 = vector.shape_cast %swap3A_1477 : vector<1x1x1x16xf32> to vector<16xf32>
        %swap3A_1479 = vector.shape_cast %add3A_1351 : vector<16xf32> to vector<1x1x1x16xf32>
        tpu.vector_store %arg5[%swap3A_1473, %swap3A_1474, %swap3A_1475, %swap3A_1476], %swap3A_1479 {strides = array<i32>} : memref<5x8x2x1024xf32, #tpu.memory_space<vmem>>, vector<1x1x1x16xf32>,
        %swap3A_1480 = arith.constant 1 : i32
        %swap3A_1481 = arith.index_cast %rem3A_269 : i32 to index
        %swap3A_1482 = arith.index_cast %scan3A_337 : i32 to index
        %swap3A_1483 = arith.index_cast %swap3A_1480 : i32 to index
        %swap3A_1484 = arith.constant 432 : index
        %swap3A_1485 = tpu.vector_load %arg5[%swap3A_1481, %swap3A_1482, %swap3A_1483, %swap3A_1484] {strides = array<i32>} : memref<5x8x2x1024xf32, #tpu.memory_space<vmem>>, vector<1x1x1x16xf32>,
        %swap3A_1486 = vector.shape_cast %swap3A_1485 : vector<1x1x1x16xf32> to vector<16xf32>
        %swap3A_1487 = vector.shape_cast %add3A_1359 : vector<16xf32> to vector<1x1x1x16xf32>
        tpu.vector_store %arg5[%swap3A_1481, %swap3A_1482, %swap3A_1483, %swap3A_1484], %swap3A_1487 {strides = array<i32>} : memref<5x8x2x1024xf32, #tpu.memory_space<vmem>>, vector<1x1x1x16xf32>,
        %swap3A_1488 = arith.constant 1 : i32
        %swap3A_1489 = arith.index_cast %rem3A_269 : i32 to index
        %swap3A_1490 = arith.index_cast %scan3A_337 : i32 to index
        %swap3A_1491 = arith.index_cast %swap3A_1488 : i32 to index
        %swap3A_1492 = arith.constant 448 : index
        %swap3A_1493 = tpu.vector_load %arg5[%swap3A_1489, %swap3A_1490, %swap3A_1491, %swap3A_1492] {strides = array<i32>} : memref<5x8x2x1024xf32, #tpu.memory_space<vmem>>, vector<1x1x1x16xf32>,
        %swap3A_1494 = vector.shape_cast %swap3A_1493 : vector<1x1x1x16xf32> to vector<16xf32>
        %swap3A_1495 = vector.shape_cast %add3A_1367 : vector<16xf32> to vector<1x1x1x16xf32>
        tpu.vector_store %arg5[%swap3A_1489, %swap3A_1490, %swap3A_1491, %swap3A_1492], %swap3A_1495 {strides = array<i32>} : memref<5x8x2x1024xf32, #tpu.memory_space<vmem>>, vector<1x1x1x16xf32>,
        %swap3A_1496 = arith.constant 1 : i32
        %swap3A_1497 = arith.index_cast %rem3A_269 : i32 to index
        %swap3A_1498 = arith.index_cast %scan3A_337 : i32 to index
        %swap3A_1499 = arith.index_cast %swap3A_1496 : i32 to index
        %swap3A_1500 = arith.constant 464 : index
        %swap3A_1501 = tpu.vector_load %arg5[%swap3A_1497, %swap3A_1498, %swap3A_1499, %swap3A_1500] {strides = array<i32>} : memref<5x8x2x1024xf32, #tpu.memory_space<vmem>>, vector<1x1x1x16xf32>,
        %swap3A_1502 = vector.shape_cast %swap3A_1501 : vector<1x1x1x16xf32> to vector<16xf32>
        %swap3A_1503 = vector.shape_cast %add3A_1375 : vector<16xf32> to vector<1x1x1x16xf32>
        tpu.vector_store %arg5[%swap3A_1497, %swap3A_1498, %swap3A_1499, %swap3A_1500], %swap3A_1503 {strides = array<i32>} : memref<5x8x2x1024xf32, #tpu.memory_space<vmem>>, vector<1x1x1x16xf32>,
        %swap3A_1504 = arith.constant 1 : i32
        %swap3A_1505 = arith.index_cast %rem3A_269 : i32 to index
        %swap3A_1506 = arith.index_cast %scan3A_337 : i32 to index
        %swap3A_1507 = arith.index_cast %swap3A_1504 : i32 to index
        %swap3A_1508 = arith.constant 480 : index
        %swap3A_1509 = tpu.vector_load %arg5[%swap3A_1505, %swap3A_1506, %swap3A_1507, %swap3A_1508] {strides = array<i32>} : memref<5x8x2x1024xf32, #tpu.memory_space<vmem>>, vector<1x1x1x16xf32>,
        %swap3A_1510 = vector.shape_cast %swap3A_1509 : vector<1x1x1x16xf32> to vector<16xf32>
        %swap3A_1511 = vector.shape_cast %add3A_1383 : vector<16xf32> to vector<1x1x1x16xf32>
        tpu.vector_store %arg5[%swap3A_1505, %swap3A_1506, %swap3A_1507, %swap3A_1508], %swap3A_1511 {strides = array<i32>} : memref<5x8x2x1024xf32, #tpu.memory_space<vmem>>, vector<1x1x1x16xf32>,
        %swap3A_1512 = arith.constant 1 : i32
        %swap3A_1513 = arith.index_cast %rem3A_269 : i32 to index
        %swap3A_1514 = arith.index_cast %scan3A_337 : i32 to index
        %swap3A_1515 = arith.index_cast %swap3A_1512 : i32 to index
        %swap3A_1516 = arith.constant 496 : index
        %swap3A_1517 = tpu.vector_load %arg5[%swap3A_1513, %swap3A_1514, %swap3A_1515, %swap3A_1516] {strides = array<i32>} : memref<5x8x2x1024xf32, #tpu.memory_space<vmem>>, vector<1x1x1x16xf32>,
        %swap3A_1518 = vector.shape_cast %swap3A_1517 : vector<1x1x1x16xf32> to vector<16xf32>
        %swap3A_1519 = vector.shape_cast %add3A_1391 : vector<16xf32> to vector<1x1x1x16xf32>
        tpu.vector_store %arg5[%swap3A_1513, %swap3A_1514, %swap3A_1515, %swap3A_1516], %swap3A_1519 {strides = array<i32>} : memref<5x8x2x1024xf32, #tpu.memory_space<vmem>>, vector<1x1x1x16xf32>,
        %get3A_1520 = arith.index_cast %rem3A_269 : i32 to index
        %get3A_1521 = arith.index_cast %scan3A_337 : i32 to index
        %get3A_1522 = arith.constant 512 : index
        %get3A_1523 = tpu.vector_load %arg6[%get3A_1520, %get3A_1521, %get3A_1522] {strides = array<i32>} : memref<5x8x1024xf32, #tpu.memory_space<vmem>>, vector<1x1x16xf32>,
        %get3A_1524 = vector.shape_cast %get3A_1523 : vector<1x1x16xf32> to vector<16xf32>
        %get3A_1525 = arith.index_cast %rem3A_269 : i32 to index
        %get3A_1526 = arith.index_cast %scan3A_337 : i32 to index
        %get3A_1527 = arith.constant 528 : index
        %get3A_1528 = tpu.vector_load %arg6[%get3A_1525, %get3A_1526, %get3A_1527] {strides = array<i32>} : memref<5x8x1024xf32, #tpu.memory_space<vmem>>, vector<1x1x16xf32>,
        %get3A_1529 = vector.shape_cast %get3A_1528 : vector<1x1x16xf32> to vector<16xf32>
        %get3A_1530 = arith.index_cast %rem3A_269 : i32 to index
        %get3A_1531 = arith.index_cast %scan3A_337 : i32 to index
        %get3A_1532 = arith.constant 544 : index
        %get3A_1533 = tpu.vector_load %arg6[%get3A_1530, %get3A_1531, %get3A_1532] {strides = array<i32>} : memref<5x8x1024xf32, #tpu.memory_space<vmem>>, vector<1x1x16xf32>,
        %get3A_1534 = vector.shape_cast %get3A_1533 : vector<1x1x16xf32> to vector<16xf32>
        %get3A_1535 = arith.index_cast %rem3A_269 : i32 to index
        %get3A_1536 = arith.index_cast %scan3A_337 : i32 to index
        %get3A_1537 = arith.constant 560 : index
        %get3A_1538 = tpu.vector_load %arg6[%get3A_1535, %get3A_1536, %get3A_1537] {strides = array<i32>} : memref<5x8x1024xf32, #tpu.memory_space<vmem>>, vector<1x1x16xf32>,
        %get3A_1539 = vector.shape_cast %get3A_1538 : vector<1x1x16xf32> to vector<16xf32>
        %get3A_1540 = arith.index_cast %rem3A_269 : i32 to index
        %get3A_1541 = arith.index_cast %scan3A_337 : i32 to index
        %get3A_1542 = arith.constant 576 : index
        %get3A_1543 = tpu.vector_load %arg6[%get3A_1540, %get3A_1541, %get3A_1542] {strides = array<i32>} : memref<5x8x1024xf32, #tpu.memory_space<vmem>>, vector<1x1x16xf32>,
        %get3A_1544 = vector.shape_cast %get3A_1543 : vector<1x1x16xf32> to vector<16xf32>
        %get3A_1545 = arith.index_cast %rem3A_269 : i32 to index
        %get3A_1546 = arith.index_cast %scan3A_337 : i32 to index
        %get3A_1547 = arith.constant 592 : index
        %get3A_1548 = tpu.vector_load %arg6[%get3A_1545, %get3A_1546, %get3A_1547] {strides = array<i32>} : memref<5x8x1024xf32, #tpu.memory_space<vmem>>, vector<1x1x16xf32>,
        %get3A_1549 = vector.shape_cast %get3A_1548 : vector<1x1x16xf32> to vector<16xf32>
        %get3A_1550 = arith.index_cast %rem3A_269 : i32 to index
        %get3A_1551 = arith.index_cast %scan3A_337 : i32 to index
        %get3A_1552 = arith.constant 608 : index
        %get3A_1553 = tpu.vector_load %arg6[%get3A_1550, %get3A_1551, %get3A_1552] {strides = array<i32>} : memref<5x8x1024xf32, #tpu.memory_space<vmem>>, vector<1x1x16xf32>,
        %get3A_1554 = vector.shape_cast %get3A_1553 : vector<1x1x16xf32> to vector<16xf32>
        %get3A_1555 = arith.index_cast %rem3A_269 : i32 to index
        %get3A_1556 = arith.index_cast %scan3A_337 : i32 to index
        %get3A_1557 = arith.constant 624 : index
        %get3A_1558 = tpu.vector_load %arg6[%get3A_1555, %get3A_1556, %get3A_1557] {strides = array<i32>} : memref<5x8x1024xf32, #tpu.memory_space<vmem>>, vector<1x1x16xf32>,
        %get3A_1559 = vector.shape_cast %get3A_1558 : vector<1x1x16xf32> to vector<16xf32>
        %get3A_1560 = arith.constant 0 : i32
        %get3A_1561 = arith.index_cast %rem3A_269 : i32 to index
        %get3A_1562 = arith.index_cast %scan3A_337 : i32 to index
        %get3A_1563 = arith.index_cast %get3A_1560 : i32 to index
        %get3A_1564 = arith.constant 512 : index
        %get3A_1565 = tpu.vector_load %arg5[%get3A_1561, %get3A_1562, %get3A_1563, %get3A_1564] {strides = array<i32>} : memref<5x8x2x1024xf32, #tpu.memory_space<vmem>>, vector<1x1x1x16xf32>,
        %get3A_1566 = vector.shape_cast %get3A_1565 : vector<1x1x1x16xf32> to vector<16xf32>
        %add3A_1567 = arith.addf %get3A_1566, %get3A_1524 : vector<16xf32>
        %get3A_1568 = arith.constant 0 : i32
        %get3A_1569 = arith.index_cast %rem3A_269 : i32 to index
        %get3A_1570 = arith.index_cast %scan3A_337 : i32 to index
        %get3A_1571 = arith.index_cast %get3A_1568 : i32 to index
        %get3A_1572 = arith.constant 528 : index
        %get3A_1573 = tpu.vector_load %arg5[%get3A_1569, %get3A_1570, %get3A_1571, %get3A_1572] {strides = array<i32>} : memref<5x8x2x1024xf32, #tpu.memory_space<vmem>>, vector<1x1x1x16xf32>,
        %get3A_1574 = vector.shape_cast %get3A_1573 : vector<1x1x1x16xf32> to vector<16xf32>
        %add3A_1575 = arith.addf %get3A_1574, %get3A_1529 : vector<16xf32>
        %get3A_1576 = arith.constant 0 : i32
        %get3A_1577 = arith.index_cast %rem3A_269 : i32 to index
        %get3A_1578 = arith.index_cast %scan3A_337 : i32 to index
        %get3A_1579 = arith.index_cast %get3A_1576 : i32 to index
        %get3A_1580 = arith.constant 544 : index
        %get3A_1581 = tpu.vector_load %arg5[%get3A_1577, %get3A_1578, %get3A_1579, %get3A_1580] {strides = array<i32>} : memref<5x8x2x1024xf32, #tpu.memory_space<vmem>>, vector<1x1x1x16xf32>,
        %get3A_1582 = vector.shape_cast %get3A_1581 : vector<1x1x1x16xf32> to vector<16xf32>
        %add3A_1583 = arith.addf %get3A_1582, %get3A_1534 : vector<16xf32>
        %get3A_1584 = arith.constant 0 : i32
        %get3A_1585 = arith.index_cast %rem3A_269 : i32 to index
        %get3A_1586 = arith.index_cast %scan3A_337 : i32 to index
        %get3A_1587 = arith.index_cast %get3A_1584 : i32 to index
        %get3A_1588 = arith.constant 560 : index
        %get3A_1589 = tpu.vector_load %arg5[%get3A_1585, %get3A_1586, %get3A_1587, %get3A_1588] {strides = array<i32>} : memref<5x8x2x1024xf32, #tpu.memory_space<vmem>>, vector<1x1x1x16xf32>,
        %get3A_1590 = vector.shape_cast %get3A_1589 : vector<1x1x1x16xf32> to vector<16xf32>
        %add3A_1591 = arith.addf %get3A_1590, %get3A_1539 : vector<16xf32>
        %get3A_1592 = arith.constant 0 : i32
        %get3A_1593 = arith.index_cast %rem3A_269 : i32 to index
        %get3A_1594 = arith.index_cast %scan3A_337 : i32 to index
        %get3A_1595 = arith.index_cast %get3A_1592 : i32 to index
        %get3A_1596 = arith.constant 576 : index
        %get3A_1597 = tpu.vector_load %arg5[%get3A_1593, %get3A_1594, %get3A_1595, %get3A_1596] {strides = array<i32>} : memref<5x8x2x1024xf32, #tpu.memory_space<vmem>>, vector<1x1x1x16xf32>,
        %get3A_1598 = vector.shape_cast %get3A_1597 : vector<1x1x1x16xf32> to vector<16xf32>
        %add3A_1599 = arith.addf %get3A_1598, %get3A_1544 : vector<16xf32>
        %get3A_1600 = arith.constant 0 : i32
        %get3A_1601 = arith.index_cast %rem3A_269 : i32 to index
        %get3A_1602 = arith.index_cast %scan3A_337 : i32 to index
        %get3A_1603 = arith.index_cast %get3A_1600 : i32 to index
        %get3A_1604 = arith.constant 592 : index
        %get3A_1605 = tpu.vector_load %arg5[%get3A_1601, %get3A_1602, %get3A_1603, %get3A_1604] {strides = array<i32>} : memref<5x8x2x1024xf32, #tpu.memory_space<vmem>>, vector<1x1x1x16xf32>,
        %get3A_1606 = vector.shape_cast %get3A_1605 : vector<1x1x1x16xf32> to vector<16xf32>
        %add3A_1607 = arith.addf %get3A_1606, %get3A_1549 : vector<16xf32>
        %get3A_1608 = arith.constant 0 : i32
        %get3A_1609 = arith.index_cast %rem3A_269 : i32 to index
        %get3A_1610 = arith.index_cast %scan3A_337 : i32 to index
        %get3A_1611 = arith.index_cast %get3A_1608 : i32 to index
        %get3A_1612 = arith.constant 608 : index
        %get3A_1613 = tpu.vector_load %arg5[%get3A_1609, %get3A_1610, %get3A_1611, %get3A_1612] {strides = array<i32>} : memref<5x8x2x1024xf32, #tpu.memory_space<vmem>>, vector<1x1x1x16xf32>,
        %get3A_1614 = vector.shape_cast %get3A_1613 : vector<1x1x1x16xf32> to vector<16xf32>
        %add3A_1615 = arith.addf %get3A_1614, %get3A_1554 : vector<16xf32>
        %get3A_1616 = arith.constant 0 : i32
        %get3A_1617 = arith.index_cast %rem3A_269 : i32 to index
        %get3A_1618 = arith.index_cast %scan3A_337 : i32 to index
        %get3A_1619 = arith.index_cast %get3A_1616 : i32 to index
        %get3A_1620 = arith.constant 624 : index
        %get3A_1621 = tpu.vector_load %arg5[%get3A_1617, %get3A_1618, %get3A_1619, %get3A_1620] {strides = array<i32>} : memref<5x8x2x1024xf32, #tpu.memory_space<vmem>>, vector<1x1x1x16xf32>,
        %get3A_1622 = vector.shape_cast %get3A_1621 : vector<1x1x1x16xf32> to vector<16xf32>
        %add3A_1623 = arith.addf %get3A_1622, %get3A_1559 : vector<16xf32>
        %get3A_1624 = arith.constant 1 : i32
        %get3A_1625 = arith.index_cast %rem3A_269 : i32 to index
        %get3A_1626 = arith.index_cast %scan3A_337 : i32 to index
        %get3A_1627 = arith.index_cast %get3A_1624 : i32 to index
        %get3A_1628 = arith.constant 512 : index
        %get3A_1629 = tpu.vector_load %arg5[%get3A_1625, %get3A_1626, %get3A_1627, %get3A_1628] {strides = array<i32>} : memref<5x8x2x1024xf32, #tpu.memory_space<vmem>>, vector<1x1x1x16xf32>,
        %get3A_1630 = vector.shape_cast %get3A_1629 : vector<1x1x1x16xf32> to vector<16xf32>
        %add3A_1631 = arith.addf %get3A_1630, %get3A_1524 : vector<16xf32>
        %get3A_1632 = arith.constant 1 : i32
        %get3A_1633 = arith.index_cast %rem3A_269 : i32 to index
        %get3A_1634 = arith.index_cast %scan3A_337 : i32 to index
        %get3A_1635 = arith.index_cast %get3A_1632 : i32 to index
        %get3A_1636 = arith.constant 528 : index
        %get3A_1637 = tpu.vector_load %arg5[%get3A_1633, %get3A_1634, %get3A_1635, %get3A_1636] {strides = array<i32>} : memref<5x8x2x1024xf32, #tpu.memory_space<vmem>>, vector<1x1x1x16xf32>,
        %get3A_1638 = vector.shape_cast %get3A_1637 : vector<1x1x1x16xf32> to vector<16xf32>
        %add3A_1639 = arith.addf %get3A_1638, %get3A_1529 : vector<16xf32>
        %get3A_1640 = arith.constant 1 : i32
        %get3A_1641 = arith.index_cast %rem3A_269 : i32 to index
        %get3A_1642 = arith.index_cast %scan3A_337 : i32 to index
        %get3A_1643 = arith.index_cast %get3A_1640 : i32 to index
        %get3A_1644 = arith.constant 544 : index
        %get3A_1645 = tpu.vector_load %arg5[%get3A_1641, %get3A_1642, %get3A_1643, %get3A_1644] {strides = array<i32>} : memref<5x8x2x1024xf32, #tpu.memory_space<vmem>>, vector<1x1x1x16xf32>,
        %get3A_1646 = vector.shape_cast %get3A_1645 : vector<1x1x1x16xf32> to vector<16xf32>
        %add3A_1647 = arith.addf %get3A_1646, %get3A_1534 : vector<16xf32>
        %get3A_1648 = arith.constant 1 : i32
        %get3A_1649 = arith.index_cast %rem3A_269 : i32 to index
        %get3A_1650 = arith.index_cast %scan3A_337 : i32 to index
        %get3A_1651 = arith.index_cast %get3A_1648 : i32 to index
        %get3A_1652 = arith.constant 560 : index
        %get3A_1653 = tpu.vector_load %arg5[%get3A_1649, %get3A_1650, %get3A_1651, %get3A_1652] {strides = array<i32>} : memref<5x8x2x1024xf32, #tpu.memory_space<vmem>>, vector<1x1x1x16xf32>,
        %get3A_1654 = vector.shape_cast %get3A_1653 : vector<1x1x1x16xf32> to vector<16xf32>
        %add3A_1655 = arith.addf %get3A_1654, %get3A_1539 : vector<16xf32>
        %get3A_1656 = arith.constant 1 : i32
        %get3A_1657 = arith.index_cast %rem3A_269 : i32 to index
        %get3A_1658 = arith.index_cast %scan3A_337 : i32 to index
        %get3A_1659 = arith.index_cast %get3A_1656 : i32 to index
        %get3A_1660 = arith.constant 576 : index
        %get3A_1661 = tpu.vector_load %arg5[%get3A_1657, %get3A_1658, %get3A_1659, %get3A_1660] {strides = array<i32>} : memref<5x8x2x1024xf32, #tpu.memory_space<vmem>>, vector<1x1x1x16xf32>,
        %get3A_1662 = vector.shape_cast %get3A_1661 : vector<1x1x1x16xf32> to vector<16xf32>
        %add3A_1663 = arith.addf %get3A_1662, %get3A_1544 : vector<16xf32>
        %get3A_1664 = arith.constant 1 : i32
        %get3A_1665 = arith.index_cast %rem3A_269 : i32 to index
        %get3A_1666 = arith.index_cast %scan3A_337 : i32 to index
        %get3A_1667 = arith.index_cast %get3A_1664 : i32 to index
        %get3A_1668 = arith.constant 592 : index
        %get3A_1669 = tpu.vector_load %arg5[%get3A_1665, %get3A_1666, %get3A_1667, %get3A_1668] {strides = array<i32>} : memref<5x8x2x1024xf32, #tpu.memory_space<vmem>>, vector<1x1x1x16xf32>,
        %get3A_1670 = vector.shape_cast %get3A_1669 : vector<1x1x1x16xf32> to vector<16xf32>
        %add3A_1671 = arith.addf %get3A_1670, %get3A_1549 : vector<16xf32>
        %get3A_1672 = arith.constant 1 : i32
        %get3A_1673 = arith.index_cast %rem3A_269 : i32 to index
        %get3A_1674 = arith.index_cast %scan3A_337 : i32 to index
        %get3A_1675 = arith.index_cast %get3A_1672 : i32 to index
        %get3A_1676 = arith.constant 608 : index
        %get3A_1677 = tpu.vector_load %arg5[%get3A_1673, %get3A_1674, %get3A_1675, %get3A_1676] {strides = array<i32>} : memref<5x8x2x1024xf32, #tpu.memory_space<vmem>>, vector<1x1x1x16xf32>,
        %get3A_1678 = vector.shape_cast %get3A_1677 : vector<1x1x1x16xf32> to vector<16xf32>
        %add3A_1679 = arith.addf %get3A_1678, %get3A_1554 : vector<16xf32>
        %get3A_1680 = arith.constant 1 : i32
        %get3A_1681 = arith.index_cast %rem3A_269 : i32 to index
        %get3A_1682 = arith.index_cast %scan3A_337 : i32 to index
        %get3A_1683 = arith.index_cast %get3A_1680 : i32 to index
        %get3A_1684 = arith.constant 624 : index
        %get3A_1685 = tpu.vector_load %arg5[%get3A_1681, %get3A_1682, %get3A_1683, %get3A_1684] {strides = array<i32>} : memref<5x8x2x1024xf32, #tpu.memory_space<vmem>>, vector<1x1x1x16xf32>,
        %get3A_1686 = vector.shape_cast %get3A_1685 : vector<1x1x1x16xf32> to vector<16xf32>
        %add3A_1687 = arith.addf %get3A_1686, %get3A_1559 : vector<16xf32>
        %swap3A_1688 = arith.constant 0 : i32
        %swap3A_1689 = arith.index_cast %rem3A_269 : i32 to index
        %swap3A_1690 = arith.index_cast %scan3A_337 : i32 to index
        %swap3A_1691 = arith.index_cast %swap3A_1688 : i32 to index
        %swap3A_1692 = arith.constant 512 : index
        %swap3A_1693 = tpu.vector_load %arg5[%swap3A_1689, %swap3A_1690, %swap3A_1691, %swap3A_1692] {strides = array<i32>} : memref<5x8x2x1024xf32, #tpu.memory_space<vmem>>, vector<1x1x1x16xf32>,
        %swap3A_1694 = vector.shape_cast %swap3A_1693 : vector<1x1x1x16xf32> to vector<16xf32>
        %swap3A_1695 = vector.shape_cast %add3A_1567 : vector<16xf32> to vector<1x1x1x16xf32>
        tpu.vector_store %arg5[%swap3A_1689, %swap3A_1690, %swap3A_1691, %swap3A_1692], %swap3A_1695 {strides = array<i32>} : memref<5x8x2x1024xf32, #tpu.memory_space<vmem>>, vector<1x1x1x16xf32>,
        %swap3A_1696 = arith.constant 0 : i32
        %swap3A_1697 = arith.index_cast %rem3A_269 : i32 to index
        %swap3A_1698 = arith.index_cast %scan3A_337 : i32 to index
        %swap3A_1699 = arith.index_cast %swap3A_1696 : i32 to index
        %swap3A_1700 = arith.constant 528 : index
        %swap3A_1701 = tpu.vector_load %arg5[%swap3A_1697, %swap3A_1698, %swap3A_1699, %swap3A_1700] {strides = array<i32>} : memref<5x8x2x1024xf32, #tpu.memory_space<vmem>>, vector<1x1x1x16xf32>,
        %swap3A_1702 = vector.shape_cast %swap3A_1701 : vector<1x1x1x16xf32> to vector<16xf32>
        %swap3A_1703 = vector.shape_cast %add3A_1575 : vector<16xf32> to vector<1x1x1x16xf32>
        tpu.vector_store %arg5[%swap3A_1697, %swap3A_1698, %swap3A_1699, %swap3A_1700], %swap3A_1703 {strides = array<i32>} : memref<5x8x2x1024xf32, #tpu.memory_space<vmem>>, vector<1x1x1x16xf32>,
        %swap3A_1704 = arith.constant 0 : i32
        %swap3A_1705 = arith.index_cast %rem3A_269 : i32 to index
        %swap3A_1706 = arith.index_cast %scan3A_337 : i32 to index
        %swap3A_1707 = arith.index_cast %swap3A_1704 : i32 to index
        %swap3A_1708 = arith.constant 544 : index
        %swap3A_1709 = tpu.vector_load %arg5[%swap3A_1705, %swap3A_1706, %swap3A_1707, %swap3A_1708] {strides = array<i32>} : memref<5x8x2x1024xf32, #tpu.memory_space<vmem>>, vector<1x1x1x16xf32>,
        %swap3A_1710 = vector.shape_cast %swap3A_1709 : vector<1x1x1x16xf32> to vector<16xf32>
        %swap3A_1711 = vector.shape_cast %add3A_1583 : vector<16xf32> to vector<1x1x1x16xf32>
        tpu.vector_store %arg5[%swap3A_1705, %swap3A_1706, %swap3A_1707, %swap3A_1708], %swap3A_1711 {strides = array<i32>} : memref<5x8x2x1024xf32, #tpu.memory_space<vmem>>, vector<1x1x1x16xf32>,
        %swap3A_1712 = arith.constant 0 : i32
        %swap3A_1713 = arith.index_cast %rem3A_269 : i32 to index
        %swap3A_1714 = arith.index_cast %scan3A_337 : i32 to index
        %swap3A_1715 = arith.index_cast %swap3A_1712 : i32 to index
        %swap3A_1716 = arith.constant 560 : index
        %swap3A_1717 = tpu.vector_load %arg5[%swap3A_1713, %swap3A_1714, %swap3A_1715, %swap3A_1716] {strides = array<i32>} : memref<5x8x2x1024xf32, #tpu.memory_space<vmem>>, vector<1x1x1x16xf32>,
        %swap3A_1718 = vector.shape_cast %swap3A_1717 : vector<1x1x1x16xf32> to vector<16xf32>
        %swap3A_1719 = vector.shape_cast %add3A_1591 : vector<16xf32> to vector<1x1x1x16xf32>
        tpu.vector_store %arg5[%swap3A_1713, %swap3A_1714, %swap3A_1715, %swap3A_1716], %swap3A_1719 {strides = array<i32>} : memref<5x8x2x1024xf32, #tpu.memory_space<vmem>>, vector<1x1x1x16xf32>,
        %swap3A_1720 = arith.constant 0 : i32
        %swap3A_1721 = arith.index_cast %rem3A_269 : i32 to index
        %swap3A_1722 = arith.index_cast %scan3A_337 : i32 to index
        %swap3A_1723 = arith.index_cast %swap3A_1720 : i32 to index
        %swap3A_1724 = arith.constant 576 : index
        %swap3A_1725 = tpu.vector_load %arg5[%swap3A_1721, %swap3A_1722, %swap3A_1723, %swap3A_1724] {strides = array<i32>} : memref<5x8x2x1024xf32, #tpu.memory_space<vmem>>, vector<1x1x1x16xf32>,
        %swap3A_1726 = vector.shape_cast %swap3A_1725 : vector<1x1x1x16xf32> to vector<16xf32>
        %swap3A_1727 = vector.shape_cast %add3A_1599 : vector<16xf32> to vector<1x1x1x16xf32>
        tpu.vector_store %arg5[%swap3A_1721, %swap3A_1722, %swap3A_1723, %swap3A_1724], %swap3A_1727 {strides = array<i32>} : memref<5x8x2x1024xf32, #tpu.memory_space<vmem>>, vector<1x1x1x16xf32>,
        %swap3A_1728 = arith.constant 0 : i32
        %swap3A_1729 = arith.index_cast %rem3A_269 : i32 to index
        %swap3A_1730 = arith.index_cast %scan3A_337 : i32 to index
        %swap3A_1731 = arith.index_cast %swap3A_1728 : i32 to index
        %swap3A_1732 = arith.constant 592 : index
        %swap3A_1733 = tpu.vector_load %arg5[%swap3A_1729, %swap3A_1730, %swap3A_1731, %swap3A_1732] {strides = array<i32>} : memref<5x8x2x1024xf32, #tpu.memory_space<vmem>>, vector<1x1x1x16xf32>,
        %swap3A_1734 = vector.shape_cast %swap3A_1733 : vector<1x1x1x16xf32> to vector<16xf32>
        %swap3A_1735 = vector.shape_cast %add3A_1607 : vector<16xf32> to vector<1x1x1x16xf32>
        tpu.vector_store %arg5[%swap3A_1729, %swap3A_1730, %swap3A_1731, %swap3A_1732], %swap3A_1735 {strides = array<i32>} : memref<5x8x2x1024xf32, #tpu.memory_space<vmem>>, vector<1x1x1x16xf32>,
        %swap3A_1736 = arith.constant 0 : i32
        %swap3A_1737 = arith.index_cast %rem3A_269 : i32 to index
        %swap3A_1738 = arith.index_cast %scan3A_337 : i32 to index
        %swap3A_1739 = arith.index_cast %swap3A_1736 : i32 to index
        %swap3A_1740 = arith.constant 608 : index
        %swap3A_1741 = tpu.vector_load %arg5[%swap3A_1737, %swap3A_1738, %swap3A_1739, %swap3A_1740] {strides = array<i32>} : memref<5x8x2x1024xf32, #tpu.memory_space<vmem>>, vector<1x1x1x16xf32>,
        %swap3A_1742 = vector.shape_cast %swap3A_1741 : vector<1x1x1x16xf32> to vector<16xf32>
        %swap3A_1743 = vector.shape_cast %add3A_1615 : vector<16xf32> to vector<1x1x1x16xf32>
        tpu.vector_store %arg5[%swap3A_1737, %swap3A_1738, %swap3A_1739, %swap3A_1740], %swap3A_1743 {strides = array<i32>} : memref<5x8x2x1024xf32, #tpu.memory_space<vmem>>, vector<1x1x1x16xf32>,
        %swap3A_1744 = arith.constant 0 : i32
        %swap3A_1745 = arith.index_cast %rem3A_269 : i32 to index
        %swap3A_1746 = arith.index_cast %scan3A_337 : i32 to index
        %swap3A_1747 = arith.index_cast %swap3A_1744 : i32 to index
        %swap3A_1748 = arith.constant 624 : index
        %swap3A_1749 = tpu.vector_load %arg5[%swap3A_1745, %swap3A_1746, %swap3A_1747, %swap3A_1748] {strides = array<i32>} : memref<5x8x2x1024xf32, #tpu.memory_space<vmem>>, vector<1x1x1x16xf32>,
        %swap3A_1750 = vector.shape_cast %swap3A_1749 : vector<1x1x1x16xf32> to vector<16xf32>
        %swap3A_1751 = vector.shape_cast %add3A_1623 : vector<16xf32> to vector<1x1x1x16xf32>
        tpu.vector_store %arg5[%swap3A_1745, %swap3A_1746, %swap3A_1747, %swap3A_1748], %swap3A_1751 {strides = array<i32>} : memref<5x8x2x1024xf32, #tpu.memory_space<vmem>>, vector<1x1x1x16xf32>,
        %swap3A_1752 = arith.constant 1 : i32
        %swap3A_1753 = arith.index_cast %rem3A_269 : i32 to index
        %swap3A_1754 = arith.index_cast %scan3A_337 : i32 to index
        %swap3A_1755 = arith.index_cast %swap3A_1752 : i32 to index
        %swap3A_1756 = arith.constant 512 : index
        %swap3A_1757 = tpu.vector_load %arg5[%swap3A_1753, %swap3A_1754, %swap3A_1755, %swap3A_1756] {strides = array<i32>} : memref<5x8x2x1024xf32, #tpu.memory_space<vmem>>, vector<1x1x1x16xf32>,
        %swap3A_1758 = vector.shape_cast %swap3A_1757 : vector<1x1x1x16xf32> to vector<16xf32>
        %swap3A_1759 = vector.shape_cast %add3A_1631 : vector<16xf32> to vector<1x1x1x16xf32>
        tpu.vector_store %arg5[%swap3A_1753, %swap3A_1754, %swap3A_1755, %swap3A_1756], %swap3A_1759 {strides = array<i32>} : memref<5x8x2x1024xf32, #tpu.memory_space<vmem>>, vector<1x1x1x16xf32>,
        %swap3A_1760 = arith.constant 1 : i32
        %swap3A_1761 = arith.index_cast %rem3A_269 : i32 to index
        %swap3A_1762 = arith.index_cast %scan3A_337 : i32 to index
        %swap3A_1763 = arith.index_cast %swap3A_1760 : i32 to index
        %swap3A_1764 = arith.constant 528 : index
        %swap3A_1765 = tpu.vector_load %arg5[%swap3A_1761, %swap3A_1762, %swap3A_1763, %swap3A_1764] {strides = array<i32>} : memref<5x8x2x1024xf32, #tpu.memory_space<vmem>>, vector<1x1x1x16xf32>,
        %swap3A_1766 = vector.shape_cast %swap3A_1765 : vector<1x1x1x16xf32> to vector<16xf32>
        %swap3A_1767 = vector.shape_cast %add3A_1639 : vector<16xf32> to vector<1x1x1x16xf32>
        tpu.vector_store %arg5[%swap3A_1761, %swap3A_1762, %swap3A_1763, %swap3A_1764], %swap3A_1767 {strides = array<i32>} : memref<5x8x2x1024xf32, #tpu.memory_space<vmem>>, vector<1x1x1x16xf32>,
        %swap3A_1768 = arith.constant 1 : i32
        %swap3A_1769 = arith.index_cast %rem3A_269 : i32 to index
        %swap3A_1770 = arith.index_cast %scan3A_337 : i32 to index
        %swap3A_1771 = arith.index_cast %swap3A_1768 : i32 to index
        %swap3A_1772 = arith.constant 544 : index
        %swap3A_1773 = tpu.vector_load %arg5[%swap3A_1769, %swap3A_1770, %swap3A_1771, %swap3A_1772] {strides = array<i32>} : memref<5x8x2x1024xf32, #tpu.memory_space<vmem>>, vector<1x1x1x16xf32>,
        %swap3A_1774 = vector.shape_cast %swap3A_1773 : vector<1x1x1x16xf32> to vector<16xf32>
        %swap3A_1775 = vector.shape_cast %add3A_1647 : vector<16xf32> to vector<1x1x1x16xf32>
        tpu.vector_store %arg5[%swap3A_1769, %swap3A_1770, %swap3A_1771, %swap3A_1772], %swap3A_1775 {strides = array<i32>} : memref<5x8x2x1024xf32, #tpu.memory_space<vmem>>, vector<1x1x1x16xf32>,
        %swap3A_1776 = arith.constant 1 : i32
        %swap3A_1777 = arith.index_cast %rem3A_269 : i32 to index
        %swap3A_1778 = arith.index_cast %scan3A_337 : i32 to index
        %swap3A_1779 = arith.index_cast %swap3A_1776 : i32 to index
        %swap3A_1780 = arith.constant 560 : index
        %swap3A_1781 = tpu.vector_load %arg5[%swap3A_1777, %swap3A_1778, %swap3A_1779, %swap3A_1780] {strides = array<i32>} : memref<5x8x2x1024xf32, #tpu.memory_space<vmem>>, vector<1x1x1x16xf32>,
        %swap3A_1782 = vector.shape_cast %swap3A_1781 : vector<1x1x1x16xf32> to vector<16xf32>
        %swap3A_1783 = vector.shape_cast %add3A_1655 : vector<16xf32> to vector<1x1x1x16xf32>
        tpu.vector_store %arg5[%swap3A_1777, %swap3A_1778, %swap3A_1779, %swap3A_1780], %swap3A_1783 {strides = array<i32>} : memref<5x8x2x1024xf32, #tpu.memory_space<vmem>>, vector<1x1x1x16xf32>,
        %swap3A_1784 = arith.constant 1 : i32
        %swap3A_1785 = arith.index_cast %rem3A_269 : i32 to index
        %swap3A_1786 = arith.index_cast %scan3A_337 : i32 to index
        %swap3A_1787 = arith.index_cast %swap3A_1784 : i32 to index
        %swap3A_1788 = arith.constant 576 : index
        %swap3A_1789 = tpu.vector_load %arg5[%swap3A_1785, %swap3A_1786, %swap3A_1787, %swap3A_1788] {strides = array<i32>} : memref<5x8x2x1024xf32, #tpu.memory_space<vmem>>, vector<1x1x1x16xf32>,
        %swap3A_1790 = vector.shape_cast %swap3A_1789 : vector<1x1x1x16xf32> to vector<16xf32>
        %swap3A_1791 = vector.shape_cast %add3A_1663 : vector<16xf32> to vector<1x1x1x16xf32>
        tpu.vector_store %arg5[%swap3A_1785, %swap3A_1786, %swap3A_1787, %swap3A_1788], %swap3A_1791 {strides = array<i32>} : memref<5x8x2x1024xf32, #tpu.memory_space<vmem>>, vector<1x1x1x16xf32>,
        %swap3A_1792 = arith.constant 1 : i32
        %swap3A_1793 = arith.index_cast %rem3A_269 : i32 to index
        %swap3A_1794 = arith.index_cast %scan3A_337 : i32 to index
        %swap3A_1795 = arith.index_cast %swap3A_1792 : i32 to index
        %swap3A_1796 = arith.constant 592 : index
        %swap3A_1797 = tpu.vector_load %arg5[%swap3A_1793, %swap3A_1794, %swap3A_1795, %swap3A_1796] {strides = array<i32>} : memref<5x8x2x1024xf32, #tpu.memory_space<vmem>>, vector<1x1x1x16xf32>,
        %swap3A_1798 = vector.shape_cast %swap3A_1797 : vector<1x1x1x16xf32> to vector<16xf32>
        %swap3A_1799 = vector.shape_cast %add3A_1671 : vector<16xf32> to vector<1x1x1x16xf32>
        tpu.vector_store %arg5[%swap3A_1793, %swap3A_1794, %swap3A_1795, %swap3A_1796], %swap3A_1799 {strides = array<i32>} : memref<5x8x2x1024xf32, #tpu.memory_space<vmem>>, vector<1x1x1x16xf32>,
        %swap3A_1800 = arith.constant 1 : i32
        %swap3A_1801 = arith.index_cast %rem3A_269 : i32 to index
        %swap3A_1802 = arith.index_cast %scan3A_337 : i32 to index
        %swap3A_1803 = arith.index_cast %swap3A_1800 : i32 to index
        %swap3A_1804 = arith.constant 608 : index
        %swap3A_1805 = tpu.vector_load %arg5[%swap3A_1801, %swap3A_1802, %swap3A_1803, %swap3A_1804] {strides = array<i32>} : memref<5x8x2x1024xf32, #tpu.memory_space<vmem>>, vector<1x1x1x16xf32>,
        %swap3A_1806 = vector.shape_cast %swap3A_1805 : vector<1x1x1x16xf32> to vector<16xf32>
        %swap3A_1807 = vector.shape_cast %add3A_1679 : vector<16xf32> to vector<1x1x1x16xf32>
        tpu.vector_store %arg5[%swap3A_1801, %swap3A_1802, %swap3A_1803, %swap3A_1804], %swap3A_1807 {strides = array<i32>} : memref<5x8x2x1024xf32, #tpu.memory_space<vmem>>, vector<1x1x1x16xf32>,
        %swap3A_1808 = arith.constant 1 : i32
        %swap3A_1809 = arith.index_cast %rem3A_269 : i32 to index
        %swap3A_1810 = arith.index_cast %scan3A_337 : i32 to index
        %swap3A_1811 = arith.index_cast %swap3A_1808 : i32 to index
        %swap3A_1812 = arith.constant 624 : index
        %swap3A_1813 = tpu.vector_load %arg5[%swap3A_1809, %swap3A_1810, %swap3A_1811, %swap3A_1812] {strides = array<i32>} : memref<5x8x2x1024xf32, #tpu.memory_space<vmem>>, vector<1x1x1x16xf32>,
        %swap3A_1814 = vector.shape_cast %swap3A_1813 : vector<1x1x1x16xf32> to vector<16xf32>
        %swap3A_1815 = vector.shape_cast %add3A_1687 : vector<16xf32> to vector<1x1x1x16xf32>
        tpu.vector_store %arg5[%swap3A_1809, %swap3A_1810, %swap3A_1811, %swap3A_1812], %swap3A_1815 {strides = array<i32>} : memref<5x8x2x1024xf32, #tpu.memory_space<vmem>>, vector<1x1x1x16xf32>,
        %get3A_1816 = arith.index_cast %rem3A_269 : i32 to index
        %get3A_1817 = arith.index_cast %scan3A_337 : i32 to index
        %get3A_1818 = arith.constant 640 : index
        %get3A_1819 = tpu.vector_load %arg6[%get3A_1816, %get3A_1817, %get3A_1818] {strides = array<i32>} : memref<5x8x1024xf32, #tpu.memory_space<vmem>>, vector<1x1x16xf32>,
        %get3A_1820 = vector.shape_cast %get3A_1819 : vector<1x1x16xf32> to vector<16xf32>
        %get3A_1821 = arith.index_cast %rem3A_269 : i32 to index
        %get3A_1822 = arith.index_cast %scan3A_337 : i32 to index
        %get3A_1823 = arith.constant 656 : index
        %get3A_1824 = tpu.vector_load %arg6[%get3A_1821, %get3A_1822, %get3A_1823] {strides = array<i32>} : memref<5x8x1024xf32, #tpu.memory_space<vmem>>, vector<1x1x16xf32>,
        %get3A_1825 = vector.shape_cast %get3A_1824 : vector<1x1x16xf32> to vector<16xf32>
        %get3A_1826 = arith.index_cast %rem3A_269 : i32 to index
        %get3A_1827 = arith.index_cast %scan3A_337 : i32 to index
        %get3A_1828 = arith.constant 672 : index
        %get3A_1829 = tpu.vector_load %arg6[%get3A_1826, %get3A_1827, %get3A_1828] {strides = array<i32>} : memref<5x8x1024xf32, #tpu.memory_space<vmem>>, vector<1x1x16xf32>,
        %get3A_1830 = vector.shape_cast %get3A_1829 : vector<1x1x16xf32> to vector<16xf32>
        %get3A_1831 = arith.index_cast %rem3A_269 : i32 to index
        %get3A_1832 = arith.index_cast %scan3A_337 : i32 to index
        %get3A_1833 = arith.constant 688 : index
        %get3A_1834 = tpu.vector_load %arg6[%get3A_1831, %get3A_1832, %get3A_1833] {strides = array<i32>} : memref<5x8x1024xf32, #tpu.memory_space<vmem>>, vector<1x1x16xf32>,
        %get3A_1835 = vector.shape_cast %get3A_1834 : vector<1x1x16xf32> to vector<16xf32>
        %get3A_1836 = arith.index_cast %rem3A_269 : i32 to index
        %get3A_1837 = arith.index_cast %scan3A_337 : i32 to index
        %get3A_1838 = arith.constant 704 : index
        %get3A_1839 = tpu.vector_load %arg6[%get3A_1836, %get3A_1837, %get3A_1838] {strides = array<i32>} : memref<5x8x1024xf32, #tpu.memory_space<vmem>>, vector<1x1x16xf32>,
        %get3A_1840 = vector.shape_cast %get3A_1839 : vector<1x1x16xf32> to vector<16xf32>
        %get3A_1841 = arith.index_cast %rem3A_269 : i32 to index
        %get3A_1842 = arith.index_cast %scan3A_337 : i32 to index
        %get3A_1843 = arith.constant 720 : index
        %get3A_1844 = tpu.vector_load %arg6[%get3A_1841, %get3A_1842, %get3A_1843] {strides = array<i32>} : memref<5x8x1024xf32, #tpu.memory_space<vmem>>, vector<1x1x16xf32>,
        %get3A_1845 = vector.shape_cast %get3A_1844 : vector<1x1x16xf32> to vector<16xf32>
        %get3A_1846 = arith.index_cast %rem3A_269 : i32 to index
        %get3A_1847 = arith.index_cast %scan3A_337 : i32 to index
        %get3A_1848 = arith.constant 736 : index
        %get3A_1849 = tpu.vector_load %arg6[%get3A_1846, %get3A_1847, %get3A_1848] {strides = array<i32>} : memref<5x8x1024xf32, #tpu.memory_space<vmem>>, vector<1x1x16xf32>,
        %get3A_1850 = vector.shape_cast %get3A_1849 : vector<1x1x16xf32> to vector<16xf32>
        %get3A_1851 = arith.index_cast %rem3A_269 : i32 to index
        %get3A_1852 = arith.index_cast %scan3A_337 : i32 to index
        %get3A_1853 = arith.constant 752 : index
        %get3A_1854 = tpu.vector_load %arg6[%get3A_1851, %get3A_1852, %get3A_1853] {strides = array<i32>} : memref<5x8x1024xf32, #tpu.memory_space<vmem>>, vector<1x1x16xf32>,
        %get3A_1855 = vector.shape_cast %get3A_1854 : vector<1x1x16xf32> to vector<16xf32>
        %get3A_1856 = arith.constant 0 : i32
        %get3A_1857 = arith.index_cast %rem3A_269 : i32 to index
        %get3A_1858 = arith.index_cast %scan3A_337 : i32 to index
        %get3A_1859 = arith.index_cast %get3A_1856 : i32 to index
        %get3A_1860 = arith.constant 640 : index
        %get3A_1861 = tpu.vector_load %arg5[%get3A_1857, %get3A_1858, %get3A_1859, %get3A_1860] {strides = array<i32>} : memref<5x8x2x1024xf32, #tpu.memory_space<vmem>>, vector<1x1x1x16xf32>,
        %get3A_1862 = vector.shape_cast %get3A_1861 : vector<1x1x1x16xf32> to vector<16xf32>
        %add3A_1863 = arith.addf %get3A_1862, %get3A_1820 : vector<16xf32>
        %get3A_1864 = arith.constant 0 : i32
        %get3A_1865 = arith.index_cast %rem3A_269 : i32 to index
        %get3A_1866 = arith.index_cast %scan3A_337 : i32 to index
        %get3A_1867 = arith.index_cast %get3A_1864 : i32 to index
        %get3A_1868 = arith.constant 656 : index
        %get3A_1869 = tpu.vector_load %arg5[%get3A_1865, %get3A_1866, %get3A_1867, %get3A_1868] {strides = array<i32>} : memref<5x8x2x1024xf32, #tpu.memory_space<vmem>>, vector<1x1x1x16xf32>,
        %get3A_1870 = vector.shape_cast %get3A_1869 : vector<1x1x1x16xf32> to vector<16xf32>
        %add3A_1871 = arith.addf %get3A_1870, %get3A_1825 : vector<16xf32>
        %get3A_1872 = arith.constant 0 : i32
        %get3A_1873 = arith.index_cast %rem3A_269 : i32 to index
        %get3A_1874 = arith.index_cast %scan3A_337 : i32 to index
        %get3A_1875 = arith.index_cast %get3A_1872 : i32 to index
        %get3A_1876 = arith.constant 672 : index
        %get3A_1877 = tpu.vector_load %arg5[%get3A_1873, %get3A_1874, %get3A_1875, %get3A_1876] {strides = array<i32>} : memref<5x8x2x1024xf32, #tpu.memory_space<vmem>>, vector<1x1x1x16xf32>,
        %get3A_1878 = vector.shape_cast %get3A_1877 : vector<1x1x1x16xf32> to vector<16xf32>
        %add3A_1879 = arith.addf %get3A_1878, %get3A_1830 : vector<16xf32>
        %get3A_1880 = arith.constant 0 : i32
        %get3A_1881 = arith.index_cast %rem3A_269 : i32 to index
        %get3A_1882 = arith.index_cast %scan3A_337 : i32 to index
        %get3A_1883 = arith.index_cast %get3A_1880 : i32 to index
        %get3A_1884 = arith.constant 688 : index
        %get3A_1885 = tpu.vector_load %arg5[%get3A_1881, %get3A_1882, %get3A_1883, %get3A_1884] {strides = array<i32>} : memref<5x8x2x1024xf32, #tpu.memory_space<vmem>>, vector<1x1x1x16xf32>,
        %get3A_1886 = vector.shape_cast %get3A_1885 : vector<1x1x1x16xf32> to vector<16xf32>
        %add3A_1887 = arith.addf %get3A_1886, %get3A_1835 : vector<16xf32>
        %get3A_1888 = arith.constant 0 : i32
        %get3A_1889 = arith.index_cast %rem3A_269 : i32 to index
        %get3A_1890 = arith.index_cast %scan3A_337 : i32 to index
        %get3A_1891 = arith.index_cast %get3A_1888 : i32 to index
        %get3A_1892 = arith.constant 704 : index
        %get3A_1893 = tpu.vector_load %arg5[%get3A_1889, %get3A_1890, %get3A_1891, %get3A_1892] {strides = array<i32>} : memref<5x8x2x1024xf32, #tpu.memory_space<vmem>>, vector<1x1x1x16xf32>,
        %get3A_1894 = vector.shape_cast %get3A_1893 : vector<1x1x1x16xf32> to vector<16xf32>
        %add3A_1895 = arith.addf %get3A_1894, %get3A_1840 : vector<16xf32>
        %get3A_1896 = arith.constant 0 : i32
        %get3A_1897 = arith.index_cast %rem3A_269 : i32 to index
        %get3A_1898 = arith.index_cast %scan3A_337 : i32 to index
        %get3A_1899 = arith.index_cast %get3A_1896 : i32 to index
        %get3A_1900 = arith.constant 720 : index
        %get3A_1901 = tpu.vector_load %arg5[%get3A_1897, %get3A_1898, %get3A_1899, %get3A_1900] {strides = array<i32>} : memref<5x8x2x1024xf32, #tpu.memory_space<vmem>>, vector<1x1x1x16xf32>,
        %get3A_1902 = vector.shape_cast %get3A_1901 : vector<1x1x1x16xf32> to vector<16xf32>
        %add3A_1903 = arith.addf %get3A_1902, %get3A_1845 : vector<16xf32>
        %get3A_1904 = arith.constant 0 : i32
        %get3A_1905 = arith.index_cast %rem3A_269 : i32 to index
        %get3A_1906 = arith.index_cast %scan3A_337 : i32 to index
        %get3A_1907 = arith.index_cast %get3A_1904 : i32 to index
        %get3A_1908 = arith.constant 736 : index
        %get3A_1909 = tpu.vector_load %arg5[%get3A_1905, %get3A_1906, %get3A_1907, %get3A_1908] {strides = array<i32>} : memref<5x8x2x1024xf32, #tpu.memory_space<vmem>>, vector<1x1x1x16xf32>,
        %get3A_1910 = vector.shape_cast %get3A_1909 : vector<1x1x1x16xf32> to vector<16xf32>
        %add3A_1911 = arith.addf %get3A_1910, %get3A_1850 : vector<16xf32>
        %get3A_1912 = arith.constant 0 : i32
        %get3A_1913 = arith.index_cast %rem3A_269 : i32 to index
        %get3A_1914 = arith.index_cast %scan3A_337 : i32 to index
        %get3A_1915 = arith.index_cast %get3A_1912 : i32 to index
        %get3A_1916 = arith.constant 752 : index
        %get3A_1917 = tpu.vector_load %arg5[%get3A_1913, %get3A_1914, %get3A_1915, %get3A_1916] {strides = array<i32>} : memref<5x8x2x1024xf32, #tpu.memory_space<vmem>>, vector<1x1x1x16xf32>,
        %get3A_1918 = vector.shape_cast %get3A_1917 : vector<1x1x1x16xf32> to vector<16xf32>
        %add3A_1919 = arith.addf %get3A_1918, %get3A_1855 : vector<16xf32>
        %get3A_1920 = arith.constant 1 : i32
        %get3A_1921 = arith.index_cast %rem3A_269 : i32 to index
        %get3A_1922 = arith.index_cast %scan3A_337 : i32 to index
        %get3A_1923 = arith.index_cast %get3A_1920 : i32 to index
        %get3A_1924 = arith.constant 640 : index
        %get3A_1925 = tpu.vector_load %arg5[%get3A_1921, %get3A_1922, %get3A_1923, %get3A_1924] {strides = array<i32>} : memref<5x8x2x1024xf32, #tpu.memory_space<vmem>>, vector<1x1x1x16xf32>,
        %get3A_1926 = vector.shape_cast %get3A_1925 : vector<1x1x1x16xf32> to vector<16xf32>
        %add3A_1927 = arith.addf %get3A_1926, %get3A_1820 : vector<16xf32>
        %get3A_1928 = arith.constant 1 : i32
        %get3A_1929 = arith.index_cast %rem3A_269 : i32 to index
        %get3A_1930 = arith.index_cast %scan3A_337 : i32 to index
        %get3A_1931 = arith.index_cast %get3A_1928 : i32 to index
        %get3A_1932 = arith.constant 656 : index
        %get3A_1933 = tpu.vector_load %arg5[%get3A_1929, %get3A_1930, %get3A_1931, %get3A_1932] {strides = array<i32>} : memref<5x8x2x1024xf32, #tpu.memory_space<vmem>>, vector<1x1x1x16xf32>,
        %get3A_1934 = vector.shape_cast %get3A_1933 : vector<1x1x1x16xf32> to vector<16xf32>
        %add3A_1935 = arith.addf %get3A_1934, %get3A_1825 : vector<16xf32>
        %get3A_1936 = arith.constant 1 : i32
        %get3A_1937 = arith.index_cast %rem3A_269 : i32 to index
        %get3A_1938 = arith.index_cast %scan3A_337 : i32 to index
        %get3A_1939 = arith.index_cast %get3A_1936 : i32 to index
        %get3A_1940 = arith.constant 672 : index
        %get3A_1941 = tpu.vector_load %arg5[%get3A_1937, %get3A_1938, %get3A_1939, %get3A_1940] {strides = array<i32>} : memref<5x8x2x1024xf32, #tpu.memory_space<vmem>>, vector<1x1x1x16xf32>,
        %get3A_1942 = vector.shape_cast %get3A_1941 : vector<1x1x1x16xf32> to vector<16xf32>
        %add3A_1943 = arith.addf %get3A_1942, %get3A_1830 : vector<16xf32>
        %get3A_1944 = arith.constant 1 : i32
        %get3A_1945 = arith.index_cast %rem3A_269 : i32 to index
        %get3A_1946 = arith.index_cast %scan3A_337 : i32 to index
        %get3A_1947 = arith.index_cast %get3A_1944 : i32 to index
        %get3A_1948 = arith.constant 688 : index
        %get3A_1949 = tpu.vector_load %arg5[%get3A_1945, %get3A_1946, %get3A_1947, %get3A_1948] {strides = array<i32>} : memref<5x8x2x1024xf32, #tpu.memory_space<vmem>>, vector<1x1x1x16xf32>,
        %get3A_1950 = vector.shape_cast %get3A_1949 : vector<1x1x1x16xf32> to vector<16xf32>
        %add3A_1951 = arith.addf %get3A_1950, %get3A_1835 : vector<16xf32>
        %get3A_1952 = arith.constant 1 : i32
        %get3A_1953 = arith.index_cast %rem3A_269 : i32 to index
        %get3A_1954 = arith.index_cast %scan3A_337 : i32 to index
        %get3A_1955 = arith.index_cast %get3A_1952 : i32 to index
        %get3A_1956 = arith.constant 704 : index
        %get3A_1957 = tpu.vector_load %arg5[%get3A_1953, %get3A_1954, %get3A_1955, %get3A_1956] {strides = array<i32>} : memref<5x8x2x1024xf32, #tpu.memory_space<vmem>>, vector<1x1x1x16xf32>,
        %get3A_1958 = vector.shape_cast %get3A_1957 : vector<1x1x1x16xf32> to vector<16xf32>
        %add3A_1959 = arith.addf %get3A_1958, %get3A_1840 : vector<16xf32>
        %get3A_1960 = arith.constant 1 : i32
        %get3A_1961 = arith.index_cast %rem3A_269 : i32 to index
        %get3A_1962 = arith.index_cast %scan3A_337 : i32 to index
        %get3A_1963 = arith.index_cast %get3A_1960 : i32 to index
        %get3A_1964 = arith.constant 720 : index
        %get3A_1965 = tpu.vector_load %arg5[%get3A_1961, %get3A_1962, %get3A_1963, %get3A_1964] {strides = array<i32>} : memref<5x8x2x1024xf32, #tpu.memory_space<vmem>>, vector<1x1x1x16xf32>,
        %get3A_1966 = vector.shape_cast %get3A_1965 : vector<1x1x1x16xf32> to vector<16xf32>
        %add3A_1967 = arith.addf %get3A_1966, %get3A_1845 : vector<16xf32>
        %get3A_1968 = arith.constant 1 : i32
        %get3A_1969 = arith.index_cast %rem3A_269 : i32 to index
        %get3A_1970 = arith.index_cast %scan3A_337 : i32 to index
        %get3A_1971 = arith.index_cast %get3A_1968 : i32 to index
        %get3A_1972 = arith.constant 736 : index
        %get3A_1973 = tpu.vector_load %arg5[%get3A_1969, %get3A_1970, %get3A_1971, %get3A_1972] {strides = array<i32>} : memref<5x8x2x1024xf32, #tpu.memory_space<vmem>>, vector<1x1x1x16xf32>,
        %get3A_1974 = vector.shape_cast %get3A_1973 : vector<1x1x1x16xf32> to vector<16xf32>
        %add3A_1975 = arith.addf %get3A_1974, %get3A_1850 : vector<16xf32>
        %get3A_1976 = arith.constant 1 : i32
        %get3A_1977 = arith.index_cast %rem3A_269 : i32 to index
        %get3A_1978 = arith.index_cast %scan3A_337 : i32 to index
        %get3A_1979 = arith.index_cast %get3A_1976 : i32 to index
        %get3A_1980 = arith.constant 752 : index
        %get3A_1981 = tpu.vector_load %arg5[%get3A_1977, %get3A_1978, %get3A_1979, %get3A_1980] {strides = array<i32>} : memref<5x8x2x1024xf32, #tpu.memory_space<vmem>>, vector<1x1x1x16xf32>,
        %get3A_1982 = vector.shape_cast %get3A_1981 : vector<1x1x1x16xf32> to vector<16xf32>
        %add3A_1983 = arith.addf %get3A_1982, %get3A_1855 : vector<16xf32>
        %swap3A_1984 = arith.constant 0 : i32
        %swap3A_1985 = arith.index_cast %rem3A_269 : i32 to index
        %swap3A_1986 = arith.index_cast %scan3A_337 : i32 to index
        %swap3A_1987 = arith.index_cast %swap3A_1984 : i32 to index
        %swap3A_1988 = arith.constant 640 : index
        %swap3A_1989 = tpu.vector_load %arg5[%swap3A_1985, %swap3A_1986, %swap3A_1987, %swap3A_1988] {strides = array<i32>} : memref<5x8x2x1024xf32, #tpu.memory_space<vmem>>, vector<1x1x1x16xf32>,
        %swap3A_1990 = vector.shape_cast %swap3A_1989 : vector<1x1x1x16xf32> to vector<16xf32>
        %swap3A_1991 = vector.shape_cast %add3A_1863 : vector<16xf32> to vector<1x1x1x16xf32>
        tpu.vector_store %arg5[%swap3A_1985, %swap3A_1986, %swap3A_1987, %swap3A_1988], %swap3A_1991 {strides = array<i32>} : memref<5x8x2x1024xf32, #tpu.memory_space<vmem>>, vector<1x1x1x16xf32>,
        %swap3A_1992 = arith.constant 0 : i32
        %swap3A_1993 = arith.index_cast %rem3A_269 : i32 to index
        %swap3A_1994 = arith.index_cast %scan3A_337 : i32 to index
        %swap3A_1995 = arith.index_cast %swap3A_1992 : i32 to index
        %swap3A_1996 = arith.constant 656 : index
        %swap3A_1997 = tpu.vector_load %arg5[%swap3A_1993, %swap3A_1994, %swap3A_1995, %swap3A_1996] {strides = array<i32>} : memref<5x8x2x1024xf32, #tpu.memory_space<vmem>>, vector<1x1x1x16xf32>,
        %swap3A_1998 = vector.shape_cast %swap3A_1997 : vector<1x1x1x16xf32> to vector<16xf32>
        %swap3A_1999 = vector.shape_cast %add3A_1871 : vector<16xf32> to vector<1x1x1x16xf32>
        tpu.vector_store %arg5[%swap3A_1993, %swap3A_1994, %swap3A_1995, %swap3A_1996], %swap3A_1999 {strides = array<i32>} : memref<5x8x2x1024xf32, #tpu.memory_space<vmem>>, vector<1x1x1x16xf32>,
        %swap3A_2000 = arith.constant 0 : i32
        %swap3A_2001 = arith.index_cast %rem3A_269 : i32 to index
        %swap3A_2002 = arith.index_cast %scan3A_337 : i32 to index
        %swap3A_2003 = arith.index_cast %swap3A_2000 : i32 to index
        %swap3A_2004 = arith.constant 672 : index
        %swap3A_2005 = tpu.vector_load %arg5[%swap3A_2001, %swap3A_2002, %swap3A_2003, %swap3A_2004] {strides = array<i32>} : memref<5x8x2x1024xf32, #tpu.memory_space<vmem>>, vector<1x1x1x16xf32>,
        %swap3A_2006 = vector.shape_cast %swap3A_2005 : vector<1x1x1x16xf32> to vector<16xf32>
        %swap3A_2007 = vector.shape_cast %add3A_1879 : vector<16xf32> to vector<1x1x1x16xf32>
        tpu.vector_store %arg5[%swap3A_2001, %swap3A_2002, %swap3A_2003, %swap3A_2004], %swap3A_2007 {strides = array<i32>} : memref<5x8x2x1024xf32, #tpu.memory_space<vmem>>, vector<1x1x1x16xf32>,
        %swap3A_2008 = arith.constant 0 : i32
        %swap3A_2009 = arith.index_cast %rem3A_269 : i32 to index
        %swap3A_2010 = arith.index_cast %scan3A_337 : i32 to index
        %swap3A_2011 = arith.index_cast %swap3A_2008 : i32 to index
        %swap3A_2012 = arith.constant 688 : index
        %swap3A_2013 = tpu.vector_load %arg5[%swap3A_2009, %swap3A_2010, %swap3A_2011, %swap3A_2012] {strides = array<i32>} : memref<5x8x2x1024xf32, #tpu.memory_space<vmem>>, vector<1x1x1x16xf32>,
        %swap3A_2014 = vector.shape_cast %swap3A_2013 : vector<1x1x1x16xf32> to vector<16xf32>
        %swap3A_2015 = vector.shape_cast %add3A_1887 : vector<16xf32> to vector<1x1x1x16xf32>
        tpu.vector_store %arg5[%swap3A_2009, %swap3A_2010, %swap3A_2011, %swap3A_2012], %swap3A_2015 {strides = array<i32>} : memref<5x8x2x1024xf32, #tpu.memory_space<vmem>>, vector<1x1x1x16xf32>,
        %swap3A_2016 = arith.constant 0 : i32
        %swap3A_2017 = arith.index_cast %rem3A_269 : i32 to index
        %swap3A_2018 = arith.index_cast %scan3A_337 : i32 to index
        %swap3A_2019 = arith.index_cast %swap3A_2016 : i32 to index
        %swap3A_2020 = arith.constant 704 : index
        %swap3A_2021 = tpu.vector_load %arg5[%swap3A_2017, %swap3A_2018, %swap3A_2019, %swap3A_2020] {strides = array<i32>} : memref<5x8x2x1024xf32, #tpu.memory_space<vmem>>, vector<1x1x1x16xf32>,
        %swap3A_2022 = vector.shape_cast %swap3A_2021 : vector<1x1x1x16xf32> to vector<16xf32>
        %swap3A_2023 = vector.shape_cast %add3A_1895 : vector<16xf32> to vector<1x1x1x16xf32>
        tpu.vector_store %arg5[%swap3A_2017, %swap3A_2018, %swap3A_2019, %swap3A_2020], %swap3A_2023 {strides = array<i32>} : memref<5x8x2x1024xf32, #tpu.memory_space<vmem>>, vector<1x1x1x16xf32>,
        %swap3A_2024 = arith.constant 0 : i32
        %swap3A_2025 = arith.index_cast %rem3A_269 : i32 to index
        %swap3A_2026 = arith.index_cast %scan3A_337 : i32 to index
        %swap3A_2027 = arith.index_cast %swap3A_2024 : i32 to index
        %swap3A_2028 = arith.constant 720 : index
        %swap3A_2029 = tpu.vector_load %arg5[%swap3A_2025, %swap3A_2026, %swap3A_2027, %swap3A_2028] {strides = array<i32>} : memref<5x8x2x1024xf32, #tpu.memory_space<vmem>>, vector<1x1x1x16xf32>,
        %swap3A_2030 = vector.shape_cast %swap3A_2029 : vector<1x1x1x16xf32> to vector<16xf32>
        %swap3A_2031 = vector.shape_cast %add3A_1903 : vector<16xf32> to vector<1x1x1x16xf32>
        tpu.vector_store %arg5[%swap3A_2025, %swap3A_2026, %swap3A_2027, %swap3A_2028], %swap3A_2031 {strides = array<i32>} : memref<5x8x2x1024xf32, #tpu.memory_space<vmem>>, vector<1x1x1x16xf32>,
        %swap3A_2032 = arith.constant 0 : i32
        %swap3A_2033 = arith.index_cast %rem3A_269 : i32 to index
        %swap3A_2034 = arith.index_cast %scan3A_337 : i32 to index
        %swap3A_2035 = arith.index_cast %swap3A_2032 : i32 to index
        %swap3A_2036 = arith.constant 736 : index
        %swap3A_2037 = tpu.vector_load %arg5[%swap3A_2033, %swap3A_2034, %swap3A_2035, %swap3A_2036] {strides = array<i32>} : memref<5x8x2x1024xf32, #tpu.memory_space<vmem>>, vector<1x1x1x16xf32>,
        %swap3A_2038 = vector.shape_cast %swap3A_2037 : vector<1x1x1x16xf32> to vector<16xf32>
        %swap3A_2039 = vector.shape_cast %add3A_1911 : vector<16xf32> to vector<1x1x1x16xf32>
        tpu.vector_store %arg5[%swap3A_2033, %swap3A_2034, %swap3A_2035, %swap3A_2036], %swap3A_2039 {strides = array<i32>} : memref<5x8x2x1024xf32, #tpu.memory_space<vmem>>, vector<1x1x1x16xf32>,
        %swap3A_2040 = arith.constant 0 : i32
        %swap3A_2041 = arith.index_cast %rem3A_269 : i32 to index
        %swap3A_2042 = arith.index_cast %scan3A_337 : i32 to index
        %swap3A_2043 = arith.index_cast %swap3A_2040 : i32 to index
        %swap3A_2044 = arith.constant 752 : index
        %swap3A_2045 = tpu.vector_load %arg5[%swap3A_2041, %swap3A_2042, %swap3A_2043, %swap3A_2044] {strides = array<i32>} : memref<5x8x2x1024xf32, #tpu.memory_space<vmem>>, vector<1x1x1x16xf32>,
        %swap3A_2046 = vector.shape_cast %swap3A_2045 : vector<1x1x1x16xf32> to vector<16xf32>
        %swap3A_2047 = vector.shape_cast %add3A_1919 : vector<16xf32> to vector<1x1x1x16xf32>
        tpu.vector_store %arg5[%swap3A_2041, %swap3A_2042, %swap3A_2043, %swap3A_2044], %swap3A_2047 {strides = array<i32>} : memref<5x8x2x1024xf32, #tpu.memory_space<vmem>>, vector<1x1x1x16xf32>,
        %swap3A_2048 = arith.constant 1 : i32
        %swap3A_2049 = arith.index_cast %rem3A_269 : i32 to index
        %swap3A_2050 = arith.index_cast %scan3A_337 : i32 to index
        %swap3A_2051 = arith.index_cast %swap3A_2048 : i32 to index
        %swap3A_2052 = arith.constant 640 : index
        %swap3A_2053 = tpu.vector_load %arg5[%swap3A_2049, %swap3A_2050, %swap3A_2051, %swap3A_2052] {strides = array<i32>} : memref<5x8x2x1024xf32, #tpu.memory_space<vmem>>, vector<1x1x1x16xf32>,
        %swap3A_2054 = vector.shape_cast %swap3A_2053 : vector<1x1x1x16xf32> to vector<16xf32>
        %swap3A_2055 = vector.shape_cast %add3A_1927 : vector<16xf32> to vector<1x1x1x16xf32>
        tpu.vector_store %arg5[%swap3A_2049, %swap3A_2050, %swap3A_2051, %swap3A_2052], %swap3A_2055 {strides = array<i32>} : memref<5x8x2x1024xf32, #tpu.memory_space<vmem>>, vector<1x1x1x16xf32>,
        %swap3A_2056 = arith.constant 1 : i32
        %swap3A_2057 = arith.index_cast %rem3A_269 : i32 to index
        %swap3A_2058 = arith.index_cast %scan3A_337 : i32 to index
        %swap3A_2059 = arith.index_cast %swap3A_2056 : i32 to index
        %swap3A_2060 = arith.constant 656 : index
        %swap3A_2061 = tpu.vector_load %arg5[%swap3A_2057, %swap3A_2058, %swap3A_2059, %swap3A_2060] {strides = array<i32>} : memref<5x8x2x1024xf32, #tpu.memory_space<vmem>>, vector<1x1x1x16xf32>,
        %swap3A_2062 = vector.shape_cast %swap3A_2061 : vector<1x1x1x16xf32> to vector<16xf32>
        %swap3A_2063 = vector.shape_cast %add3A_1935 : vector<16xf32> to vector<1x1x1x16xf32>
        tpu.vector_store %arg5[%swap3A_2057, %swap3A_2058, %swap3A_2059, %swap3A_2060], %swap3A_2063 {strides = array<i32>} : memref<5x8x2x1024xf32, #tpu.memory_space<vmem>>, vector<1x1x1x16xf32>,
        %swap3A_2064 = arith.constant 1 : i32
        %swap3A_2065 = arith.index_cast %rem3A_269 : i32 to index
        %swap3A_2066 = arith.index_cast %scan3A_337 : i32 to index
        %swap3A_2067 = arith.index_cast %swap3A_2064 : i32 to index
        %swap3A_2068 = arith.constant 672 : index
        %swap3A_2069 = tpu.vector_load %arg5[%swap3A_2065, %swap3A_2066, %swap3A_2067, %swap3A_2068] {strides = array<i32>} : memref<5x8x2x1024xf32, #tpu.memory_space<vmem>>, vector<1x1x1x16xf32>,
        %swap3A_2070 = vector.shape_cast %swap3A_2069 : vector<1x1x1x16xf32> to vector<16xf32>
        %swap3A_2071 = vector.shape_cast %add3A_1943 : vector<16xf32> to vector<1x1x1x16xf32>
        tpu.vector_store %arg5[%swap3A_2065, %swap3A_2066, %swap3A_2067, %swap3A_2068], %swap3A_2071 {strides = array<i32>} : memref<5x8x2x1024xf32, #tpu.memory_space<vmem>>, vector<1x1x1x16xf32>,
        %swap3A_2072 = arith.constant 1 : i32
        %swap3A_2073 = arith.index_cast %rem3A_269 : i32 to index
        %swap3A_2074 = arith.index_cast %scan3A_337 : i32 to index
        %swap3A_2075 = arith.index_cast %swap3A_2072 : i32 to index
        %swap3A_2076 = arith.constant 688 : index
        %swap3A_2077 = tpu.vector_load %arg5[%swap3A_2073, %swap3A_2074, %swap3A_2075, %swap3A_2076] {strides = array<i32>} : memref<5x8x2x1024xf32, #tpu.memory_space<vmem>>, vector<1x1x1x16xf32>,
        %swap3A_2078 = vector.shape_cast %swap3A_2077 : vector<1x1x1x16xf32> to vector<16xf32>
        %swap3A_2079 = vector.shape_cast %add3A_1951 : vector<16xf32> to vector<1x1x1x16xf32>
        tpu.vector_store %arg5[%swap3A_2073, %swap3A_2074, %swap3A_2075, %swap3A_2076], %swap3A_2079 {strides = array<i32>} : memref<5x8x2x1024xf32, #tpu.memory_space<vmem>>, vector<1x1x1x16xf32>,
        %swap3A_2080 = arith.constant 1 : i32
        %swap3A_2081 = arith.index_cast %rem3A_269 : i32 to index
        %swap3A_2082 = arith.index_cast %scan3A_337 : i32 to index
        %swap3A_2083 = arith.index_cast %swap3A_2080 : i32 to index
        %swap3A_2084 = arith.constant 704 : index
        %swap3A_2085 = tpu.vector_load %arg5[%swap3A_2081, %swap3A_2082, %swap3A_2083, %swap3A_2084] {strides = array<i32>} : memref<5x8x2x1024xf32, #tpu.memory_space<vmem>>, vector<1x1x1x16xf32>,
        %swap3A_2086 = vector.shape_cast %swap3A_2085 : vector<1x1x1x16xf32> to vector<16xf32>
        %swap3A_2087 = vector.shape_cast %add3A_1959 : vector<16xf32> to vector<1x1x1x16xf32>
        tpu.vector_store %arg5[%swap3A_2081, %swap3A_2082, %swap3A_2083, %swap3A_2084], %swap3A_2087 {strides = array<i32>} : memref<5x8x2x1024xf32, #tpu.memory_space<vmem>>, vector<1x1x1x16xf32>,
        %swap3A_2088 = arith.constant 1 : i32
        %swap3A_2089 = arith.index_cast %rem3A_269 : i32 to index
        %swap3A_2090 = arith.index_cast %scan3A_337 : i32 to index
        %swap3A_2091 = arith.index_cast %swap3A_2088 : i32 to index
        %swap3A_2092 = arith.constant 720 : index
        %swap3A_2093 = tpu.vector_load %arg5[%swap3A_2089, %swap3A_2090, %swap3A_2091, %swap3A_2092] {strides = array<i32>} : memref<5x8x2x1024xf32, #tpu.memory_space<vmem>>, vector<1x1x1x16xf32>,
        %swap3A_2094 = vector.shape_cast %swap3A_2093 : vector<1x1x1x16xf32> to vector<16xf32>
        %swap3A_2095 = vector.shape_cast %add3A_1967 : vector<16xf32> to vector<1x1x1x16xf32>
        tpu.vector_store %arg5[%swap3A_2089, %swap3A_2090, %swap3A_2091, %swap3A_2092], %swap3A_2095 {strides = array<i32>} : memref<5x8x2x1024xf32, #tpu.memory_space<vmem>>, vector<1x1x1x16xf32>,
        %swap3A_2096 = arith.constant 1 : i32
        %swap3A_2097 = arith.index_cast %rem3A_269 : i32 to index
        %swap3A_2098 = arith.index_cast %scan3A_337 : i32 to index
        %swap3A_2099 = arith.index_cast %swap3A_2096 : i32 to index
        %swap3A_2100 = arith.constant 736 : index
        %swap3A_2101 = tpu.vector_load %arg5[%swap3A_2097, %swap3A_2098, %swap3A_2099, %swap3A_2100] {strides = array<i32>} : memref<5x8x2x1024xf32, #tpu.memory_space<vmem>>, vector<1x1x1x16xf32>,
        %swap3A_2102 = vector.shape_cast %swap3A_2101 : vector<1x1x1x16xf32> to vector<16xf32>
        %swap3A_2103 = vector.shape_cast %add3A_1975 : vector<16xf32> to vector<1x1x1x16xf32>
        tpu.vector_store %arg5[%swap3A_2097, %swap3A_2098, %swap3A_2099, %swap3A_2100], %swap3A_2103 {strides = array<i32>} : memref<5x8x2x1024xf32, #tpu.memory_space<vmem>>, vector<1x1x1x16xf32>,
        %swap3A_2104 = arith.constant 1 : i32
        %swap3A_2105 = arith.index_cast %rem3A_269 : i32 to index
        %swap3A_2106 = arith.index_cast %scan3A_337 : i32 to index
        %swap3A_2107 = arith.index_cast %swap3A_2104 : i32 to index
        %swap3A_2108 = arith.constant 752 : index
        %swap3A_2109 = tpu.vector_load %arg5[%swap3A_2105, %swap3A_2106, %swap3A_2107, %swap3A_2108] {strides = array<i32>} : memref<5x8x2x1024xf32, #tpu.memory_space<vmem>>, vector<1x1x1x16xf32>,
        %swap3A_2110 = vector.shape_cast %swap3A_2109 : vector<1x1x1x16xf32> to vector<16xf32>
        %swap3A_2111 = vector.shape_cast %add3A_1983 : vector<16xf32> to vector<1x1x1x16xf32>
        tpu.vector_store %arg5[%swap3A_2105, %swap3A_2106, %swap3A_2107, %swap3A_2108], %swap3A_2111 {strides = array<i32>} : memref<5x8x2x1024xf32, #tpu.memory_space<vmem>>, vector<1x1x1x16xf32>,
        %get3A_2112 = arith.index_cast %rem3A_269 : i32 to index
        %get3A_2113 = arith.index_cast %scan3A_337 : i32 to index
        %get3A_2114 = arith.constant 768 : index
        %get3A_2115 = tpu.vector_load %arg6[%get3A_2112, %get3A_2113, %get3A_2114] {strides = array<i32>} : memref<5x8x1024xf32, #tpu.memory_space<vmem>>, vector<1x1x16xf32>,
        %get3A_2116 = vector.shape_cast %get3A_2115 : vector<1x1x16xf32> to vector<16xf32>
        %get3A_2117 = arith.index_cast %rem3A_269 : i32 to index
        %get3A_2118 = arith.index_cast %scan3A_337 : i32 to index
        %get3A_2119 = arith.constant 784 : index
        %get3A_2120 = tpu.vector_load %arg6[%get3A_2117, %get3A_2118, %get3A_2119] {strides = array<i32>} : memref<5x8x1024xf32, #tpu.memory_space<vmem>>, vector<1x1x16xf32>,
        %get3A_2121 = vector.shape_cast %get3A_2120 : vector<1x1x16xf32> to vector<16xf32>
        %get3A_2122 = arith.index_cast %rem3A_269 : i32 to index
        %get3A_2123 = arith.index_cast %scan3A_337 : i32 to index
        %get3A_2124 = arith.constant 800 : index
        %get3A_2125 = tpu.vector_load %arg6[%get3A_2122, %get3A_2123, %get3A_2124] {strides = array<i32>} : memref<5x8x1024xf32, #tpu.memory_space<vmem>>, vector<1x1x16xf32>,
        %get3A_2126 = vector.shape_cast %get3A_2125 : vector<1x1x16xf32> to vector<16xf32>
        %get3A_2127 = arith.index_cast %rem3A_269 : i32 to index
        %get3A_2128 = arith.index_cast %scan3A_337 : i32 to index
        %get3A_2129 = arith.constant 816 : index
        %get3A_2130 = tpu.vector_load %arg6[%get3A_2127, %get3A_2128, %get3A_2129] {strides = array<i32>} : memref<5x8x1024xf32, #tpu.memory_space<vmem>>, vector<1x1x16xf32>,
        %get3A_2131 = vector.shape_cast %get3A_2130 : vector<1x1x16xf32> to vector<16xf32>
        %get3A_2132 = arith.index_cast %rem3A_269 : i32 to index
        %get3A_2133 = arith.index_cast %scan3A_337 : i32 to index
        %get3A_2134 = arith.constant 832 : index
        %get3A_2135 = tpu.vector_load %arg6[%get3A_2132, %get3A_2133, %get3A_2134] {strides = array<i32>} : memref<5x8x1024xf32, #tpu.memory_space<vmem>>, vector<1x1x16xf32>,
        %get3A_2136 = vector.shape_cast %get3A_2135 : vector<1x1x16xf32> to vector<16xf32>
        %get3A_2137 = arith.index_cast %rem3A_269 : i32 to index
        %get3A_2138 = arith.index_cast %scan3A_337 : i32 to index
        %get3A_2139 = arith.constant 848 : index
        %get3A_2140 = tpu.vector_load %arg6[%get3A_2137, %get3A_2138, %get3A_2139] {strides = array<i32>} : memref<5x8x1024xf32, #tpu.memory_space<vmem>>, vector<1x1x16xf32>,
        %get3A_2141 = vector.shape_cast %get3A_2140 : vector<1x1x16xf32> to vector<16xf32>
        %get3A_2142 = arith.index_cast %rem3A_269 : i32 to index
        %get3A_2143 = arith.index_cast %scan3A_337 : i32 to index
        %get3A_2144 = arith.constant 864 : index
        %get3A_2145 = tpu.vector_load %arg6[%get3A_2142, %get3A_2143, %get3A_2144] {strides = array<i32>} : memref<5x8x1024xf32, #tpu.memory_space<vmem>>, vector<1x1x16xf32>,
        %get3A_2146 = vector.shape_cast %get3A_2145 : vector<1x1x16xf32> to vector<16xf32>
        %get3A_2147 = arith.index_cast %rem3A_269 : i32 to index
        %get3A_2148 = arith.index_cast %scan3A_337 : i32 to index
        %get3A_2149 = arith.constant 880 : index
        %get3A_2150 = tpu.vector_load %arg6[%get3A_2147, %get3A_2148, %get3A_2149] {strides = array<i32>} : memref<5x8x1024xf32, #tpu.memory_space<vmem>>, vector<1x1x16xf32>,
        %get3A_2151 = vector.shape_cast %get3A_2150 : vector<1x1x16xf32> to vector<16xf32>
        %get3A_2152 = arith.constant 0 : i32
        %get3A_2153 = arith.index_cast %rem3A_269 : i32 to index
        %get3A_2154 = arith.index_cast %scan3A_337 : i32 to index
        %get3A_2155 = arith.index_cast %get3A_2152 : i32 to index
        %get3A_2156 = arith.constant 768 : index
        %get3A_2157 = tpu.vector_load %arg5[%get3A_2153, %get3A_2154, %get3A_2155, %get3A_2156] {strides = array<i32>} : memref<5x8x2x1024xf32, #tpu.memory_space<vmem>>, vector<1x1x1x16xf32>,
        %get3A_2158 = vector.shape_cast %get3A_2157 : vector<1x1x1x16xf32> to vector<16xf32>
        %add3A_2159 = arith.addf %get3A_2158, %get3A_2116 : vector<16xf32>
        %get3A_2160 = arith.constant 0 : i32
        %get3A_2161 = arith.index_cast %rem3A_269 : i32 to index
        %get3A_2162 = arith.index_cast %scan3A_337 : i32 to index
        %get3A_2163 = arith.index_cast %get3A_2160 : i32 to index
        %get3A_2164 = arith.constant 784 : index
        %get3A_2165 = tpu.vector_load %arg5[%get3A_2161, %get3A_2162, %get3A_2163, %get3A_2164] {strides = array<i32>} : memref<5x8x2x1024xf32, #tpu.memory_space<vmem>>, vector<1x1x1x16xf32>,
        %get3A_2166 = vector.shape_cast %get3A_2165 : vector<1x1x1x16xf32> to vector<16xf32>
        %add3A_2167 = arith.addf %get3A_2166, %get3A_2121 : vector<16xf32>
        %get3A_2168 = arith.constant 0 : i32
        %get3A_2169 = arith.index_cast %rem3A_269 : i32 to index
        %get3A_2170 = arith.index_cast %scan3A_337 : i32 to index
        %get3A_2171 = arith.index_cast %get3A_2168 : i32 to index
        %get3A_2172 = arith.constant 800 : index
        %get3A_2173 = tpu.vector_load %arg5[%get3A_2169, %get3A_2170, %get3A_2171, %get3A_2172] {strides = array<i32>} : memref<5x8x2x1024xf32, #tpu.memory_space<vmem>>, vector<1x1x1x16xf32>,
        %get3A_2174 = vector.shape_cast %get3A_2173 : vector<1x1x1x16xf32> to vector<16xf32>
        %add3A_2175 = arith.addf %get3A_2174, %get3A_2126 : vector<16xf32>
        %get3A_2176 = arith.constant 0 : i32
        %get3A_2177 = arith.index_cast %rem3A_269 : i32 to index
        %get3A_2178 = arith.index_cast %scan3A_337 : i32 to index
        %get3A_2179 = arith.index_cast %get3A_2176 : i32 to index
        %get3A_2180 = arith.constant 816 : index
        %get3A_2181 = tpu.vector_load %arg5[%get3A_2177, %get3A_2178, %get3A_2179, %get3A_2180] {strides = array<i32>} : memref<5x8x2x1024xf32, #tpu.memory_space<vmem>>, vector<1x1x1x16xf32>,
        %get3A_2182 = vector.shape_cast %get3A_2181 : vector<1x1x1x16xf32> to vector<16xf32>
        %add3A_2183 = arith.addf %get3A_2182, %get3A_2131 : vector<16xf32>
        %get3A_2184 = arith.constant 0 : i32
        %get3A_2185 = arith.index_cast %rem3A_269 : i32 to index
        %get3A_2186 = arith.index_cast %scan3A_337 : i32 to index
        %get3A_2187 = arith.index_cast %get3A_2184 : i32 to index
        %get3A_2188 = arith.constant 832 : index
        %get3A_2189 = tpu.vector_load %arg5[%get3A_2185, %get3A_2186, %get3A_2187, %get3A_2188] {strides = array<i32>} : memref<5x8x2x1024xf32, #tpu.memory_space<vmem>>, vector<1x1x1x16xf32>,
        %get3A_2190 = vector.shape_cast %get3A_2189 : vector<1x1x1x16xf32> to vector<16xf32>
        %add3A_2191 = arith.addf %get3A_2190, %get3A_2136 : vector<16xf32>
        %get3A_2192 = arith.constant 0 : i32
        %get3A_2193 = arith.index_cast %rem3A_269 : i32 to index
        %get3A_2194 = arith.index_cast %scan3A_337 : i32 to index
        %get3A_2195 = arith.index_cast %get3A_2192 : i32 to index
        %get3A_2196 = arith.constant 848 : index
        %get3A_2197 = tpu.vector_load %arg5[%get3A_2193, %get3A_2194, %get3A_2195, %get3A_2196] {strides = array<i32>} : memref<5x8x2x1024xf32, #tpu.memory_space<vmem>>, vector<1x1x1x16xf32>,
        %get3A_2198 = vector.shape_cast %get3A_2197 : vector<1x1x1x16xf32> to vector<16xf32>
        %add3A_2199 = arith.addf %get3A_2198, %get3A_2141 : vector<16xf32>
        %get3A_2200 = arith.constant 0 : i32
        %get3A_2201 = arith.index_cast %rem3A_269 : i32 to index
        %get3A_2202 = arith.index_cast %scan3A_337 : i32 to index
        %get3A_2203 = arith.index_cast %get3A_2200 : i32 to index
        %get3A_2204 = arith.constant 864 : index
        %get3A_2205 = tpu.vector_load %arg5[%get3A_2201, %get3A_2202, %get3A_2203, %get3A_2204] {strides = array<i32>} : memref<5x8x2x1024xf32, #tpu.memory_space<vmem>>, vector<1x1x1x16xf32>,
        %get3A_2206 = vector.shape_cast %get3A_2205 : vector<1x1x1x16xf32> to vector<16xf32>
        %add3A_2207 = arith.addf %get3A_2206, %get3A_2146 : vector<16xf32>
        %get3A_2208 = arith.constant 0 : i32
        %get3A_2209 = arith.index_cast %rem3A_269 : i32 to index
        %get3A_2210 = arith.index_cast %scan3A_337 : i32 to index
        %get3A_2211 = arith.index_cast %get3A_2208 : i32 to index
        %get3A_2212 = arith.constant 880 : index
        %get3A_2213 = tpu.vector_load %arg5[%get3A_2209, %get3A_2210, %get3A_2211, %get3A_2212] {strides = array<i32>} : memref<5x8x2x1024xf32, #tpu.memory_space<vmem>>, vector<1x1x1x16xf32>,
        %get3A_2214 = vector.shape_cast %get3A_2213 : vector<1x1x1x16xf32> to vector<16xf32>
        %add3A_2215 = arith.addf %get3A_2214, %get3A_2151 : vector<16xf32>
        %get3A_2216 = arith.constant 1 : i32
        %get3A_2217 = arith.index_cast %rem3A_269 : i32 to index
        %get3A_2218 = arith.index_cast %scan3A_337 : i32 to index
        %get3A_2219 = arith.index_cast %get3A_2216 : i32 to index
        %get3A_2220 = arith.constant 768 : index
        %get3A_2221 = tpu.vector_load %arg5[%get3A_2217, %get3A_2218, %get3A_2219, %get3A_2220] {strides = array<i32>} : memref<5x8x2x1024xf32, #tpu.memory_space<vmem>>, vector<1x1x1x16xf32>,
        %get3A_2222 = vector.shape_cast %get3A_2221 : vector<1x1x1x16xf32> to vector<16xf32>
        %add3A_2223 = arith.addf %get3A_2222, %get3A_2116 : vector<16xf32>
        %get3A_2224 = arith.constant 1 : i32
        %get3A_2225 = arith.index_cast %rem3A_269 : i32 to index
        %get3A_2226 = arith.index_cast %scan3A_337 : i32 to index
        %get3A_2227 = arith.index_cast %get3A_2224 : i32 to index
        %get3A_2228 = arith.constant 784 : index
        %get3A_2229 = tpu.vector_load %arg5[%get3A_2225, %get3A_2226, %get3A_2227, %get3A_2228] {strides = array<i32>} : memref<5x8x2x1024xf32, #tpu.memory_space<vmem>>, vector<1x1x1x16xf32>,
        %get3A_2230 = vector.shape_cast %get3A_2229 : vector<1x1x1x16xf32> to vector<16xf32>
        %add3A_2231 = arith.addf %get3A_2230, %get3A_2121 : vector<16xf32>
        %get3A_2232 = arith.constant 1 : i32
        %get3A_2233 = arith.index_cast %rem3A_269 : i32 to index
        %get3A_2234 = arith.index_cast %scan3A_337 : i32 to index
        %get3A_2235 = arith.index_cast %get3A_2232 : i32 to index
        %get3A_2236 = arith.constant 800 : index
        %get3A_2237 = tpu.vector_load %arg5[%get3A_2233, %get3A_2234, %get3A_2235, %get3A_2236] {strides = array<i32>} : memref<5x8x2x1024xf32, #tpu.memory_space<vmem>>, vector<1x1x1x16xf32>,
        %get3A_2238 = vector.shape_cast %get3A_2237 : vector<1x1x1x16xf32> to vector<16xf32>
        %add3A_2239 = arith.addf %get3A_2238, %get3A_2126 : vector<16xf32>
        %get3A_2240 = arith.constant 1 : i32
        %get3A_2241 = arith.index_cast %rem3A_269 : i32 to index
        %get3A_2242 = arith.index_cast %scan3A_337 : i32 to index
        %get3A_2243 = arith.index_cast %get3A_2240 : i32 to index
        %get3A_2244 = arith.constant 816 : index
        %get3A_2245 = tpu.vector_load %arg5[%get3A_2241, %get3A_2242, %get3A_2243, %get3A_2244] {strides = array<i32>} : memref<5x8x2x1024xf32, #tpu.memory_space<vmem>>, vector<1x1x1x16xf32>,
        %get3A_2246 = vector.shape_cast %get3A_2245 : vector<1x1x1x16xf32> to vector<16xf32>
        %add3A_2247 = arith.addf %get3A_2246, %get3A_2131 : vector<16xf32>
        %get3A_2248 = arith.constant 1 : i32
        %get3A_2249 = arith.index_cast %rem3A_269 : i32 to index
        %get3A_2250 = arith.index_cast %scan3A_337 : i32 to index
        %get3A_2251 = arith.index_cast %get3A_2248 : i32 to index
        %get3A_2252 = arith.constant 832 : index
        %get3A_2253 = tpu.vector_load %arg5[%get3A_2249, %get3A_2250, %get3A_2251, %get3A_2252] {strides = array<i32>} : memref<5x8x2x1024xf32, #tpu.memory_space<vmem>>, vector<1x1x1x16xf32>,
        %get3A_2254 = vector.shape_cast %get3A_2253 : vector<1x1x1x16xf32> to vector<16xf32>
        %add3A_2255 = arith.addf %get3A_2254, %get3A_2136 : vector<16xf32>
        %get3A_2256 = arith.constant 1 : i32
        %get3A_2257 = arith.index_cast %rem3A_269 : i32 to index
        %get3A_2258 = arith.index_cast %scan3A_337 : i32 to index
        %get3A_2259 = arith.index_cast %get3A_2256 : i32 to index
        %get3A_2260 = arith.constant 848 : index
        %get3A_2261 = tpu.vector_load %arg5[%get3A_2257, %get3A_2258, %get3A_2259, %get3A_2260] {strides = array<i32>} : memref<5x8x2x1024xf32, #tpu.memory_space<vmem>>, vector<1x1x1x16xf32>,
        %get3A_2262 = vector.shape_cast %get3A_2261 : vector<1x1x1x16xf32> to vector<16xf32>
        %add3A_2263 = arith.addf %get3A_2262, %get3A_2141 : vector<16xf32>
        %get3A_2264 = arith.constant 1 : i32
        %get3A_2265 = arith.index_cast %rem3A_269 : i32 to index
        %get3A_2266 = arith.index_cast %scan3A_337 : i32 to index
        %get3A_2267 = arith.index_cast %get3A_2264 : i32 to index
        %get3A_2268 = arith.constant 864 : index
        %get3A_2269 = tpu.vector_load %arg5[%get3A_2265, %get3A_2266, %get3A_2267, %get3A_2268] {strides = array<i32>} : memref<5x8x2x1024xf32, #tpu.memory_space<vmem>>, vector<1x1x1x16xf32>,
        %get3A_2270 = vector.shape_cast %get3A_2269 : vector<1x1x1x16xf32> to vector<16xf32>
        %add3A_2271 = arith.addf %get3A_2270, %get3A_2146 : vector<16xf32>
        %get3A_2272 = arith.constant 1 : i32
        %get3A_2273 = arith.index_cast %rem3A_269 : i32 to index
        %get3A_2274 = arith.index_cast %scan3A_337 : i32 to index
        %get3A_2275 = arith.index_cast %get3A_2272 : i32 to index
        %get3A_2276 = arith.constant 880 : index
        %get3A_2277 = tpu.vector_load %arg5[%get3A_2273, %get3A_2274, %get3A_2275, %get3A_2276] {strides = array<i32>} : memref<5x8x2x1024xf32, #tpu.memory_space<vmem>>, vector<1x1x1x16xf32>,
        %get3A_2278 = vector.shape_cast %get3A_2277 : vector<1x1x1x16xf32> to vector<16xf32>
        %add3A_2279 = arith.addf %get3A_2278, %get3A_2151 : vector<16xf32>
        %swap3A_2280 = arith.constant 0 : i32
        %swap3A_2281 = arith.index_cast %rem3A_269 : i32 to index
        %swap3A_2282 = arith.index_cast %scan3A_337 : i32 to index
        %swap3A_2283 = arith.index_cast %swap3A_2280 : i32 to index
        %swap3A_2284 = arith.constant 768 : index
        %swap3A_2285 = tpu.vector_load %arg5[%swap3A_2281, %swap3A_2282, %swap3A_2283, %swap3A_2284] {strides = array<i32>} : memref<5x8x2x1024xf32, #tpu.memory_space<vmem>>, vector<1x1x1x16xf32>,
        %swap3A_2286 = vector.shape_cast %swap3A_2285 : vector<1x1x1x16xf32> to vector<16xf32>
        %swap3A_2287 = vector.shape_cast %add3A_2159 : vector<16xf32> to vector<1x1x1x16xf32>
        tpu.vector_store %arg5[%swap3A_2281, %swap3A_2282, %swap3A_2283, %swap3A_2284], %swap3A_2287 {strides = array<i32>} : memref<5x8x2x1024xf32, #tpu.memory_space<vmem>>, vector<1x1x1x16xf32>,
        %swap3A_2288 = arith.constant 0 : i32
        %swap3A_2289 = arith.index_cast %rem3A_269 : i32 to index
        %swap3A_2290 = arith.index_cast %scan3A_337 : i32 to index
        %swap3A_2291 = arith.index_cast %swap3A_2288 : i32 to index
        %swap3A_2292 = arith.constant 784 : index
        %swap3A_2293 = tpu.vector_load %arg5[%swap3A_2289, %swap3A_2290, %swap3A_2291, %swap3A_2292] {strides = array<i32>} : memref<5x8x2x1024xf32, #tpu.memory_space<vmem>>, vector<1x1x1x16xf32>,
        %swap3A_2294 = vector.shape_cast %swap3A_2293 : vector<1x1x1x16xf32> to vector<16xf32>
        %swap3A_2295 = vector.shape_cast %add3A_2167 : vector<16xf32> to vector<1x1x1x16xf32>
        tpu.vector_store %arg5[%swap3A_2289, %swap3A_2290, %swap3A_2291, %swap3A_2292], %swap3A_2295 {strides = array<i32>} : memref<5x8x2x1024xf32, #tpu.memory_space<vmem>>, vector<1x1x1x16xf32>,
        %swap3A_2296 = arith.constant 0 : i32
        %swap3A_2297 = arith.index_cast %rem3A_269 : i32 to index
        %swap3A_2298 = arith.index_cast %scan3A_337 : i32 to index
        %swap3A_2299 = arith.index_cast %swap3A_2296 : i32 to index
        %swap3A_2300 = arith.constant 800 : index
        %swap3A_2301 = tpu.vector_load %arg5[%swap3A_2297, %swap3A_2298, %swap3A_2299, %swap3A_2300] {strides = array<i32>} : memref<5x8x2x1024xf32, #tpu.memory_space<vmem>>, vector<1x1x1x16xf32>,
        %swap3A_2302 = vector.shape_cast %swap3A_2301 : vector<1x1x1x16xf32> to vector<16xf32>
        %swap3A_2303 = vector.shape_cast %add3A_2175 : vector<16xf32> to vector<1x1x1x16xf32>
        tpu.vector_store %arg5[%swap3A_2297, %swap3A_2298, %swap3A_2299, %swap3A_2300], %swap3A_2303 {strides = array<i32>} : memref<5x8x2x1024xf32, #tpu.memory_space<vmem>>, vector<1x1x1x16xf32>,
        %swap3A_2304 = arith.constant 0 : i32
        %swap3A_2305 = arith.index_cast %rem3A_269 : i32 to index
        %swap3A_2306 = arith.index_cast %scan3A_337 : i32 to index
        %swap3A_2307 = arith.index_cast %swap3A_2304 : i32 to index
        %swap3A_2308 = arith.constant 816 : index
        %swap3A_2309 = tpu.vector_load %arg5[%swap3A_2305, %swap3A_2306, %swap3A_2307, %swap3A_2308] {strides = array<i32>} : memref<5x8x2x1024xf32, #tpu.memory_space<vmem>>, vector<1x1x1x16xf32>,
        %swap3A_2310 = vector.shape_cast %swap3A_2309 : vector<1x1x1x16xf32> to vector<16xf32>
        %swap3A_2311 = vector.shape_cast %add3A_2183 : vector<16xf32> to vector<1x1x1x16xf32>
        tpu.vector_store %arg5[%swap3A_2305, %swap3A_2306, %swap3A_2307, %swap3A_2308], %swap3A_2311 {strides = array<i32>} : memref<5x8x2x1024xf32, #tpu.memory_space<vmem>>, vector<1x1x1x16xf32>,
        %swap3A_2312 = arith.constant 0 : i32
        %swap3A_2313 = arith.index_cast %rem3A_269 : i32 to index
        %swap3A_2314 = arith.index_cast %scan3A_337 : i32 to index
        %swap3A_2315 = arith.index_cast %swap3A_2312 : i32 to index
        %swap3A_2316 = arith.constant 832 : index
        %swap3A_2317 = tpu.vector_load %arg5[%swap3A_2313, %swap3A_2314, %swap3A_2315, %swap3A_2316] {strides = array<i32>} : memref<5x8x2x1024xf32, #tpu.memory_space<vmem>>, vector<1x1x1x16xf32>,
        %swap3A_2318 = vector.shape_cast %swap3A_2317 : vector<1x1x1x16xf32> to vector<16xf32>
        %swap3A_2319 = vector.shape_cast %add3A_2191 : vector<16xf32> to vector<1x1x1x16xf32>
        tpu.vector_store %arg5[%swap3A_2313, %swap3A_2314, %swap3A_2315, %swap3A_2316], %swap3A_2319 {strides = array<i32>} : memref<5x8x2x1024xf32, #tpu.memory_space<vmem>>, vector<1x1x1x16xf32>,
        %swap3A_2320 = arith.constant 0 : i32
        %swap3A_2321 = arith.index_cast %rem3A_269 : i32 to index
        %swap3A_2322 = arith.index_cast %scan3A_337 : i32 to index
        %swap3A_2323 = arith.index_cast %swap3A_2320 : i32 to index
        %swap3A_2324 = arith.constant 848 : index
        %swap3A_2325 = tpu.vector_load %arg5[%swap3A_2321, %swap3A_2322, %swap3A_2323, %swap3A_2324] {strides = array<i32>} : memref<5x8x2x1024xf32, #tpu.memory_space<vmem>>, vector<1x1x1x16xf32>,
        %swap3A_2326 = vector.shape_cast %swap3A_2325 : vector<1x1x1x16xf32> to vector<16xf32>
        %swap3A_2327 = vector.shape_cast %add3A_2199 : vector<16xf32> to vector<1x1x1x16xf32>
        tpu.vector_store %arg5[%swap3A_2321, %swap3A_2322, %swap3A_2323, %swap3A_2324], %swap3A_2327 {strides = array<i32>} : memref<5x8x2x1024xf32, #tpu.memory_space<vmem>>, vector<1x1x1x16xf32>,
        %swap3A_2328 = arith.constant 0 : i32
        %swap3A_2329 = arith.index_cast %rem3A_269 : i32 to index
        %swap3A_2330 = arith.index_cast %scan3A_337 : i32 to index
        %swap3A_2331 = arith.index_cast %swap3A_2328 : i32 to index
        %swap3A_2332 = arith.constant 864 : index
        %swap3A_2333 = tpu.vector_load %arg5[%swap3A_2329, %swap3A_2330, %swap3A_2331, %swap3A_2332] {strides = array<i32>} : memref<5x8x2x1024xf32, #tpu.memory_space<vmem>>, vector<1x1x1x16xf32>,
        %swap3A_2334 = vector.shape_cast %swap3A_2333 : vector<1x1x1x16xf32> to vector<16xf32>
        %swap3A_2335 = vector.shape_cast %add3A_2207 : vector<16xf32> to vector<1x1x1x16xf32>
        tpu.vector_store %arg5[%swap3A_2329, %swap3A_2330, %swap3A_2331, %swap3A_2332], %swap3A_2335 {strides = array<i32>} : memref<5x8x2x1024xf32, #tpu.memory_space<vmem>>, vector<1x1x1x16xf32>,
        %swap3A_2336 = arith.constant 0 : i32
        %swap3A_2337 = arith.index_cast %rem3A_269 : i32 to index
        %swap3A_2338 = arith.index_cast %scan3A_337 : i32 to index
        %swap3A_2339 = arith.index_cast %swap3A_2336 : i32 to index
        %swap3A_2340 = arith.constant 880 : index
        %swap3A_2341 = tpu.vector_load %arg5[%swap3A_2337, %swap3A_2338, %swap3A_2339, %swap3A_2340] {strides = array<i32>} : memref<5x8x2x1024xf32, #tpu.memory_space<vmem>>, vector<1x1x1x16xf32>,
        %swap3A_2342 = vector.shape_cast %swap3A_2341 : vector<1x1x1x16xf32> to vector<16xf32>
        %swap3A_2343 = vector.shape_cast %add3A_2215 : vector<16xf32> to vector<1x1x1x16xf32>
        tpu.vector_store %arg5[%swap3A_2337, %swap3A_2338, %swap3A_2339, %swap3A_2340], %swap3A_2343 {strides = array<i32>} : memref<5x8x2x1024xf32, #tpu.memory_space<vmem>>, vector<1x1x1x16xf32>,
        %swap3A_2344 = arith.constant 1 : i32
        %swap3A_2345 = arith.index_cast %rem3A_269 : i32 to index
        %swap3A_2346 = arith.index_cast %scan3A_337 : i32 to index
        %swap3A_2347 = arith.index_cast %swap3A_2344 : i32 to index
        %swap3A_2348 = arith.constant 768 : index
        %swap3A_2349 = tpu.vector_load %arg5[%swap3A_2345, %swap3A_2346, %swap3A_2347, %swap3A_2348] {strides = array<i32>} : memref<5x8x2x1024xf32, #tpu.memory_space<vmem>>, vector<1x1x1x16xf32>,
        %swap3A_2350 = vector.shape_cast %swap3A_2349 : vector<1x1x1x16xf32> to vector<16xf32>
        %swap3A_2351 = vector.shape_cast %add3A_2223 : vector<16xf32> to vector<1x1x1x16xf32>
        tpu.vector_store %arg5[%swap3A_2345, %swap3A_2346, %swap3A_2347, %swap3A_2348], %swap3A_2351 {strides = array<i32>} : memref<5x8x2x1024xf32, #tpu.memory_space<vmem>>, vector<1x1x1x16xf32>,
        %swap3A_2352 = arith.constant 1 : i32
        %swap3A_2353 = arith.index_cast %rem3A_269 : i32 to index
        %swap3A_2354 = arith.index_cast %scan3A_337 : i32 to index
        %swap3A_2355 = arith.index_cast %swap3A_2352 : i32 to index
        %swap3A_2356 = arith.constant 784 : index
        %swap3A_2357 = tpu.vector_load %arg5[%swap3A_2353, %swap3A_2354, %swap3A_2355, %swap3A_2356] {strides = array<i32>} : memref<5x8x2x1024xf32, #tpu.memory_space<vmem>>, vector<1x1x1x16xf32>,
        %swap3A_2358 = vector.shape_cast %swap3A_2357 : vector<1x1x1x16xf32> to vector<16xf32>
        %swap3A_2359 = vector.shape_cast %add3A_2231 : vector<16xf32> to vector<1x1x1x16xf32>
        tpu.vector_store %arg5[%swap3A_2353, %swap3A_2354, %swap3A_2355, %swap3A_2356], %swap3A_2359 {strides = array<i32>} : memref<5x8x2x1024xf32, #tpu.memory_space<vmem>>, vector<1x1x1x16xf32>,
        %swap3A_2360 = arith.constant 1 : i32
        %swap3A_2361 = arith.index_cast %rem3A_269 : i32 to index
        %swap3A_2362 = arith.index_cast %scan3A_337 : i32 to index
        %swap3A_2363 = arith.index_cast %swap3A_2360 : i32 to index
        %swap3A_2364 = arith.constant 800 : index
        %swap3A_2365 = tpu.vector_load %arg5[%swap3A_2361, %swap3A_2362, %swap3A_2363, %swap3A_2364] {strides = array<i32>} : memref<5x8x2x1024xf32, #tpu.memory_space<vmem>>, vector<1x1x1x16xf32>,
        %swap3A_2366 = vector.shape_cast %swap3A_2365 : vector<1x1x1x16xf32> to vector<16xf32>
        %swap3A_2367 = vector.shape_cast %add3A_2239 : vector<16xf32> to vector<1x1x1x16xf32>
        tpu.vector_store %arg5[%swap3A_2361, %swap3A_2362, %swap3A_2363, %swap3A_2364], %swap3A_2367 {strides = array<i32>} : memref<5x8x2x1024xf32, #tpu.memory_space<vmem>>, vector<1x1x1x16xf32>,
        %swap3A_2368 = arith.constant 1 : i32
        %swap3A_2369 = arith.index_cast %rem3A_269 : i32 to index
        %swap3A_2370 = arith.index_cast %scan3A_337 : i32 to index
        %swap3A_2371 = arith.index_cast %swap3A_2368 : i32 to index
        %swap3A_2372 = arith.constant 816 : index
        %swap3A_2373 = tpu.vector_load %arg5[%swap3A_2369, %swap3A_2370, %swap3A_2371, %swap3A_2372] {strides = array<i32>} : memref<5x8x2x1024xf32, #tpu.memory_space<vmem>>, vector<1x1x1x16xf32>,
        %swap3A_2374 = vector.shape_cast %swap3A_2373 : vector<1x1x1x16xf32> to vector<16xf32>
        %swap3A_2375 = vector.shape_cast %add3A_2247 : vector<16xf32> to vector<1x1x1x16xf32>
        tpu.vector_store %arg5[%swap3A_2369, %swap3A_2370, %swap3A_2371, %swap3A_2372], %swap3A_2375 {strides = array<i32>} : memref<5x8x2x1024xf32, #tpu.memory_space<vmem>>, vector<1x1x1x16xf32>,
        %swap3A_2376 = arith.constant 1 : i32
        %swap3A_2377 = arith.index_cast %rem3A_269 : i32 to index
        %swap3A_2378 = arith.index_cast %scan3A_337 : i32 to index
        %swap3A_2379 = arith.index_cast %swap3A_2376 : i32 to index
        %swap3A_2380 = arith.constant 832 : index
        %swap3A_2381 = tpu.vector_load %arg5[%swap3A_2377, %swap3A_2378, %swap3A_2379, %swap3A_2380] {strides = array<i32>} : memref<5x8x2x1024xf32, #tpu.memory_space<vmem>>, vector<1x1x1x16xf32>,
        %swap3A_2382 = vector.shape_cast %swap3A_2381 : vector<1x1x1x16xf32> to vector<16xf32>
        %swap3A_2383 = vector.shape_cast %add3A_2255 : vector<16xf32> to vector<1x1x1x16xf32>
        tpu.vector_store %arg5[%swap3A_2377, %swap3A_2378, %swap3A_2379, %swap3A_2380], %swap3A_2383 {strides = array<i32>} : memref<5x8x2x1024xf32, #tpu.memory_space<vmem>>, vector<1x1x1x16xf32>,
        %swap3A_2384 = arith.constant 1 : i32
        %swap3A_2385 = arith.index_cast %rem3A_269 : i32 to index
        %swap3A_2386 = arith.index_cast %scan3A_337 : i32 to index
        %swap3A_2387 = arith.index_cast %swap3A_2384 : i32 to index
        %swap3A_2388 = arith.constant 848 : index
        %swap3A_2389 = tpu.vector_load %arg5[%swap3A_2385, %swap3A_2386, %swap3A_2387, %swap3A_2388] {strides = array<i32>} : memref<5x8x2x1024xf32, #tpu.memory_space<vmem>>, vector<1x1x1x16xf32>,
        %swap3A_2390 = vector.shape_cast %swap3A_2389 : vector<1x1x1x16xf32> to vector<16xf32>
        %swap3A_2391 = vector.shape_cast %add3A_2263 : vector<16xf32> to vector<1x1x1x16xf32>
        tpu.vector_store %arg5[%swap3A_2385, %swap3A_2386, %swap3A_2387, %swap3A_2388], %swap3A_2391 {strides = array<i32>} : memref<5x8x2x1024xf32, #tpu.memory_space<vmem>>, vector<1x1x1x16xf32>,
        %swap3A_2392 = arith.constant 1 : i32
        %swap3A_2393 = arith.index_cast %rem3A_269 : i32 to index
        %swap3A_2394 = arith.index_cast %scan3A_337 : i32 to index
        %swap3A_2395 = arith.index_cast %swap3A_2392 : i32 to index
        %swap3A_2396 = arith.constant 864 : index
        %swap3A_2397 = tpu.vector_load %arg5[%swap3A_2393, %swap3A_2394, %swap3A_2395, %swap3A_2396] {strides = array<i32>} : memref<5x8x2x1024xf32, #tpu.memory_space<vmem>>, vector<1x1x1x16xf32>,
        %swap3A_2398 = vector.shape_cast %swap3A_2397 : vector<1x1x1x16xf32> to vector<16xf32>
        %swap3A_2399 = vector.shape_cast %add3A_2271 : vector<16xf32> to vector<1x1x1x16xf32>
        tpu.vector_store %arg5[%swap3A_2393, %swap3A_2394, %swap3A_2395, %swap3A_2396], %swap3A_2399 {strides = array<i32>} : memref<5x8x2x1024xf32, #tpu.memory_space<vmem>>, vector<1x1x1x16xf32>,
        %swap3A_2400 = arith.constant 1 : i32
        %swap3A_2401 = arith.index_cast %rem3A_269 : i32 to index
        %swap3A_2402 = arith.index_cast %scan3A_337 : i32 to index
        %swap3A_2403 = arith.index_cast %swap3A_2400 : i32 to index
        %swap3A_2404 = arith.constant 880 : index
        %swap3A_2405 = tpu.vector_load %arg5[%swap3A_2401, %swap3A_2402, %swap3A_2403, %swap3A_2404] {strides = array<i32>} : memref<5x8x2x1024xf32, #tpu.memory_space<vmem>>, vector<1x1x1x16xf32>,
        %swap3A_2406 = vector.shape_cast %swap3A_2405 : vector<1x1x1x16xf32> to vector<16xf32>
        %swap3A_2407 = vector.shape_cast %add3A_2279 : vector<16xf32> to vector<1x1x1x16xf32>
        tpu.vector_store %arg5[%swap3A_2401, %swap3A_2402, %swap3A_2403, %swap3A_2404], %swap3A_2407 {strides = array<i32>} : memref<5x8x2x1024xf32, #tpu.memory_space<vmem>>, vector<1x1x1x16xf32>,
        %get3A_2408 = arith.index_cast %rem3A_269 : i32 to index
        %get3A_2409 = arith.index_cast %scan3A_337 : i32 to index
        %get3A_2410 = arith.constant 896 : index
        %get3A_2411 = tpu.vector_load %arg6[%get3A_2408, %get3A_2409, %get3A_2410] {strides = array<i32>} : memref<5x8x1024xf32, #tpu.memory_space<vmem>>, vector<1x1x16xf32>,
        %get3A_2412 = vector.shape_cast %get3A_2411 : vector<1x1x16xf32> to vector<16xf32>
        %get3A_2413 = arith.index_cast %rem3A_269 : i32 to index
        %get3A_2414 = arith.index_cast %scan3A_337 : i32 to index
        %get3A_2415 = arith.constant 912 : index
        %get3A_2416 = tpu.vector_load %arg6[%get3A_2413, %get3A_2414, %get3A_2415] {strides = array<i32>} : memref<5x8x1024xf32, #tpu.memory_space<vmem>>, vector<1x1x16xf32>,
        %get3A_2417 = vector.shape_cast %get3A_2416 : vector<1x1x16xf32> to vector<16xf32>
        %get3A_2418 = arith.index_cast %rem3A_269 : i32 to index
        %get3A_2419 = arith.index_cast %scan3A_337 : i32 to index
        %get3A_2420 = arith.constant 928 : index
        %get3A_2421 = tpu.vector_load %arg6[%get3A_2418, %get3A_2419, %get3A_2420] {strides = array<i32>} : memref<5x8x1024xf32, #tpu.memory_space<vmem>>, vector<1x1x16xf32>,
        %get3A_2422 = vector.shape_cast %get3A_2421 : vector<1x1x16xf32> to vector<16xf32>
        %get3A_2423 = arith.index_cast %rem3A_269 : i32 to index
        %get3A_2424 = arith.index_cast %scan3A_337 : i32 to index
        %get3A_2425 = arith.constant 944 : index
        %get3A_2426 = tpu.vector_load %arg6[%get3A_2423, %get3A_2424, %get3A_2425] {strides = array<i32>} : memref<5x8x1024xf32, #tpu.memory_space<vmem>>, vector<1x1x16xf32>,
        %get3A_2427 = vector.shape_cast %get3A_2426 : vector<1x1x16xf32> to vector<16xf32>
        %get3A_2428 = arith.index_cast %rem3A_269 : i32 to index
        %get3A_2429 = arith.index_cast %scan3A_337 : i32 to index
        %get3A_2430 = arith.constant 960 : index
        %get3A_2431 = tpu.vector_load %arg6[%get3A_2428, %get3A_2429, %get3A_2430] {strides = array<i32>} : memref<5x8x1024xf32, #tpu.memory_space<vmem>>, vector<1x1x16xf32>,
        %get3A_2432 = vector.shape_cast %get3A_2431 : vector<1x1x16xf32> to vector<16xf32>
        %get3A_2433 = arith.index_cast %rem3A_269 : i32 to index
        %get3A_2434 = arith.index_cast %scan3A_337 : i32 to index
        %get3A_2435 = arith.constant 976 : index
        %get3A_2436 = tpu.vector_load %arg6[%get3A_2433, %get3A_2434, %get3A_2435] {strides = array<i32>} : memref<5x8x1024xf32, #tpu.memory_space<vmem>>, vector<1x1x16xf32>,
        %get3A_2437 = vector.shape_cast %get3A_2436 : vector<1x1x16xf32> to vector<16xf32>
        %get3A_2438 = arith.index_cast %rem3A_269 : i32 to index
        %get3A_2439 = arith.index_cast %scan3A_337 : i32 to index
        %get3A_2440 = arith.constant 992 : index
        %get3A_2441 = tpu.vector_load %arg6[%get3A_2438, %get3A_2439, %get3A_2440] {strides = array<i32>} : memref<5x8x1024xf32, #tpu.memory_space<vmem>>, vector<1x1x16xf32>,
        %get3A_2442 = vector.shape_cast %get3A_2441 : vector<1x1x16xf32> to vector<16xf32>
        %get3A_2443 = arith.index_cast %rem3A_269 : i32 to index
        %get3A_2444 = arith.index_cast %scan3A_337 : i32 to index
        %get3A_2445 = arith.constant 1008 : index
        %get3A_2446 = tpu.vector_load %arg6[%get3A_2443, %get3A_2444, %get3A_2445] {strides = array<i32>} : memref<5x8x1024xf32, #tpu.memory_space<vmem>>, vector<1x1x16xf32>,
        %get3A_2447 = vector.shape_cast %get3A_2446 : vector<1x1x16xf32> to vector<16xf32>
        %get3A_2448 = arith.constant 0 : i32
        %get3A_2449 = arith.index_cast %rem3A_269 : i32 to index
        %get3A_2450 = arith.index_cast %scan3A_337 : i32 to index
        %get3A_2451 = arith.index_cast %get3A_2448 : i32 to index
        %get3A_2452 = arith.constant 896 : index
        %get3A_2453 = tpu.vector_load %arg5[%get3A_2449, %get3A_2450, %get3A_2451, %get3A_2452] {strides = array<i32>} : memref<5x8x2x1024xf32, #tpu.memory_space<vmem>>, vector<1x1x1x16xf32>,
        %get3A_2454 = vector.shape_cast %get3A_2453 : vector<1x1x1x16xf32> to vector<16xf32>
        %add3A_2455 = arith.addf %get3A_2454, %get3A_2412 : vector<16xf32>
        %get3A_2456 = arith.constant 0 : i32
        %get3A_2457 = arith.index_cast %rem3A_269 : i32 to index
        %get3A_2458 = arith.index_cast %scan3A_337 : i32 to index
        %get3A_2459 = arith.index_cast %get3A_2456 : i32 to index
        %get3A_2460 = arith.constant 912 : index
        %get3A_2461 = tpu.vector_load %arg5[%get3A_2457, %get3A_2458, %get3A_2459, %get3A_2460] {strides = array<i32>} : memref<5x8x2x1024xf32, #tpu.memory_space<vmem>>, vector<1x1x1x16xf32>,
        %get3A_2462 = vector.shape_cast %get3A_2461 : vector<1x1x1x16xf32> to vector<16xf32>
        %add3A_2463 = arith.addf %get3A_2462, %get3A_2417 : vector<16xf32>
        %get3A_2464 = arith.constant 0 : i32
        %get3A_2465 = arith.index_cast %rem3A_269 : i32 to index
        %get3A_2466 = arith.index_cast %scan3A_337 : i32 to index
        %get3A_2467 = arith.index_cast %get3A_2464 : i32 to index
        %get3A_2468 = arith.constant 928 : index
        %get3A_2469 = tpu.vector_load %arg5[%get3A_2465, %get3A_2466, %get3A_2467, %get3A_2468] {strides = array<i32>} : memref<5x8x2x1024xf32, #tpu.memory_space<vmem>>, vector<1x1x1x16xf32>,
        %get3A_2470 = vector.shape_cast %get3A_2469 : vector<1x1x1x16xf32> to vector<16xf32>
        %add3A_2471 = arith.addf %get3A_2470, %get3A_2422 : vector<16xf32>
        %get3A_2472 = arith.constant 0 : i32
        %get3A_2473 = arith.index_cast %rem3A_269 : i32 to index
        %get3A_2474 = arith.index_cast %scan3A_337 : i32 to index
        %get3A_2475 = arith.index_cast %get3A_2472 : i32 to index
        %get3A_2476 = arith.constant 944 : index
        %get3A_2477 = tpu.vector_load %arg5[%get3A_2473, %get3A_2474, %get3A_2475, %get3A_2476] {strides = array<i32>} : memref<5x8x2x1024xf32, #tpu.memory_space<vmem>>, vector<1x1x1x16xf32>,
        %get3A_2478 = vector.shape_cast %get3A_2477 : vector<1x1x1x16xf32> to vector<16xf32>
        %add3A_2479 = arith.addf %get3A_2478, %get3A_2427 : vector<16xf32>
        %get3A_2480 = arith.constant 0 : i32
        %get3A_2481 = arith.index_cast %rem3A_269 : i32 to index
        %get3A_2482 = arith.index_cast %scan3A_337 : i32 to index
        %get3A_2483 = arith.index_cast %get3A_2480 : i32 to index
        %get3A_2484 = arith.constant 960 : index
        %get3A_2485 = tpu.vector_load %arg5[%get3A_2481, %get3A_2482, %get3A_2483, %get3A_2484] {strides = array<i32>} : memref<5x8x2x1024xf32, #tpu.memory_space<vmem>>, vector<1x1x1x16xf32>,
        %get3A_2486 = vector.shape_cast %get3A_2485 : vector<1x1x1x16xf32> to vector<16xf32>
        %add3A_2487 = arith.addf %get3A_2486, %get3A_2432 : vector<16xf32>
        %get3A_2488 = arith.constant 0 : i32
        %get3A_2489 = arith.index_cast %rem3A_269 : i32 to index
        %get3A_2490 = arith.index_cast %scan3A_337 : i32 to index
        %get3A_2491 = arith.index_cast %get3A_2488 : i32 to index
        %get3A_2492 = arith.constant 976 : index
        %get3A_2493 = tpu.vector_load %arg5[%get3A_2489, %get3A_2490, %get3A_2491, %get3A_2492] {strides = array<i32>} : memref<5x8x2x1024xf32, #tpu.memory_space<vmem>>, vector<1x1x1x16xf32>,
        %get3A_2494 = vector.shape_cast %get3A_2493 : vector<1x1x1x16xf32> to vector<16xf32>
        %add3A_2495 = arith.addf %get3A_2494, %get3A_2437 : vector<16xf32>
        %get3A_2496 = arith.constant 0 : i32
        %get3A_2497 = arith.index_cast %rem3A_269 : i32 to index
        %get3A_2498 = arith.index_cast %scan3A_337 : i32 to index
        %get3A_2499 = arith.index_cast %get3A_2496 : i32 to index
        %get3A_2500 = arith.constant 992 : index
        %get3A_2501 = tpu.vector_load %arg5[%get3A_2497, %get3A_2498, %get3A_2499, %get3A_2500] {strides = array<i32>} : memref<5x8x2x1024xf32, #tpu.memory_space<vmem>>, vector<1x1x1x16xf32>,
        %get3A_2502 = vector.shape_cast %get3A_2501 : vector<1x1x1x16xf32> to vector<16xf32>
        %add3A_2503 = arith.addf %get3A_2502, %get3A_2442 : vector<16xf32>
        %get3A_2504 = arith.constant 0 : i32
        %get3A_2505 = arith.index_cast %rem3A_269 : i32 to index
        %get3A_2506 = arith.index_cast %scan3A_337 : i32 to index
        %get3A_2507 = arith.index_cast %get3A_2504 : i32 to index
        %get3A_2508 = arith.constant 1008 : index
        %get3A_2509 = tpu.vector_load %arg5[%get3A_2505, %get3A_2506, %get3A_2507, %get3A_2508] {strides = array<i32>} : memref<5x8x2x1024xf32, #tpu.memory_space<vmem>>, vector<1x1x1x16xf32>,
        %get3A_2510 = vector.shape_cast %get3A_2509 : vector<1x1x1x16xf32> to vector<16xf32>
        %add3A_2511 = arith.addf %get3A_2510, %get3A_2447 : vector<16xf32>
        %get3A_2512 = arith.constant 1 : i32
        %get3A_2513 = arith.index_cast %rem3A_269 : i32 to index
        %get3A_2514 = arith.index_cast %scan3A_337 : i32 to index
        %get3A_2515 = arith.index_cast %get3A_2512 : i32 to index
        %get3A_2516 = arith.constant 896 : index
        %get3A_2517 = tpu.vector_load %arg5[%get3A_2513, %get3A_2514, %get3A_2515, %get3A_2516] {strides = array<i32>} : memref<5x8x2x1024xf32, #tpu.memory_space<vmem>>, vector<1x1x1x16xf32>,
        %get3A_2518 = vector.shape_cast %get3A_2517 : vector<1x1x1x16xf32> to vector<16xf32>
        %add3A_2519 = arith.addf %get3A_2518, %get3A_2412 : vector<16xf32>
        %get3A_2520 = arith.constant 1 : i32
        %get3A_2521 = arith.index_cast %rem3A_269 : i32 to index
        %get3A_2522 = arith.index_cast %scan3A_337 : i32 to index
        %get3A_2523 = arith.index_cast %get3A_2520 : i32 to index
        %get3A_2524 = arith.constant 912 : index
        %get3A_2525 = tpu.vector_load %arg5[%get3A_2521, %get3A_2522, %get3A_2523, %get3A_2524] {strides = array<i32>} : memref<5x8x2x1024xf32, #tpu.memory_space<vmem>>, vector<1x1x1x16xf32>,
        %get3A_2526 = vector.shape_cast %get3A_2525 : vector<1x1x1x16xf32> to vector<16xf32>
        %add3A_2527 = arith.addf %get3A_2526, %get3A_2417 : vector<16xf32>
        %get3A_2528 = arith.constant 1 : i32
        %get3A_2529 = arith.index_cast %rem3A_269 : i32 to index
        %get3A_2530 = arith.index_cast %scan3A_337 : i32 to index
        %get3A_2531 = arith.index_cast %get3A_2528 : i32 to index
        %get3A_2532 = arith.constant 928 : index
        %get3A_2533 = tpu.vector_load %arg5[%get3A_2529, %get3A_2530, %get3A_2531, %get3A_2532] {strides = array<i32>} : memref<5x8x2x1024xf32, #tpu.memory_space<vmem>>, vector<1x1x1x16xf32>,
        %get3A_2534 = vector.shape_cast %get3A_2533 : vector<1x1x1x16xf32> to vector<16xf32>
        %add3A_2535 = arith.addf %get3A_2534, %get3A_2422 : vector<16xf32>
        %get3A_2536 = arith.constant 1 : i32
        %get3A_2537 = arith.index_cast %rem3A_269 : i32 to index
        %get3A_2538 = arith.index_cast %scan3A_337 : i32 to index
        %get3A_2539 = arith.index_cast %get3A_2536 : i32 to index
        %get3A_2540 = arith.constant 944 : index
        %get3A_2541 = tpu.vector_load %arg5[%get3A_2537, %get3A_2538, %get3A_2539, %get3A_2540] {strides = array<i32>} : memref<5x8x2x1024xf32, #tpu.memory_space<vmem>>, vector<1x1x1x16xf32>,
        %get3A_2542 = vector.shape_cast %get3A_2541 : vector<1x1x1x16xf32> to vector<16xf32>
        %add3A_2543 = arith.addf %get3A_2542, %get3A_2427 : vector<16xf32>
        %get3A_2544 = arith.constant 1 : i32
        %get3A_2545 = arith.index_cast %rem3A_269 : i32 to index
        %get3A_2546 = arith.index_cast %scan3A_337 : i32 to index
        %get3A_2547 = arith.index_cast %get3A_2544 : i32 to index
        %get3A_2548 = arith.constant 960 : index
        %get3A_2549 = tpu.vector_load %arg5[%get3A_2545, %get3A_2546, %get3A_2547, %get3A_2548] {strides = array<i32>} : memref<5x8x2x1024xf32, #tpu.memory_space<vmem>>, vector<1x1x1x16xf32>,
        %get3A_2550 = vector.shape_cast %get3A_2549 : vector<1x1x1x16xf32> to vector<16xf32>
        %add3A_2551 = arith.addf %get3A_2550, %get3A_2432 : vector<16xf32>
        %get3A_2552 = arith.constant 1 : i32
        %get3A_2553 = arith.index_cast %rem3A_269 : i32 to index
        %get3A_2554 = arith.index_cast %scan3A_337 : i32 to index
        %get3A_2555 = arith.index_cast %get3A_2552 : i32 to index
        %get3A_2556 = arith.constant 976 : index
        %get3A_2557 = tpu.vector_load %arg5[%get3A_2553, %get3A_2554, %get3A_2555, %get3A_2556] {strides = array<i32>} : memref<5x8x2x1024xf32, #tpu.memory_space<vmem>>, vector<1x1x1x16xf32>,
        %get3A_2558 = vector.shape_cast %get3A_2557 : vector<1x1x1x16xf32> to vector<16xf32>
        %add3A_2559 = arith.addf %get3A_2558, %get3A_2437 : vector<16xf32>
        %get3A_2560 = arith.constant 1 : i32
        %get3A_2561 = arith.index_cast %rem3A_269 : i32 to index
        %get3A_2562 = arith.index_cast %scan3A_337 : i32 to index
        %get3A_2563 = arith.index_cast %get3A_2560 : i32 to index
        %get3A_2564 = arith.constant 992 : index
        %get3A_2565 = tpu.vector_load %arg5[%get3A_2561, %get3A_2562, %get3A_2563, %get3A_2564] {strides = array<i32>} : memref<5x8x2x1024xf32, #tpu.memory_space<vmem>>, vector<1x1x1x16xf32>,
        %get3A_2566 = vector.shape_cast %get3A_2565 : vector<1x1x1x16xf32> to vector<16xf32>
        %add3A_2567 = arith.addf %get3A_2566, %get3A_2442 : vector<16xf32>
        %get3A_2568 = arith.constant 1 : i32
        %get3A_2569 = arith.index_cast %rem3A_269 : i32 to index
        %get3A_2570 = arith.index_cast %scan3A_337 : i32 to index
        %get3A_2571 = arith.index_cast %get3A_2568 : i32 to index
        %get3A_2572 = arith.constant 1008 : index
        %get3A_2573 = tpu.vector_load %arg5[%get3A_2569, %get3A_2570, %get3A_2571, %get3A_2572] {strides = array<i32>} : memref<5x8x2x1024xf32, #tpu.memory_space<vmem>>, vector<1x1x1x16xf32>,
        %get3A_2574 = vector.shape_cast %get3A_2573 : vector<1x1x1x16xf32> to vector<16xf32>
        %add3A_2575 = arith.addf %get3A_2574, %get3A_2447 : vector<16xf32>
        %swap3A_2576 = arith.constant 0 : i32
        %swap3A_2577 = arith.index_cast %rem3A_269 : i32 to index
        %swap3A_2578 = arith.index_cast %scan3A_337 : i32 to index
        %swap3A_2579 = arith.index_cast %swap3A_2576 : i32 to index
        %swap3A_2580 = arith.constant 896 : index
        %swap3A_2581 = tpu.vector_load %arg5[%swap3A_2577, %swap3A_2578, %swap3A_2579, %swap3A_2580] {strides = array<i32>} : memref<5x8x2x1024xf32, #tpu.memory_space<vmem>>, vector<1x1x1x16xf32>,
        %swap3A_2582 = vector.shape_cast %swap3A_2581 : vector<1x1x1x16xf32> to vector<16xf32>
        %swap3A_2583 = vector.shape_cast %add3A_2455 : vector<16xf32> to vector<1x1x1x16xf32>
        tpu.vector_store %arg5[%swap3A_2577, %swap3A_2578, %swap3A_2579, %swap3A_2580], %swap3A_2583 {strides = array<i32>} : memref<5x8x2x1024xf32, #tpu.memory_space<vmem>>, vector<1x1x1x16xf32>,
        %swap3A_2584 = arith.constant 0 : i32
        %swap3A_2585 = arith.index_cast %rem3A_269 : i32 to index
        %swap3A_2586 = arith.index_cast %scan3A_337 : i32 to index
        %swap3A_2587 = arith.index_cast %swap3A_2584 : i32 to index
        %swap3A_2588 = arith.constant 912 : index
        %swap3A_2589 = tpu.vector_load %arg5[%swap3A_2585, %swap3A_2586, %swap3A_2587, %swap3A_2588] {strides = array<i32>} : memref<5x8x2x1024xf32, #tpu.memory_space<vmem>>, vector<1x1x1x16xf32>,
        %swap3A_2590 = vector.shape_cast %swap3A_2589 : vector<1x1x1x16xf32> to vector<16xf32>
        %swap3A_2591 = vector.shape_cast %add3A_2463 : vector<16xf32> to vector<1x1x1x16xf32>
        tpu.vector_store %arg5[%swap3A_2585, %swap3A_2586, %swap3A_2587, %swap3A_2588], %swap3A_2591 {strides = array<i32>} : memref<5x8x2x1024xf32, #tpu.memory_space<vmem>>, vector<1x1x1x16xf32>,
        %swap3A_2592 = arith.constant 0 : i32
        %swap3A_2593 = arith.index_cast %rem3A_269 : i32 to index
        %swap3A_2594 = arith.index_cast %scan3A_337 : i32 to index
        %swap3A_2595 = arith.index_cast %swap3A_2592 : i32 to index
        %swap3A_2596 = arith.constant 928 : index
        %swap3A_2597 = tpu.vector_load %arg5[%swap3A_2593, %swap3A_2594, %swap3A_2595, %swap3A_2596] {strides = array<i32>} : memref<5x8x2x1024xf32, #tpu.memory_space<vmem>>, vector<1x1x1x16xf32>,
        %swap3A_2598 = vector.shape_cast %swap3A_2597 : vector<1x1x1x16xf32> to vector<16xf32>
        %swap3A_2599 = vector.shape_cast %add3A_2471 : vector<16xf32> to vector<1x1x1x16xf32>
        tpu.vector_store %arg5[%swap3A_2593, %swap3A_2594, %swap3A_2595, %swap3A_2596], %swap3A_2599 {strides = array<i32>} : memref<5x8x2x1024xf32, #tpu.memory_space<vmem>>, vector<1x1x1x16xf32>,
        %swap3A_2600 = arith.constant 0 : i32
        %swap3A_2601 = arith.index_cast %rem3A_269 : i32 to index
        %swap3A_2602 = arith.index_cast %scan3A_337 : i32 to index
        %swap3A_2603 = arith.index_cast %swap3A_2600 : i32 to index
        %swap3A_2604 = arith.constant 944 : index
        %swap3A_2605 = tpu.vector_load %arg5[%swap3A_2601, %swap3A_2602, %swap3A_2603, %swap3A_2604] {strides = array<i32>} : memref<5x8x2x1024xf32, #tpu.memory_space<vmem>>, vector<1x1x1x16xf32>,
        %swap3A_2606 = vector.shape_cast %swap3A_2605 : vector<1x1x1x16xf32> to vector<16xf32>
        %swap3A_2607 = vector.shape_cast %add3A_2479 : vector<16xf32> to vector<1x1x1x16xf32>
        tpu.vector_store %arg5[%swap3A_2601, %swap3A_2602, %swap3A_2603, %swap3A_2604], %swap3A_2607 {strides = array<i32>} : memref<5x8x2x1024xf32, #tpu.memory_space<vmem>>, vector<1x1x1x16xf32>,
        %swap3A_2608 = arith.constant 0 : i32
        %swap3A_2609 = arith.index_cast %rem3A_269 : i32 to index
        %swap3A_2610 = arith.index_cast %scan3A_337 : i32 to index
        %swap3A_2611 = arith.index_cast %swap3A_2608 : i32 to index
        %swap3A_2612 = arith.constant 960 : index
        %swap3A_2613 = tpu.vector_load %arg5[%swap3A_2609, %swap3A_2610, %swap3A_2611, %swap3A_2612] {strides = array<i32>} : memref<5x8x2x1024xf32, #tpu.memory_space<vmem>>, vector<1x1x1x16xf32>,
        %swap3A_2614 = vector.shape_cast %swap3A_2613 : vector<1x1x1x16xf32> to vector<16xf32>
        %swap3A_2615 = vector.shape_cast %add3A_2487 : vector<16xf32> to vector<1x1x1x16xf32>
        tpu.vector_store %arg5[%swap3A_2609, %swap3A_2610, %swap3A_2611, %swap3A_2612], %swap3A_2615 {strides = array<i32>} : memref<5x8x2x1024xf32, #tpu.memory_space<vmem>>, vector<1x1x1x16xf32>,
        %swap3A_2616 = arith.constant 0 : i32
        %swap3A_2617 = arith.index_cast %rem3A_269 : i32 to index
        %swap3A_2618 = arith.index_cast %scan3A_337 : i32 to index
        %swap3A_2619 = arith.index_cast %swap3A_2616 : i32 to index
        %swap3A_2620 = arith.constant 976 : index
        %swap3A_2621 = tpu.vector_load %arg5[%swap3A_2617, %swap3A_2618, %swap3A_2619, %swap3A_2620] {strides = array<i32>} : memref<5x8x2x1024xf32, #tpu.memory_space<vmem>>, vector<1x1x1x16xf32>,
        %swap3A_2622 = vector.shape_cast %swap3A_2621 : vector<1x1x1x16xf32> to vector<16xf32>
        %swap3A_2623 = vector.shape_cast %add3A_2495 : vector<16xf32> to vector<1x1x1x16xf32>
        tpu.vector_store %arg5[%swap3A_2617, %swap3A_2618, %swap3A_2619, %swap3A_2620], %swap3A_2623 {strides = array<i32>} : memref<5x8x2x1024xf32, #tpu.memory_space<vmem>>, vector<1x1x1x16xf32>,
        %swap3A_2624 = arith.constant 0 : i32
        %swap3A_2625 = arith.index_cast %rem3A_269 : i32 to index
        %swap3A_2626 = arith.index_cast %scan3A_337 : i32 to index
        %swap3A_2627 = arith.index_cast %swap3A_2624 : i32 to index
        %swap3A_2628 = arith.constant 992 : index
        %swap3A_2629 = tpu.vector_load %arg5[%swap3A_2625, %swap3A_2626, %swap3A_2627, %swap3A_2628] {strides = array<i32>} : memref<5x8x2x1024xf32, #tpu.memory_space<vmem>>, vector<1x1x1x16xf32>,
        %swap3A_2630 = vector.shape_cast %swap3A_2629 : vector<1x1x1x16xf32> to vector<16xf32>
        %swap3A_2631 = vector.shape_cast %add3A_2503 : vector<16xf32> to vector<1x1x1x16xf32>
        tpu.vector_store %arg5[%swap3A_2625, %swap3A_2626, %swap3A_2627, %swap3A_2628], %swap3A_2631 {strides = array<i32>} : memref<5x8x2x1024xf32, #tpu.memory_space<vmem>>, vector<1x1x1x16xf32>,
        %swap3A_2632 = arith.constant 0 : i32
        %swap3A_2633 = arith.index_cast %rem3A_269 : i32 to index
        %swap3A_2634 = arith.index_cast %scan3A_337 : i32 to index
        %swap3A_2635 = arith.index_cast %swap3A_2632 : i32 to index
        %swap3A_2636 = arith.constant 1008 : index
        %swap3A_2637 = tpu.vector_load %arg5[%swap3A_2633, %swap3A_2634, %swap3A_2635, %swap3A_2636] {strides = array<i32>} : memref<5x8x2x1024xf32, #tpu.memory_space<vmem>>, vector<1x1x1x16xf32>,
        %swap3A_2638 = vector.shape_cast %swap3A_2637 : vector<1x1x1x16xf32> to vector<16xf32>
        %swap3A_2639 = vector.shape_cast %add3A_2511 : vector<16xf32> to vector<1x1x1x16xf32>
        tpu.vector_store %arg5[%swap3A_2633, %swap3A_2634, %swap3A_2635, %swap3A_2636], %swap3A_2639 {strides = array<i32>} : memref<5x8x2x1024xf32, #tpu.memory_space<vmem>>, vector<1x1x1x16xf32>,
        %swap3A_2640 = arith.constant 1 : i32
        %swap3A_2641 = arith.index_cast %rem3A_269 : i32 to index
        %swap3A_2642 = arith.index_cast %scan3A_337 : i32 to index
        %swap3A_2643 = arith.index_cast %swap3A_2640 : i32 to index
        %swap3A_2644 = arith.constant 896 : index
        %swap3A_2645 = tpu.vector_load %arg5[%swap3A_2641, %swap3A_2642, %swap3A_2643, %swap3A_2644] {strides = array<i32>} : memref<5x8x2x1024xf32, #tpu.memory_space<vmem>>, vector<1x1x1x16xf32>,
        %swap3A_2646 = vector.shape_cast %swap3A_2645 : vector<1x1x1x16xf32> to vector<16xf32>
        %swap3A_2647 = vector.shape_cast %add3A_2519 : vector<16xf32> to vector<1x1x1x16xf32>
        tpu.vector_store %arg5[%swap3A_2641, %swap3A_2642, %swap3A_2643, %swap3A_2644], %swap3A_2647 {strides = array<i32>} : memref<5x8x2x1024xf32, #tpu.memory_space<vmem>>, vector<1x1x1x16xf32>,
        %swap3A_2648 = arith.constant 1 : i32
        %swap3A_2649 = arith.index_cast %rem3A_269 : i32 to index
        %swap3A_2650 = arith.index_cast %scan3A_337 : i32 to index
        %swap3A_2651 = arith.index_cast %swap3A_2648 : i32 to index
        %swap3A_2652 = arith.constant 912 : index
        %swap3A_2653 = tpu.vector_load %arg5[%swap3A_2649, %swap3A_2650, %swap3A_2651, %swap3A_2652] {strides = array<i32>} : memref<5x8x2x1024xf32, #tpu.memory_space<vmem>>, vector<1x1x1x16xf32>,
        %swap3A_2654 = vector.shape_cast %swap3A_2653 : vector<1x1x1x16xf32> to vector<16xf32>
        %swap3A_2655 = vector.shape_cast %add3A_2527 : vector<16xf32> to vector<1x1x1x16xf32>
        tpu.vector_store %arg5[%swap3A_2649, %swap3A_2650, %swap3A_2651, %swap3A_2652], %swap3A_2655 {strides = array<i32>} : memref<5x8x2x1024xf32, #tpu.memory_space<vmem>>, vector<1x1x1x16xf32>,
        %swap3A_2656 = arith.constant 1 : i32
        %swap3A_2657 = arith.index_cast %rem3A_269 : i32 to index
        %swap3A_2658 = arith.index_cast %scan3A_337 : i32 to index
        %swap3A_2659 = arith.index_cast %swap3A_2656 : i32 to index
        %swap3A_2660 = arith.constant 928 : index
        %swap3A_2661 = tpu.vector_load %arg5[%swap3A_2657, %swap3A_2658, %swap3A_2659, %swap3A_2660] {strides = array<i32>} : memref<5x8x2x1024xf32, #tpu.memory_space<vmem>>, vector<1x1x1x16xf32>,
        %swap3A_2662 = vector.shape_cast %swap3A_2661 : vector<1x1x1x16xf32> to vector<16xf32>
        %swap3A_2663 = vector.shape_cast %add3A_2535 : vector<16xf32> to vector<1x1x1x16xf32>
        tpu.vector_store %arg5[%swap3A_2657, %swap3A_2658, %swap3A_2659, %swap3A_2660], %swap3A_2663 {strides = array<i32>} : memref<5x8x2x1024xf32, #tpu.memory_space<vmem>>, vector<1x1x1x16xf32>,
        %swap3A_2664 = arith.constant 1 : i32
        %swap3A_2665 = arith.index_cast %rem3A_269 : i32 to index
        %swap3A_2666 = arith.index_cast %scan3A_337 : i32 to index
        %swap3A_2667 = arith.index_cast %swap3A_2664 : i32 to index
        %swap3A_2668 = arith.constant 944 : index
        %swap3A_2669 = tpu.vector_load %arg5[%swap3A_2665, %swap3A_2666, %swap3A_2667, %swap3A_2668] {strides = array<i32>} : memref<5x8x2x1024xf32, #tpu.memory_space<vmem>>, vector<1x1x1x16xf32>,
        %swap3A_2670 = vector.shape_cast %swap3A_2669 : vector<1x1x1x16xf32> to vector<16xf32>
        %swap3A_2671 = vector.shape_cast %add3A_2543 : vector<16xf32> to vector<1x1x1x16xf32>
        tpu.vector_store %arg5[%swap3A_2665, %swap3A_2666, %swap3A_2667, %swap3A_2668], %swap3A_2671 {strides = array<i32>} : memref<5x8x2x1024xf32, #tpu.memory_space<vmem>>, vector<1x1x1x16xf32>,
        %swap3A_2672 = arith.constant 1 : i32
        %swap3A_2673 = arith.index_cast %rem3A_269 : i32 to index
        %swap3A_2674 = arith.index_cast %scan3A_337 : i32 to index
        %swap3A_2675 = arith.index_cast %swap3A_2672 : i32 to index
        %swap3A_2676 = arith.constant 960 : index
        %swap3A_2677 = tpu.vector_load %arg5[%swap3A_2673, %swap3A_2674, %swap3A_2675, %swap3A_2676] {strides = array<i32>} : memref<5x8x2x1024xf32, #tpu.memory_space<vmem>>, vector<1x1x1x16xf32>,
        %swap3A_2678 = vector.shape_cast %swap3A_2677 : vector<1x1x1x16xf32> to vector<16xf32>
        %swap3A_2679 = vector.shape_cast %add3A_2551 : vector<16xf32> to vector<1x1x1x16xf32>
        tpu.vector_store %arg5[%swap3A_2673, %swap3A_2674, %swap3A_2675, %swap3A_2676], %swap3A_2679 {strides = array<i32>} : memref<5x8x2x1024xf32, #tpu.memory_space<vmem>>, vector<1x1x1x16xf32>,
        %swap3A_2680 = arith.constant 1 : i32
        %swap3A_2681 = arith.index_cast %rem3A_269 : i32 to index
        %swap3A_2682 = arith.index_cast %scan3A_337 : i32 to index
        %swap3A_2683 = arith.index_cast %swap3A_2680 : i32 to index
        %swap3A_2684 = arith.constant 976 : index
        %swap3A_2685 = tpu.vector_load %arg5[%swap3A_2681, %swap3A_2682, %swap3A_2683, %swap3A_2684] {strides = array<i32>} : memref<5x8x2x1024xf32, #tpu.memory_space<vmem>>, vector<1x1x1x16xf32>,
        %swap3A_2686 = vector.shape_cast %swap3A_2685 : vector<1x1x1x16xf32> to vector<16xf32>
        %swap3A_2687 = vector.shape_cast %add3A_2559 : vector<16xf32> to vector<1x1x1x16xf32>
        tpu.vector_store %arg5[%swap3A_2681, %swap3A_2682, %swap3A_2683, %swap3A_2684], %swap3A_2687 {strides = array<i32>} : memref<5x8x2x1024xf32, #tpu.memory_space<vmem>>, vector<1x1x1x16xf32>,
        %swap3A_2688 = arith.constant 1 : i32
        %swap3A_2689 = arith.index_cast %rem3A_269 : i32 to index
        %swap3A_2690 = arith.index_cast %scan3A_337 : i32 to index
        %swap3A_2691 = arith.index_cast %swap3A_2688 : i32 to index
        %swap3A_2692 = arith.constant 992 : index
        %swap3A_2693 = tpu.vector_load %arg5[%swap3A_2689, %swap3A_2690, %swap3A_2691, %swap3A_2692] {strides = array<i32>} : memref<5x8x2x1024xf32, #tpu.memory_space<vmem>>, vector<1x1x1x16xf32>,
        %swap3A_2694 = vector.shape_cast %swap3A_2693 : vector<1x1x1x16xf32> to vector<16xf32>
        %swap3A_2695 = vector.shape_cast %add3A_2567 : vector<16xf32> to vector<1x1x1x16xf32>
        tpu.vector_store %arg5[%swap3A_2689, %swap3A_2690, %swap3A_2691, %swap3A_2692], %swap3A_2695 {strides = array<i32>} : memref<5x8x2x1024xf32, #tpu.memory_space<vmem>>, vector<1x1x1x16xf32>,
        %swap3A_2696 = arith.constant 1 : i32
        %swap3A_2697 = arith.index_cast %rem3A_269 : i32 to index
        %swap3A_2698 = arith.index_cast %scan3A_337 : i32 to index
        %swap3A_2699 = arith.index_cast %swap3A_2696 : i32 to index
        %swap3A_2700 = arith.constant 1008 : index
        %swap3A_2701 = tpu.vector_load %arg5[%swap3A_2697, %swap3A_2698, %swap3A_2699, %swap3A_2700] {strides = array<i32>} : memref<5x8x2x1024xf32, #tpu.memory_space<vmem>>, vector<1x1x1x16xf32>,
        %swap3A_2702 = vector.shape_cast %swap3A_2701 : vector<1x1x1x16xf32> to vector<16xf32>
        %swap3A_2703 = vector.shape_cast %add3A_2575 : vector<16xf32> to vector<1x1x1x16xf32>
        tpu.vector_store %arg5[%swap3A_2697, %swap3A_2698, %swap3A_2699, %swap3A_2700], %swap3A_2703 {strides = array<i32>} : memref<5x8x2x1024xf32, #tpu.memory_space<vmem>>, vector<1x1x1x16xf32>,
      }
      %scan3A_315 = arith.constant 8 : i32
      %mul3A_316 = arith.constant 8 : i32
      %mul3A_317 = arith.muli %scan3A_268, %mul3A_316 : i32
      %add3A_318 = arith.addi %mul3A_2, %mul3A_317 : i32
      %dma_start3A_319 = arith.constant 0 : i32
      %dma_start3A_320 = arith.constant 0 : i32
      %dma_start3A_321 = arith.constant 0 : i32
      %dma_start3A_322 = tpu.memref_slice %arg5[%rem3A_269, %dma_start3A_319, %dma_start3A_320, %dma_start3A_321] : memref<5x8x2x1024xf32, #tpu.memory_space<vmem>> -> memref<1x8x2x1024xf32, #tpu.memory_space<vmem>>
      %dma_start3A_323 = tpu.memref_squeeze %dma_start3A_322 : memref<1x8x2x1024xf32, #tpu.memory_space<vmem>> -> memref<8x2x1024xf32, #tpu.memory_space<vmem>>
      %dma_start3A_324 = arith.constant 0 : i32
      %dma_start3A_325 = arith.constant 0 : i32
      %dma_start3A_326 = tpu.memref_slice %arg4[%add3A_318, %dma_start3A_324, %dma_start3A_325] : memref<4096x2x1024xf32, #tpu.memory_space<hbm>> -> memref<8x2x1024xf32, #tpu.memory_space<hbm>>
      %dma_start3A_327 = tpu.memref_slice %arg9[%rem3A_269] : memref<5x!tpu.dma_semaphore, #tpu.memory_space<semaphore_mem>> -> memref<1x!tpu.dma_semaphore, #tpu.memory_space<semaphore_mem>>
      %dma_start3A_328 = tpu.memref_squeeze %dma_start3A_327 : memref<1x!tpu.dma_semaphore, #tpu.memory_space<semaphore_mem>> -> memref<!tpu.dma_semaphore, #tpu.memory_space<semaphore_mem>>
      %dma_start3A_329 = arith.constant 0 : i32
      %dma_start3A_330 = arith.constant 0 : i32
      %dma_start3A_331 = tpu.memref_slice %arg4[%add3A_318, %dma_start3A_329, %dma_start3A_330] : memref<4096x2x1024xf32, #tpu.memory_space<hbm>> -> memref<8x2x1024xf32, #tpu.memory_space<hbm>>
      %dma_start3A_332 = arith.constant 0 : i32
      %dma_start3A_333 = arith.constant 0 : i32
      %dma_start3A_334 = arith.constant 0 : i32
      %dma_start3A_335 = tpu.memref_slice %arg5[%rem3A_269, %dma_start3A_332, %dma_start3A_333, %dma_start3A_334] : memref<5x8x2x1024xf32, #tpu.memory_space<vmem>> -> memref<1x8x2x1024xf32, #tpu.memory_space<vmem>>
      %dma_start3A_336 = tpu.memref_squeeze %dma_start3A_335 : memref<1x8x2x1024xf32, #tpu.memory_space<vmem>> -> memref<8x2x1024xf32, #tpu.memory_space<vmem>>
      tpu.enqueue_dma source(%dma_start3A_336 : memref<8x2x1024xf32, #tpu.memory_space<vmem>>) target(%dma_start3A_331 : memref<8x2x1024xf32, #tpu.memory_space<hbm>>) target_semaphore(%dma_start3A_328 : memref<!tpu.dma_semaphore, #tpu.memory_space<semaphore_mem>>)
    }
    %scan3A_158 = arith.constant 16 : i32
    %add3A_159 = arith.constant 88 : i32
    %add3A_160 = arith.addi %mul3A_2, %add3A_159 : i32
    %dma_wait3A = arith.constant 1 : i32
    %dma_wait3A_161 = arith.constant 1 : i32
    %dma_wait3A_162 = arith.constant 0 : i32
    %dma_wait3A_163 = arith.constant 0 : i32
    %dma_wait3A_164 = arith.constant 0 : i32
    %dma_wait3A_165 = tpu.memref_slice %arg5[%dma_wait3A, %dma_wait3A_162, %dma_wait3A_163, %dma_wait3A_164] : memref<5x8x2x1024xf32, #tpu.memory_space<vmem>> -> memref<1x8x2x1024xf32, #tpu.memory_space<vmem>>
    %dma_wait3A_166 = tpu.memref_squeeze %dma_wait3A_165 : memref<1x8x2x1024xf32, #tpu.memory_space<vmem>> -> memref<8x2x1024xf32, #tpu.memory_space<vmem>>
    %dma_wait3A_167 = arith.constant 0 : i32
    %dma_wait3A_168 = arith.constant 0 : i32
    %dma_wait3A_169 = tpu.memref_slice %arg4[%add3A_160, %dma_wait3A_167, %dma_wait3A_168] : memref<4096x2x1024xf32, #tpu.memory_space<hbm>> -> memref<8x2x1024xf32, #tpu.memory_space<hbm>>
    %dma_wait3A_170 = tpu.memref_slice %arg9[%dma_wait3A_161] : memref<5x!tpu.dma_semaphore, #tpu.memory_space<semaphore_mem>> -> memref<1x!tpu.dma_semaphore, #tpu.memory_space<semaphore_mem>>
    %dma_wait3A_171 = tpu.memref_squeeze %dma_wait3A_170 : memref<1x!tpu.dma_semaphore, #tpu.memory_space<semaphore_mem>> -> memref<!tpu.dma_semaphore, #tpu.memory_space<semaphore_mem>>
    %dma_wait3A_172 = arith.constant 0 : i32
    %dma_wait3A_173 = arith.constant 0 : i32
    %dma_wait3A_174 = tpu.memref_slice %arg4[%add3A_160, %dma_wait3A_172, %dma_wait3A_173] : memref<4096x2x1024xf32, #tpu.memory_space<hbm>> -> memref<8x2x1024xf32, #tpu.memory_space<hbm>>
    %dma_wait3A_175 = arith.constant 0 : i32
    %dma_wait3A_176 = arith.constant 0 : i32
    %dma_wait3A_177 = arith.constant 0 : i32
    %dma_wait3A_178 = tpu.memref_slice %arg5[%dma_wait3A, %dma_wait3A_175, %dma_wait3A_176, %dma_wait3A_177] : memref<5x8x2x1024xf32, #tpu.memory_space<vmem>> -> memref<1x8x2x1024xf32, #tpu.memory_space<vmem>>
    %dma_wait3A_179 = tpu.memref_squeeze %dma_wait3A_178 : memref<1x8x2x1024xf32, #tpu.memory_space<vmem>> -> memref<8x2x1024xf32, #tpu.memory_space<vmem>>
    tpu.wait_dma2 semaphore(%dma_wait3A_171 : memref<!tpu.dma_semaphore, #tpu.memory_space<semaphore_mem>>) src(%dma_wait3A_179 : memref<8x2x1024xf32, #tpu.memory_space<vmem>>) dst(%dma_wait3A_174 : memref<8x2x1024xf32, #tpu.memory_space<hbm>>)
    %add3A_180 = arith.constant 96 : i32
    %add3A_181 = arith.addi %mul3A_2, %add3A_180 : i32
    %dma_wait3A_182 = arith.constant 2 : i32
    %dma_wait3A_183 = arith.constant 2 : i32
    %dma_wait3A_184 = arith.constant 0 : i32
    %dma_wait3A_185 = arith.constant 0 : i32
    %dma_wait3A_186 = arith.constant 0 : i32
    %dma_wait3A_187 = tpu.memref_slice %arg5[%dma_wait3A_182, %dma_wait3A_184, %dma_wait3A_185, %dma_wait3A_186] : memref<5x8x2x1024xf32, #tpu.memory_space<vmem>> -> memref<1x8x2x1024xf32, #tpu.memory_space<vmem>>
    %dma_wait3A_188 = tpu.memref_squeeze %dma_wait3A_187 : memref<1x8x2x1024xf32, #tpu.memory_space<vmem>> -> memref<8x2x1024xf32, #tpu.memory_space<vmem>>
    %dma_wait3A_189 = arith.constant 0 : i32
    %dma_wait3A_190 = arith.constant 0 : i32
    %dma_wait3A_191 = tpu.memref_slice %arg4[%add3A_181, %dma_wait3A_189, %dma_wait3A_190] : memref<4096x2x1024xf32, #tpu.memory_space<hbm>> -> memref<8x2x1024xf32, #tpu.memory_space<hbm>>
    %dma_wait3A_192 = tpu.memref_slice %arg9[%dma_wait3A_183] : memref<5x!tpu.dma_semaphore, #tpu.memory_space<semaphore_mem>> -> memref<1x!tpu.dma_semaphore, #tpu.memory_space<semaphore_mem>>
    %dma_wait3A_193 = tpu.memref_squeeze %dma_wait3A_192 : memref<1x!tpu.dma_semaphore, #tpu.memory_space<semaphore_mem>> -> memref<!tpu.dma_semaphore, #tpu.memory_space<semaphore_mem>>
    %dma_wait3A_194 = arith.constant 0 : i32
    %dma_wait3A_195 = arith.constant 0 : i32
    %dma_wait3A_196 = tpu.memref_slice %arg4[%add3A_181, %dma_wait3A_194, %dma_wait3A_195] : memref<4096x2x1024xf32, #tpu.memory_space<hbm>> -> memref<8x2x1024xf32, #tpu.memory_space<hbm>>
    %dma_wait3A_197 = arith.constant 0 : i32
    %dma_wait3A_198 = arith.constant 0 : i32
    %dma_wait3A_199 = arith.constant 0 : i32
    %dma_wait3A_200 = tpu.memref_slice %arg5[%dma_wait3A_182, %dma_wait3A_197, %dma_wait3A_198, %dma_wait3A_199] : memref<5x8x2x1024xf32, #tpu.memory_space<vmem>> -> memref<1x8x2x1024xf32, #tpu.memory_space<vmem>>
    %dma_wait3A_201 = tpu.memref_squeeze %dma_wait3A_200 : memref<1x8x2x1024xf32, #tpu.memory_space<vmem>> -> memref<8x2x1024xf32, #tpu.memory_space<vmem>>
    tpu.wait_dma2 semaphore(%dma_wait3A_193 : memref<!tpu.dma_semaphore, #tpu.memory_space<semaphore_mem>>) src(%dma_wait3A_201 : memref<8x2x1024xf32, #tpu.memory_space<vmem>>) dst(%dma_wait3A_196 : memref<8x2x1024xf32, #tpu.memory_space<hbm>>)
    %add3A_202 = arith.constant 104 : i32
    %add3A_203 = arith.addi %mul3A_2, %add3A_202 : i32
    %dma_wait3A_204 = arith.constant 3 : i32
    %dma_wait3A_205 = arith.constant 3 : i32
    %dma_wait3A_206 = arith.constant 0 : i32
    %dma_wait3A_207 = arith.constant 0 : i32
    %dma_wait3A_208 = arith.constant 0 : i32
    %dma_wait3A_209 = tpu.memref_slice %arg5[%dma_wait3A_204, %dma_wait3A_206, %dma_wait3A_207, %dma_wait3A_208] : memref<5x8x2x1024xf32, #tpu.memory_space<vmem>> -> memref<1x8x2x1024xf32, #tpu.memory_space<vmem>>
    %dma_wait3A_210 = tpu.memref_squeeze %dma_wait3A_209 : memref<1x8x2x1024xf32, #tpu.memory_space<vmem>> -> memref<8x2x1024xf32, #tpu.memory_space<vmem>>
    %dma_wait3A_211 = arith.constant 0 : i32
    %dma_wait3A_212 = arith.constant 0 : i32
    %dma_wait3A_213 = tpu.memref_slice %arg4[%add3A_203, %dma_wait3A_211, %dma_wait3A_212] : memref<4096x2x1024xf32, #tpu.memory_space<hbm>> -> memref<8x2x1024xf32, #tpu.memory_space<hbm>>
    %dma_wait3A_214 = tpu.memref_slice %arg9[%dma_wait3A_205] : memref<5x!tpu.dma_semaphore, #tpu.memory_space<semaphore_mem>> -> memref<1x!tpu.dma_semaphore, #tpu.memory_space<semaphore_mem>>
    %dma_wait3A_215 = tpu.memref_squeeze %dma_wait3A_214 : memref<1x!tpu.dma_semaphore, #tpu.memory_space<semaphore_mem>> -> memref<!tpu.dma_semaphore, #tpu.memory_space<semaphore_mem>>
    %dma_wait3A_216 = arith.constant 0 : i32
    %dma_wait3A_217 = arith.constant 0 : i32
    %dma_wait3A_218 = tpu.memref_slice %arg4[%add3A_203, %dma_wait3A_216, %dma_wait3A_217] : memref<4096x2x1024xf32, #tpu.memory_space<hbm>> -> memref<8x2x1024xf32, #tpu.memory_space<hbm>>
    %dma_wait3A_219 = arith.constant 0 : i32
    %dma_wait3A_220 = arith.constant 0 : i32
    %dma_wait3A_221 = arith.constant 0 : i32
    %dma_wait3A_222 = tpu.memref_slice %arg5[%dma_wait3A_204, %dma_wait3A_219, %dma_wait3A_220, %dma_wait3A_221] : memref<5x8x2x1024xf32, #tpu.memory_space<vmem>> -> memref<1x8x2x1024xf32, #tpu.memory_space<vmem>>
    %dma_wait3A_223 = tpu.memref_squeeze %dma_wait3A_222 : memref<1x8x2x1024xf32, #tpu.memory_space<vmem>> -> memref<8x2x1024xf32, #tpu.memory_space<vmem>>
    tpu.wait_dma2 semaphore(%dma_wait3A_215 : memref<!tpu.dma_semaphore, #tpu.memory_space<semaphore_mem>>) src(%dma_wait3A_223 : memref<8x2x1024xf32, #tpu.memory_space<vmem>>) dst(%dma_wait3A_218 : memref<8x2x1024xf32, #tpu.memory_space<hbm>>)
    %add3A_224 = arith.constant 112 : i32
    %add3A_225 = arith.addi %mul3A_2, %add3A_224 : i32
    %dma_wait3A_226 = arith.constant 4 : i32
    %dma_wait3A_227 = arith.constant 4 : i32
    %dma_wait3A_228 = arith.constant 0 : i32
    %dma_wait3A_229 = arith.constant 0 : i32
    %dma_wait3A_230 = arith.constant 0 : i32
    %dma_wait3A_231 = tpu.memref_slice %arg5[%dma_wait3A_226, %dma_wait3A_228, %dma_wait3A_229, %dma_wait3A_230] : memref<5x8x2x1024xf32, #tpu.memory_space<vmem>> -> memref<1x8x2x1024xf32, #tpu.memory_space<vmem>>
    %dma_wait3A_232 = tpu.memref_squeeze %dma_wait3A_231 : memref<1x8x2x1024xf32, #tpu.memory_space<vmem>> -> memref<8x2x1024xf32, #tpu.memory_space<vmem>>
    %dma_wait3A_233 = arith.constant 0 : i32
    %dma_wait3A_234 = arith.constant 0 : i32
    %dma_wait3A_235 = tpu.memref_slice %arg4[%add3A_225, %dma_wait3A_233, %dma_wait3A_234] : memref<4096x2x1024xf32, #tpu.memory_space<hbm>> -> memref<8x2x1024xf32, #tpu.memory_space<hbm>>
    %dma_wait3A_236 = tpu.memref_slice %arg9[%dma_wait3A_227] : memref<5x!tpu.dma_semaphore, #tpu.memory_space<semaphore_mem>> -> memref<1x!tpu.dma_semaphore, #tpu.memory_space<semaphore_mem>>
    %dma_wait3A_237 = tpu.memref_squeeze %dma_wait3A_236 : memref<1x!tpu.dma_semaphore, #tpu.memory_space<semaphore_mem>> -> memref<!tpu.dma_semaphore, #tpu.memory_space<semaphore_mem>>
    %dma_wait3A_238 = arith.constant 0 : i32
    %dma_wait3A_239 = arith.constant 0 : i32
    %dma_wait3A_240 = tpu.memref_slice %arg4[%add3A_225, %dma_wait3A_238, %dma_wait3A_239] : memref<4096x2x1024xf32, #tpu.memory_space<hbm>> -> memref<8x2x1024xf32, #tpu.memory_space<hbm>>
    %dma_wait3A_241 = arith.constant 0 : i32
    %dma_wait3A_242 = arith.constant 0 : i32
    %dma_wait3A_243 = arith.constant 0 : i32
    %dma_wait3A_244 = tpu.memref_slice %arg5[%dma_wait3A_226, %dma_wait3A_241, %dma_wait3A_242, %dma_wait3A_243] : memref<5x8x2x1024xf32, #tpu.memory_space<vmem>> -> memref<1x8x2x1024xf32, #tpu.memory_space<vmem>>
    %dma_wait3A_245 = tpu.memref_squeeze %dma_wait3A_244 : memref<1x8x2x1024xf32, #tpu.memory_space<vmem>> -> memref<8x2x1024xf32, #tpu.memory_space<vmem>>
    tpu.wait_dma2 semaphore(%dma_wait3A_237 : memref<!tpu.dma_semaphore, #tpu.memory_space<semaphore_mem>>) src(%dma_wait3A_245 : memref<8x2x1024xf32, #tpu.memory_space<vmem>>) dst(%dma_wait3A_240 : memref<8x2x1024xf32, #tpu.memory_space<hbm>>)
    %add3A_246 = arith.constant 120 : i32
    %add3A_247 = arith.addi %mul3A_2, %add3A_246 : i32
    %dma_wait3A_248 = arith.constant 0 : i32
    %dma_wait3A_249 = arith.constant 0 : i32
    %dma_wait3A_250 = arith.constant 0 : i32
    %dma_wait3A_251 = arith.constant 0 : i32
    %dma_wait3A_252 = arith.constant 0 : i32
    %dma_wait3A_253 = tpu.memref_slice %arg5[%dma_wait3A_248, %dma_wait3A_250, %dma_wait3A_251, %dma_wait3A_252] : memref<5x8x2x1024xf32, #tpu.memory_space<vmem>> -> memref<1x8x2x1024xf32, #tpu.memory_space<vmem>>
    %dma_wait3A_254 = tpu.memref_squeeze %dma_wait3A_253 : memref<1x8x2x1024xf32, #tpu.memory_space<vmem>> -> memref<8x2x1024xf32, #tpu.memory_space<vmem>>
    %dma_wait3A_255 = arith.constant 0 : i32
    %dma_wait3A_256 = arith.constant 0 : i32
    %dma_wait3A_257 = tpu.memref_slice %arg4[%add3A_247, %dma_wait3A_255, %dma_wait3A_256] : memref<4096x2x1024xf32, #tpu.memory_space<hbm>> -> memref<8x2x1024xf32, #tpu.memory_space<hbm>>
    %dma_wait3A_258 = tpu.memref_slice %arg9[%dma_wait3A_249] : memref<5x!tpu.dma_semaphore, #tpu.memory_space<semaphore_mem>> -> memref<1x!tpu.dma_semaphore, #tpu.memory_space<semaphore_mem>>
    %dma_wait3A_259 = tpu.memref_squeeze %dma_wait3A_258 : memref<1x!tpu.dma_semaphore, #tpu.memory_space<semaphore_mem>> -> memref<!tpu.dma_semaphore, #tpu.memory_space<semaphore_mem>>
    %dma_wait3A_260 = arith.constant 0 : i32
    %dma_wait3A_261 = arith.constant 0 : i32
    %dma_wait3A_262 = tpu.memref_slice %arg4[%add3A_247, %dma_wait3A_260, %dma_wait3A_261] : memref<4096x2x1024xf32, #tpu.memory_space<hbm>> -> memref<8x2x1024xf32, #tpu.memory_space<hbm>>
    %dma_wait3A_263 = arith.constant 0 : i32
    %dma_wait3A_264 = arith.constant 0 : i32
    %dma_wait3A_265 = arith.constant 0 : i32
    %dma_wait3A_266 = tpu.memref_slice %arg5[%dma_wait3A_248, %dma_wait3A_263, %dma_wait3A_264, %dma_wait3A_265] : memref<5x8x2x1024xf32, #tpu.memory_space<vmem>> -> memref<1x8x2x1024xf32, #tpu.memory_space<vmem>>
    %dma_wait3A_267 = tpu.memref_squeeze %dma_wait3A_266 : memref<1x8x2x1024xf32, #tpu.memory_space<vmem>> -> memref<8x2x1024xf32, #tpu.memory_space<vmem>>
    tpu.wait_dma2 semaphore(%dma_wait3A_259 : memref<!tpu.dma_semaphore, #tpu.memory_space<semaphore_mem>>) src(%dma_wait3A_267 : memref<8x2x1024xf32, #tpu.memory_space<vmem>>) dst(%dma_wait3A_262 : memref<8x2x1024xf32, #tpu.memory_space<hbm>>)
    return
  }
}

</mosaic_0001>

<sc_bundles>
// kernel: kernel.3.cloned.1.call-start
scs
__scs_entry_jumppad:
0x0: {  	(pc) =	sbr.rel $0x88, $3  }
0x1: {  	(tag) =	ssettag $0x0;
	lr =	simm.s32 $0x1  }
0x2: {  	[smem:$0x3F9F] =	sst lr;
	_ =	strace $0xD0000000  }
0x3: {  	_ = 	snop  }
0x4: {  	_ = 	snop  }
0x5: {  	_ = 	snop  }
0x6: {  	_ = 	snop  }
0x7: {  	_ = 	snop  }
__scs_overlays_trampoline_lowered:
0x8: {  	[smem:$0x3FAE] =	sst s0  }
0x9: {  	[smem:$0x3FAF] =	sst s1  }
0xa: {  	[smem:$0x3FB0] =	sst s2  }
0xb: {  	[smem:$0x3FB1] =	sst s3  }
0xc: {  	[smem:$0x3FB2] =	sst s4  }
0xd: {  	[smem:$0x3FB3] =	sst s5  }
0xe: {  	[smem:$0x3FB4] =	sst s6  }
0xf: {  	[smem:$0x3FB5] =	sst s7  }
0x10: {  	[smem:$0x3FB6] =	sst s8  }
0x11: {  	[smem:$0x3FB7] =	sst s9;
	s0 =	simm.s32 @!p0 $0x0  }
0x12: {  	s1 =	sld [smem:$0x3F9D];
	s0 =	simm.s32 @p0 $0x1  }
0x13: {  	[smem:$0x3FB8] =	sst s0;
	s0 =	simm.s32 @!p1 $0x0  }
0x14: {  	s2 =	sld [smem:$0x3F9C];
	s0 =	simm.s32 @p1 $0x1  }
0x15: {  	[smem:$0x3FB9] =	sst s0;
	s0 =	simm.s32 @!p2 $0x0  }
0x16: {  	s3 =	sld [smem:$0x3FDB];
	s0 =	simm.s32 @p2 $0x1  }
0x17: {  	s4 =	simm.s32 $0x1BF5;
	[smem:$0x3FBB] =	sst s0  }
0x18: {  	s0 =	sld [smem:$0x3F9E];
	_ =	swait.ge [sflag:s4], $0x0  }
0x19: {  	s7 =	sld [smem:$0x3F9F]  }
0x1a: {  	s8 =	sadd.s32 $0xFFFFE003, lr  }
0x1b: {  	s9 =	sadd.s32 $0xFFFFFEF7, lr;
	s5 =	simm.s32 $0xFFFFFFFF;
	p2 =	slt.u32 s8, $0xFFFFF086  }
0x1c: {  	p1 =	slt.u32 s9, $0xF7A;
	s5 =	simm.s32 @!p2 $0x0  }
0x1d: {  	s5 =	simm.s32 @p1 $0x1;
	p0 =	seq.s32 s7, s2  }
0x1e: {  	s7 =	smul.u32 @!p0 $0xF7A, s2;
	p2 =	seq.s32 @!p0 s5, $0x0  }
0x1f: {  	s9 =	smul.u32 $0xF7A, s1;
	s8 =	simm.s32 @!p0 $0x1BF5;
	p2 =	por !p2, p0  }
0x20: {  	[sflag:s8] =	ssyncset.s32 @!p0 $0xFFFFF086;
	s6 =	sadd.s32 @!p0 s3, s7;
	s7 =	simm.s32 @!p0 $0x108  }
0x21: {  	s3 =	sadd.s32 s3, s9;
	s6 =	sadd.s32 @!p0 $0x88, s6;
	s7 =	simm.s32 @p2 $0x1082  }
0x22: {  	[simem:s7], [sflag:s8] =	dma.local @!p0 [hbm:s6], $0xF7A  }
0x23: {  	s9 =	sor.u32 $0xD0000000, s2;
	s6 =	simm.s32 $0x108;
	_ =	swait.ge @!p0 [sflag:s8], $0x0  }
0x24: {  	s3 =	sadd.s32 $0x88, s3;
	s6 =	simm.s32 @!p1 $0x1082;
	[sflag:s4] =	ssyncset.s32 $0xFFFFF086  }
0x25: {  	[simem:s6], [sflag:s4] =	dma.local [hbm:s3], $0xF7A  }
0x26: {  	[smem:$0x3F9F] =	sst s1;
	(tag) =	ssettag s2;
	_ =	strace s9  }
0x27: {  	s1 =	sld [smem:$0x3FAF]  }
0x28: {  	s2 =	sld [smem:$0x3FB0]  }
0x29: {  	s4 =	sld [smem:$0x3FB2]  }
0x2a: {  	p0 =	seq.s32 s5, $0x0;
	s5 =	sld [smem:$0x3FB3]  }
0x2b: {  	s6 =	sld [smem:$0x3FB4]  }
0x2c: {  	s7 =	sld [smem:$0x3FB5]  }
0x2d: {  	s3 =	simm.s32 $0x108;
	s8 =	sld [smem:$0x3FB6]  }
0x2e: {  	s3 =	simm.s32 @!p0 $0x1082;
	s9 =	sld [smem:$0x3FB7]  }
0x2f: {  	lr =	sadd.s32 s0, s3;
	s0 =	sld [smem:$0x3FAE]  }
0x30: {  	s3 =	sld [smem:$0x3FB1]  }
0x31: {  	[smem:$0x3FBA] =	sst s10  }
0x32: {  	s10 =	sld [smem:$0x3FB8];
	_ =	sdelay $0x3  }
0x33: {  	p0 =	seq.s32 s10, $0x1;
	s10 =	sld [smem:$0x3FBA];
	_ =	sdelay $0x3  }
0x34: {  	[smem:$0x3FBA] =	sst s10  }
0x35: {  	s10 =	sld [smem:$0x3FB9];
	_ =	sdelay $0x3  }
0x36: {  	p1 =	seq.s32 s10, $0x1;
	s10 =	sld [smem:$0x3FBA];
	_ =	sdelay $0x3  }
0x37: {  	[smem:$0x3FBA] =	sst s10  }
0x38: {  	s10 =	sld [smem:$0x3FBB]  }
0x39: {  	_ = 	snop;
	(pc) =	sbr.ind lr, $3  }
0x3a: {  	_ = 	snop  }
0x3b: {  	_ = 	snop  }
0x3c: {  	p2 =	seq.s32 s10, $0x1;
	s10 =	sld [smem:$0x3FBA]  }
0x3d: {  	_ =	shalt  }
0x3e: {  	_ =	shalt  }
0x3f: {  	_ =	shalt  }
0x40: {  	_ =	shalt  }
0x41: {  	_ =	shalt  }
0x42: {  	_ =	shalt  }
0x43: {  	_ =	shalt  }
0x44: {  	_ =	shalt  }
0x45: {  	_ =	shalt  }
0x46: {  	_ =	shalt  }
0x47: {  	_ =	shalt  }
0x48: {  	_ =	shalt  }
0x49: {  	_ =	shalt  }
0x4a: {  	_ =	shalt  }
0x4b: {  	_ =	shalt  }
0x4c: {  	_ =	shalt  }
0x4d: {  	_ =	shalt  }
0x4e: {  	_ =	shalt  }
0x4f: {  	_ =	shalt  }
0x50: {  	_ =	shalt  }
0x51: {  	_ =	shalt  }
0x52: {  	_ =	shalt  }
0x53: {  	_ =	shalt  }
0x54: {  	_ =	shalt  }
0x55: {  	_ =	shalt  }
0x56: {  	_ =	shalt  }
0x57: {  	_ =	shalt  }
0x58: {  	_ =	shalt  }
0x59: {  	_ =	shalt  }
0x5a: {  	_ =	shalt  }
0x5b: {  	_ =	shalt  }
0x5c: {  	_ =	shalt  }
0x5d: {  	_ =	shalt  }
0x5e: {  	_ =	shalt  }
0x5f: {  	_ =	shalt  }
0x60: {  	_ =	shalt  }
0x61: {  	_ =	shalt  }
0x62: {  	_ =	shalt  }
0x63: {  	_ =	shalt  }
0x64: {  	_ =	shalt  }
0x65: {  	_ =	shalt  }
0x66: {  	_ =	shalt  }
0x67: {  	_ =	shalt  }
0x68: {  	_ =	shalt  }
0x69: {  	_ =	shalt  }
0x6a: {  	_ =	shalt  }
0x6b: {  	_ =	shalt  }
0x6c: {  	_ =	shalt  }
0x6d: {  	_ =	shalt  }
0x6e: {  	_ =	shalt  }
0x6f: {  	_ =	shalt  }
0x70: {  	_ =	shalt  }
0x71: {  	_ =	shalt  }
0x72: {  	_ =	shalt  }
0x73: {  	_ =	shalt  }
0x74: {  	_ =	shalt  }
0x75: {  	_ =	shalt  }
0x76: {  	_ =	shalt  }
0x77: {  	_ =	shalt  }
0x78: {  	_ =	shalt  }
0x79: {  	_ =	shalt  }
0x7a: {  	_ =	shalt  }
0x7b: {  	_ =	shalt  }
0x7c: {  	_ =	shalt  }
0x7d: {  	_ =	shalt  }
0x7e: {  	_ =	shalt  }
0x7f: {  	_ =	shalt  }
0x80: {  	_ =	shalt  }
0x81: {  	_ =	shalt  }
0x82: {  	_ =	shalt  }
0x83: {  	_ =	shalt  }
0x84: {  	_ =	shalt  }
0x85: {  	_ =	shalt  }
0x86: {  	_ =	shalt  }
0x87: {  	_ =	shalt  }
.Lfunc_end0:
.L_simem_size_0:
called_computation_lowered:
.L_overlay_start_0:
0x88: {  	s2 =	sld [smem:$0x3FD9]  }
0x89: {  	s3 =	sld [smem:$0x3FFE];
	_ =	sdelay $0x1  }
0x8a: {  	s1 =	srdreg.scid  }
0x8b: {  	s0 =	sand.u32 $0x1, s1  }
0x8c: {  	s18 =	sshll.u32 s0, $0xA;
	s2 =	sadd.s32 s3, s2  }
0x8d: {  	s2 =	sadd.s32 s2, s18  }
0x8e: {  	[smem:$0x3FC6] =	sst s2  }
0x8f: {  	_ = 	snop  }
0x90: {  	s2 =	sld [smem:$0x3FC9]  }
0x91: {  	s19 =	sld [smem:$0x3FC8]  }
0x92: {  	s4 =	sld [smem:$0x3FD0];
	(tm) =	ssettm $0x1  }
0x93: {  	s5 =	sld [smem:$0x3FFB];
	_ =	sdelay $0x3  }
0x94: {  	_ =	strace s5  }
0x95: {  	s5 =	sld [smem:$0x3FFC];
	_ =	sdelay $0x3  }
0x96: {  	_ =	strace s5  }
0x97: {  	s5 =	sld [smem:$0x3FFD];
	_ =	sdelay $0x3  }
0x98: {  	_ =	strace s5  }
0x99: {  	_ =	strace $0x8FFFFFFF  }
0x9a: {  	s20 =	sld [smem:$0x3FDB];
	_ =	sdelay $0x1  }
0x9b: {  	s6 =	simm.s32 $_scs_section_size  }
0x9c: {  	s7 =	simm.s32 $_size__tile_overlayer_lowered;
	s8 =	simm.s32 $_tile_overlayer_lowered  }
0x9d: {  	s23 =	simm.s32 $0x1BFF;
	s22 =	sshll.u32 s8, $0x1;
	s5 =	sadd.s32 s6, s20  }
0x9e: {  	s9 =	simm.s32 $0x0;
	s21 =	sshll.u32 s7, $0x1;
	s7 =	sadd.s32 s22, s5  }
0x9f: {  	[timem:s9], [sflag:s23] =	dma.local [hbm:s7], s21  }
0xa0: {  	_ =	swait.ge [sflag:s23], s21  }
0xa1: {  	s6 =	ssub.s32 $0x0, s21;
	[sflag:s23] =	ssyncset.done $0x0  }
0xa2: {  	[sflag:s23] =	ssyncadd.s32 s6;
	_ =	sdelay $0x1  }
0xa3: {  	s24 =	simm.s32 $0x1B8B  }
0xa4: {  	_ =	swait.ge [sflag:s24], $0x1  }
0xa5: {  	[sflag:s24] =	ssyncset.done $0x0  }
0xa6: {  	s25 =	simm.s32 $0x1B8E;
	[sflag:s24] =	ssyncadd.s32 $0xFFFFFFFF  }
0xa7: {  	s26 =	simm.s32 $execute0_lowered;
	[smem:$0x3FD2] =	sst s25  }
0xa8: {  	s6 =	sshll.u32 s26, $0x1;
	_ =	strace $0x80000046;
	[dreg:$0x1] =	wrdreg $0xFFFFFFFF  }
0xa9: {  	s28 =	simm.s32 $_size_execute0_lowered;
	s5 =	sadd.s32 s5, s6;
	[dreg:$0x0] =	wrdreg $0x0  }
0xaa: {  	s6 =	sshll.u32 s28, $0x1;
	[dreg:$0x2] =	wrdreg s5  }
0xab: {  	[dreg:$0x3] =	wrdreg s6  }
0xac: {  	[dreg:$0x4] =	wrdreg $0xC0  }
0xad: {  	_ =	task [dreg:s9], $0x5FFFF  }
0xae: {  	[dreg:$0x1] =	wrdreg $0xFFFFFFFF  }
0xaf: {  	[dreg:$0x0] =	wrdreg $0x60  }
0xb0: {  	[dreg:$0x2] =	wrdreg s2  }
0xb1: {  	[dreg:$0x3] =	wrdreg s19  }
0xb2: {  	[dreg:$0x4] =	wrdreg s4  }
0xb3: {  	[dreg:$0x5] =	wrdreg $0x9  }
0xb4: {  	_ =	task.clear_ibuf [dreg:s9], $0x6FFFF;
	_ =	strace $0x90000046  }
0xb5: {  	s29 =	simm.s32 $0x9;
	_ =	strace $0x80000048  }
0xb6: {  	_ =	swait.ge [sflag:s29], $0x1  }
0xb7: {  	[sflag:s29] =	ssyncadd.s32 $0xFFFFFFFF  }
0xb8: {  	_ =	strace $0x90000048  }
0xb9: {  	_ =	sfence  }
0xba: {  	s30 =	sld [smem:$0x0];
	_ =	sdelay $0x2  }
0xbb: {  	s31 =	sshll.u32 s1, $0xD;
	s1 =	sshrl.u32 s1, $0x2  }
0xbc: {  	s3 =	sand.u32 $0x4000, s31;
	s1 =	sadd.s32 s1, s30  }
0xbd: {  	s0 =	sor.u32 s3, s0;
	s1 =	sshll.u32 s1, $0x11  }
0xbe: {  	s0 =	sor.u32 s1, s0  }
0xbf: {  	s0 =	sadd.s32 $0x8F2B, s0  }
0xc0: {  	[sflag:s0] =	ssyncadd.remote.s32 $0x1  }
0xc1: {  	_ =	sfence.sel $0xFFFF  }
0xc2: {  	[dreg:$0x0] =	wrdreg $0xFFFFFFFF;
	(pc) =	sbr.abs _section_cstart, $3  }
0xc3: {  	[dreg:$0x1] =	wrdreg $0xFFFFFFFF  }
0xc4: {  	_ =	task.clear_ibuf [dreg:s9], $0x2FFFF;
	_ =	strace $0x9FFFFFFF  }
0xc5: {  	(tm) =	ssettm $0x7FFFFFFF  }
tec
execute0_lowered:
.L_overlay_start_1:
0x0: {  	(tag) =	ssettag $0x1  }
0x1: {  	s1 =	rddreg [dreg:$0x0]  }
0x2: {  	s2 =	rddreg [dreg:$0x1]  }
0x3: {  	s0 =	rddreg [dreg:$0x2]  }
0x4: {  	s3 =	srdreg.scid;
	s4 =	simm.s32 $0x0;
	s5 =	stileid.u32  }
0x5: {  	s20 =	simm.s32 $0x18000;
	s21 =	simm.s32 $0xC000;
	s22 =	simm.s32 $0x1A000  }
0x6: {  	s23 =	simm.s32 $0xC;
	s24 =	simm.s32 $0xD;
	s25 =	simm.s32 $0xE  }
0x7: {  	s26 =	simm.s32 $0xF;
	s28 =	simm.s32 $0xB;
	s3 =	sand.u32 $0x1, s3  }
0x8: {  	s29 =	simm.s32 $0x0;
	s5 =	sshll.u32 s5, $0x8;
	s6 =	ssub.s32 $0x2, s3  }
0x9: {  	[smem:$0x7FF] =	sst s4;
	s3 =	sshll.u32 s3, $0x7;
	s7 =	sshrl.u32 s6, $0x1  }
0xa: {  	_ =	strace $0x80000047;
	s5 =	sor.u32 s3, s5;
	s30 =	ssub.s32 s6, s7  }
0xb: {  	s14 =	sshll.u32 s5, $0x8;
	s31 =	sshll.u32 s5, $0x7;
	s9 =	sor.u32 $0x8, s5  }
0xc: {  	s11 =	sor.u32 $0x10, s5;
	s12 =	sor.u32 $0x18, s5;
	s6 =	sadd.s32 s1, s14  }
0xd: {  	s7 =	sadd.s32 s2, s31;
	s8 =	sshll.u32 s9, $0x8;
	s9 =	sshll.u32 s9, $0x7  }
0xe: {  	s10 =	sshll.u32 s11, $0x8;
	s11 =	sshll.u32 s11, $0x7;
	s13 =	sshll.u32 s12, $0x8  }
0xf: {  	s15 =	sshll.u32 s12, $0x7;
	s14 =	sadd.s32 s0, s14;
	s8 =	sadd.s32 s1, s8  }
0x10: {  	s9 =	sadd.s32 s2, s9;
	s10 =	sadd.s32 s1, s10;
	s11 =	sadd.s32 s2, s11  }
0x11: {  	s12 =	sadd.s32 s1, s13;
	s13 =	sadd.s32 s2, s15;
	s15 =	smax.u32 s30, $0x1  }
.LBB2_1:
0x12: {  	[tilespmem:s4], [sflag:$0x1] =	stream.linear.gather [hbm4b:s6+s4], $0x4000, $0x38;
	[tilespmem:$0x1E000] =	vst v63  }
0x13: {  	s0 =	simm.s32 $0x14000  }
0x14: {  	[tilespmem:s0], [sflag:$0x6] =	stream.linear.gather [hbm4b:s7+s4], $0x2000, $0x38;
	[tilespmem:$0x1E000] =	vst v63  }
0x15: {  	s18 =	simm.s32 $0x4000  }
0x16: {  	[tilespmem:s18], [sflag:$0x2] =	stream.linear.gather [hbm4b:s8+s4], $0x4000, $0x38;
	[tilespmem:$0x1E000] =	vst v63  }
0x17: {  	s19 =	simm.s32 $0x16000  }
0x18: {  	[tilespmem:s19], [sflag:$0x7] =	stream.linear.gather [hbm4b:s9+s4], $0x2000, $0x38;
	[tilespmem:$0x1E000] =	vst v63  }
0x19: {  	s31 =	simm.s32 $0x8000  }
0x1a: {  	[tilespmem:s31], [sflag:$0x3] =	stream.linear.gather [hbm4b:s10+s4], $0x4000, $0x38;
	[tilespmem:$0x1E000] =	vst v63  }
0x1b: {  	_ = 	snop  }
0x1c: {  	[tilespmem:s20], [sflag:$0x8] =	stream.linear.gather [hbm4b:s11+s4], $0x2000, $0x38;
	[tilespmem:$0x1E000] =	vst v63  }
0x1d: {  	_ = 	snop  }
0x1e: {  	[tilespmem:s21], [sflag:$0x4] =	stream.linear.gather [hbm4b:s12+s4], $0x4000, $0x38;
	[tilespmem:$0x1E000] =	vst v63  }
0x1f: {  	s30 =	simm.s32 $0x0  }
0x20: {  	[tilespmem:s22], [sflag:$0x9] =	stream.linear.gather [hbm4b:s13+s4], $0x2000, $0x38;
	[tilespmem:$0x1E000] =	vst v63  }
.LBB2_2:
0x21: {  	p0 =	sgt.u32 s30, $0xB  }
0x22: {  	p1 =	seq.s32 @!p0 s30, $0x0  }
0x23: {  	p1 =	por p1, p0  }
0x24: {  	s0 =	sadd.s32 @!p1 $0xFFFFFFFF, s30  }
0x25: {  	s3 =	sand.u32 @!p1 $0xFF, s0  }
0x26: {  	s3 =	smul.u32 @!p1 $0xCD, s3  }
0x27: {  	s16 =	smul.u32 $0xCD, s30;
	s17 =	sadd.s32 $0x4, s30  }
0x28: {  	s31 =	smul.u32 @!p0 $0xCD, s17;
	s3 =	sshrl.u32 @!p1 s3, $0xA  }
0x29: {  	s3 =	smul.u32 @!p1 $0x5, s3  }
0x2a: {  	s16 =	sshrl.u32 s16, $0xA  }
0x2b: {  	s16 =	sand.u32 $0x3F, s16;
	s31 =	sshrl.u32 @!p0 s31, $0xA;
	s0 =	ssub.s32 @!p1 s0, s3  }
0x2c: {  	s16 =	smul.u32 $0x5, s16;
	s3 =	sand.u32 @!p0 $0x3F, s31;
	s0 =	sand.u32 @!p1 $0xFF, s0  }
0x2d: {  	s19 =	simm.s32 @!p0 $0x0;
	s3 =	smul.u32 @!p0 $0x5, s3;
	s0 =	sadd.s32 @!p1 $0xB, s0  }
0x2e: {  	s16 =	ssub.s32 s30, s16;
	s31 =	sshll.u32 @!p0 s17, $0x3;
	_ =	swait.ge @!p1 [sflag:s0], $0x4000  }
0x2f: {  	s3 =	ssub.s32 @!p0 s17, s3;
	s17 =	sadd.s32 @!p0 s5, s31;
	[sflag:s0] =	ssyncset.done @!p1 $0x0  }
0x30: {  	s3 =	sand.u32 @!p0 $0xFF, s3;
	s31 =	sshll.u32 @!p0 s17, $0x8;
	[sflag:s0] =	ssyncadd.s32 @!p1 $0xFFFFC000  }
0x31: {  	s0 =	sshll.u32 @!p0 s3, $0xE;
	s18 =	sadd.s32 @!p0 $0x1, s3;
	s31 =	sadd.s32 @!p0 s1, s31  }
0x32: {  	[tilespmem:s0], [sflag:s18] =	stream.linear.gather @!p0 [hbm4b:s31+s19], $0x4000, $0x38;
	[tilespmem:$0x1E000] =	vst v63  }
0x33: {  	s31 =	sand.u32 $0xFF, s16;
	s0 =	sshll.u32 @!p0 s3, $0xD;
	s16 =	sshll.u32 @!p0 s17, $0x7  }
0x34: {  	s3 =	sadd.s32 @!p0 $0x6, s3;
	s0 =	sadd.s32 @!p0 $0x14000, s0;
	s16 =	sadd.s32 @!p0 s2, s16  }
0x35: {  	[tilespmem:s0], [sflag:s3] =	stream.linear.gather @!p0 [hbm4b:s16+s19], $0x2000, $0x38;
	[tilespmem:$0x1E000] =	vst v63  }
0x36: {  	s16 =	sadd.s32 $0x1, s31  }
0x37: {  	_ =	swait.ge [sflag:s16], $0x4000  }
0x38: {  	s18 =	sshll.u32 s31, $0xD;
	[sflag:s16] =	ssyncset.done $0x0  }
0x39: {  	s17 =	sadd.s32 $0x6, s31;
	s19 =	sadd.s32 $0x14000, s18;
	[sflag:s16] =	ssyncadd.s32 $0xFFFFC000  }
0x3a: {  	v0 =	vmov s19;
	_ =	swait.ge [sflag:s17], $0x2000  }
0x3b: {  	s0 =	sshll.u32 s31, $0xE;
	[sflag:s17] =	ssyncset.done $0x0  }
0x3c: {  	s3 =	simm.s32 $0x0;
	v1 =	vmov s0;
	[sflag:s17] =	ssyncadd.s32 $0xFFFFE000  }
.LBB2_3:
0x3d: {  	s16 =	sshll.u32 s3, $0x7  }
0x3e: {  	s17 =	sand.u32 $0x3FFFFF80, s16  }
0x3f: {  	v2 =	vld.idx.msk [tilespmem:v0+s17+$0x0 ss:$0x1], $0xffff  }
0x40: {  	v3 =	vld.idx.msk [tilespmem:v0+s17+$0x10 ss:$0x1], $0xffff  }
0x41: {  	v4 =	vld.idx.msk [tilespmem:v0+s17+$0x20 ss:$0x1], $0xffff  }
0x42: {  	v5 =	vld.idx.msk [tilespmem:v0+s17+$0x30 ss:$0x1], $0xffff  }
0x43: {  	v6 =	vld.idx.msk [tilespmem:v0+s17+$0x40 ss:$0x1], $0xffff  }
0x44: {  	v7 =	vld.idx.msk [tilespmem:v0+s17+$0x50 ss:$0x1], $0xffff  }
0x45: {  	s19 =	sshll.u32 s3, $0xB;
	v8 =	vld.idx.msk [tilespmem:v0+s17+$0x60 ss:$0x1], $0xffff  }
0x46: {  	s16 =	sand.u32 $0x3FFFF800, s19;
	v9 =	vld.idx.msk [tilespmem:v0+s17+$0x70 ss:$0x1], $0xffff  }
0x47: {  	v10 =	vld.idx.msk [tilespmem:v1+s16+$0x0 ss:$0x1], $0xffff  }
0x48: {  	v11 =	vld.idx.msk [tilespmem:v1+s16+$0x10 ss:$0x1], $0xffff  }
0x49: {  	v12 =	vld.idx.msk [tilespmem:v1+s16+$0x20 ss:$0x1], $0xffff  }
0x4a: {  	v13 =	vld.idx.msk [tilespmem:v1+s16+$0x30 ss:$0x1], $0xffff  }
0x4b: {  	v14 =	vld.idx.msk [tilespmem:v1+s16+$0x40 ss:$0x1], $0xffff  }
0x4c: {  	v15 =	vld.idx.msk [tilespmem:v1+s16+$0x50 ss:$0x1], $0xffff;
	v10 =	vadd.f32 v10, v2  }
0x4d: {  	v16 =	vld.idx.msk [tilespmem:v1+s16+$0x60 ss:$0x1], $0xffff;
	v11 =	vadd.f32 v11, v3  }
0x4e: {  	v17 =	vld.idx.msk [tilespmem:v1+s16+$0x70 ss:$0x1], $0xffff;
	v12 =	vadd.f32 v12, v4;
	[tilespmem:v1+s16+$0x0 ss:$0x1] =	vst.idx.msk $0xffff, v10  }
0x4f: {  	v38 =	vld.idx.msk [tilespmem:v1+s16+$0x80 ss:$0x1], $0xffff;
	v37 =	vadd.f32 v13, v5;
	[tilespmem:v1+s16+$0x10 ss:$0x1] =	vst.idx.msk $0xffff, v11  }
0x50: {  	v40 =	vld.idx.msk [tilespmem:v1+s16+$0x90 ss:$0x1], $0xffff;
	v39 =	vadd.f32 v14, v6;
	[tilespmem:v1+s16+$0x20 ss:$0x1] =	vst.idx.msk $0xffff, v12  }
0x51: {  	v42 =	vld.idx.msk [tilespmem:v1+s16+$0xA0 ss:$0x1], $0xffff;
	v41 =	vadd.f32 v15, v7;
	[tilespmem:v1+s16+$0x30 ss:$0x1] =	vst.idx.msk $0xffff, v37  }
0x52: {  	v44 =	vld.idx.msk [tilespmem:v1+s16+$0xB0 ss:$0x1], $0xffff;
	v43 =	vadd.f32 v16, v8;
	[tilespmem:v1+s16+$0x40 ss:$0x1] =	vst.idx.msk $0xffff, v39  }
0x53: {  	v46 =	vld.idx.msk [tilespmem:v1+s16+$0xC0 ss:$0x1], $0xffff;
	v45 =	vadd.f32 v17, v9;
	[tilespmem:v1+s16+$0x50 ss:$0x1] =	vst.idx.msk $0xffff, v41  }
0x54: {  	v47 =	vld.idx.msk [tilespmem:v1+s16+$0xD0 ss:$0x1], $0xffff;
	v2 =	vadd.f32 v38, v2;
	[tilespmem:v1+s16+$0x60 ss:$0x1] =	vst.idx.msk $0xffff, v43  }
0x55: {  	v48 =	vld.idx.msk [tilespmem:v1+s16+$0xE0 ss:$0x1], $0xffff;
	v3 =	vadd.f32 v40, v3;
	[tilespmem:v1+s16+$0x70 ss:$0x1] =	vst.idx.msk $0xffff, v45  }
0x56: {  	v49 =	vld.idx.msk [tilespmem:v1+s16+$0xF0 ss:$0x1], $0xffff;
	v4 =	vadd.f32 v42, v4;
	[tilespmem:v1+s16+$0x80 ss:$0x1] =	vst.idx.msk $0xffff, v2  }
0x57: {  	v2 =	vadd.f32 v44, v5;
	[tilespmem:v1+s16+$0x90 ss:$0x1] =	vst.idx.msk $0xffff, v3  }
0x58: {  	v3 =	vadd.f32 v46, v6;
	[tilespmem:v1+s16+$0xA0 ss:$0x1] =	vst.idx.msk $0xffff, v4  }
0x59: {  	v59 =	vld.idx.msk [tilespmem:v1+s16+$0x130 ss:$0x1], $0xffff;
	v50 =	vadd.f32 v47, v7;
	[tilespmem:v1+s16+$0xB0 ss:$0x1] =	vst.idx.msk $0xffff, v2  }
0x5a: {  	v60 =	vld.idx.msk [tilespmem:v1+s16+$0x140 ss:$0x1], $0xffff;
	v2 =	vadd.f32 v48, v8;
	[tilespmem:v1+s16+$0xC0 ss:$0x1] =	vst.idx.msk $0xffff, v3  }
0x5b: {  	v61 =	vld.idx.msk [tilespmem:v1+s16+$0x150 ss:$0x1], $0xffff;
	v3 =	vadd.f32 v49, v9;
	[tilespmem:v1+s16+$0xD0 ss:$0x1] =	vst.idx.msk $0xffff, v50  }
0x5c: {  	v62 =	vld.idx.msk [tilespmem:v1+s16+$0x160 ss:$0x1], $0xffff;
	[tilespmem:v1+s16+$0xE0 ss:$0x1] =	vst.idx.msk $0xffff, v2  }
0x5d: {  	v63 =	vld.idx.msk [tilespmem:v1+s16+$0x170 ss:$0x1], $0xffff;
	[tilespmem:v1+s16+$0xF0 ss:$0x1] =	vst.idx.msk $0xffff, v3  }
0x5e: {  	v2 =	vld.idx.msk [tilespmem:v0+s17+$0x400 ss:$0x1], $0xffff  }
0x5f: {  	v3 =	vld.idx.msk [tilespmem:v0+s17+$0x410 ss:$0x1], $0xffff  }
0x60: {  	v4 =	vld.idx.msk [tilespmem:v0+s17+$0x420 ss:$0x1], $0xffff  }
0x61: {  	v56 =	vld.idx.msk [tilespmem:v1+s16+$0x100 ss:$0x1], $0xffff  }
0x62: {  	v57 =	vld.idx.msk [tilespmem:v1+s16+$0x110 ss:$0x1], $0xffff  }
0x63: {  	v58 =	vld.idx.msk [tilespmem:v1+s16+$0x120 ss:$0x1], $0xffff  }
0x64: {  	v51 =	vld.idx.msk [tilespmem:v0+s17+$0x430 ss:$0x1], $0xffff  }
0x65: {  	v52 =	vld.idx.msk [tilespmem:v0+s17+$0x440 ss:$0x1], $0xffff  }
0x66: {  	v53 =	vld.idx.msk [tilespmem:v0+s17+$0x450 ss:$0x1], $0xffff;
	v10 =	vadd.f32 v56, v2  }
0x67: {  	v54 =	vld.idx.msk [tilespmem:v0+s17+$0x460 ss:$0x1], $0xffff;
	v11 =	vadd.f32 v57, v3  }
0x68: {  	v55 =	vld.idx.msk [tilespmem:v0+s17+$0x470 ss:$0x1], $0xffff;
	v12 =	vadd.f32 v58, v4;
	[tilespmem:v1+s16+$0x100 ss:$0x1] =	vst.idx.msk $0xffff, v10  }
0x69: {  	v21 =	vld.idx.msk [tilespmem:v1+s16+$0x180 ss:$0x1], $0xffff;
	v20 =	vadd.f32 v59, v51;
	[tilespmem:v1+s16+$0x110 ss:$0x1] =	vst.idx.msk $0xffff, v11  }
0x6a: {  	v23 =	vld.idx.msk [tilespmem:v1+s16+$0x190 ss:$0x1], $0xffff;
	v22 =	vadd.f32 v60, v52;
	[tilespmem:v1+s16+$0x120 ss:$0x1] =	vst.idx.msk $0xffff, v12  }
0x6b: {  	v25 =	vld.idx.msk [tilespmem:v1+s16+$0x1A0 ss:$0x1], $0xffff;
	v24 =	vadd.f32 v61, v53;
	[tilespmem:v1+s16+$0x130 ss:$0x1] =	vst.idx.msk $0xffff, v20  }
0x6c: {  	v27 =	vld.idx.msk [tilespmem:v1+s16+$0x1B0 ss:$0x1], $0xffff;
	v26 =	vadd.f32 v62, v54;
	[tilespmem:v1+s16+$0x140 ss:$0x1] =	vst.idx.msk $0xffff, v22  }
0x6d: {  	v29 =	vld.idx.msk [tilespmem:v1+s16+$0x1C0 ss:$0x1], $0xffff;
	v28 =	vadd.f32 v63, v55;
	[tilespmem:v1+s16+$0x150 ss:$0x1] =	vst.idx.msk $0xffff, v24  }
0x6e: {  	v30 =	vld.idx.msk [tilespmem:v1+s16+$0x1D0 ss:$0x1], $0xffff;
	v2 =	vadd.f32 v21, v2;
	[tilespmem:v1+s16+$0x160 ss:$0x1] =	vst.idx.msk $0xffff, v26  }
0x6f: {  	v31 =	vld.idx.msk [tilespmem:v1+s16+$0x1E0 ss:$0x1], $0xffff;
	v3 =	vadd.f32 v23, v3;
	[tilespmem:v1+s16+$0x170 ss:$0x1] =	vst.idx.msk $0xffff, v28  }
0x70: {  	v32 =	vld.idx.msk [tilespmem:v1+s16+$0x1F0 ss:$0x1], $0xffff;
	v4 =	vadd.f32 v25, v4;
	[tilespmem:v1+s16+$0x180 ss:$0x1] =	vst.idx.msk $0xffff, v2  }
0x71: {  	v2 =	vadd.f32 v27, v51;
	[tilespmem:v1+s16+$0x190 ss:$0x1] =	vst.idx.msk $0xffff, v3  }
0x72: {  	v3 =	vadd.f32 v29, v52;
	[tilespmem:v1+s16+$0x1A0 ss:$0x1] =	vst.idx.msk $0xffff, v4  }
0x73: {  	v42 =	vld.idx.msk [tilespmem:v1+s16+$0x230 ss:$0x1], $0xffff;
	v33 =	vadd.f32 v30, v53;
	[tilespmem:v1+s16+$0x1B0 ss:$0x1] =	vst.idx.msk $0xffff, v2  }
0x74: {  	v43 =	vld.idx.msk [tilespmem:v1+s16+$0x240 ss:$0x1], $0xffff;
	v2 =	vadd.f32 v31, v54;
	[tilespmem:v1+s16+$0x1C0 ss:$0x1] =	vst.idx.msk $0xffff, v3  }
0x75: {  	v45 =	vld.idx.msk [tilespmem:v1+s16+$0x260 ss:$0x1], $0xffff;
	v3 =	vadd.f32 v32, v55;
	[tilespmem:v1+s16+$0x1D0 ss:$0x1] =	vst.idx.msk $0xffff, v33  }
0x76: {  	v44 =	vld.idx.msk [tilespmem:v1+s16+$0x250 ss:$0x1], $0xffff;
	[tilespmem:v1+s16+$0x1E0 ss:$0x1] =	vst.idx.msk $0xffff, v2  }
0x77: {  	v46 =	vld.idx.msk [tilespmem:v1+s16+$0x270 ss:$0x1], $0xffff;
	[tilespmem:v1+s16+$0x1F0 ss:$0x1] =	vst.idx.msk $0xffff, v3  }
0x78: {  	v2 =	vld.idx.msk [tilespmem:v0+s17+$0x800 ss:$0x1], $0xffff  }
0x79: {  	v3 =	vld.idx.msk [tilespmem:v0+s17+$0x810 ss:$0x1], $0xffff  }
0x7a: {  	v4 =	vld.idx.msk [tilespmem:v0+s17+$0x820 ss:$0x1], $0xffff  }
0x7b: {  	v39 =	vld.idx.msk [tilespmem:v1+s16+$0x200 ss:$0x1], $0xffff  }
0x7c: {  	v40 =	vld.idx.msk [tilespmem:v1+s16+$0x210 ss:$0x1], $0xffff  }
0x7d: {  	v41 =	vld.idx.msk [tilespmem:v1+s16+$0x220 ss:$0x1], $0xffff  }
0x7e: {  	v34 =	vld.idx.msk [tilespmem:v0+s17+$0x830 ss:$0x1], $0xffff  }
0x7f: {  	v35 =	vld.idx.msk [tilespmem:v0+s17+$0x840 ss:$0x1], $0xffff  }
0x80: {  	v36 =	vld.idx.msk [tilespmem:v0+s17+$0x850 ss:$0x1], $0xffff;
	v10 =	vadd.f32 v39, v2  }
0x81: {  	v37 =	vld.idx.msk [tilespmem:v0+s17+$0x860 ss:$0x1], $0xffff;
	v11 =	vadd.f32 v40, v3  }
0x82: {  	v38 =	vld.idx.msk [tilespmem:v0+s17+$0x870 ss:$0x1], $0xffff;
	v12 =	vadd.f32 v41, v4;
	[tilespmem:v1+s16+$0x200 ss:$0x1] =	vst.idx.msk $0xffff, v10  }
0x83: {  	v48 =	vld.idx.msk [tilespmem:v1+s16+$0x280 ss:$0x1], $0xffff;
	v47 =	vadd.f32 v42, v34;
	[tilespmem:v1+s16+$0x210 ss:$0x1] =	vst.idx.msk $0xffff, v11  }
0x84: {  	v50 =	vld.idx.msk [tilespmem:v1+s16+$0x290 ss:$0x1], $0xffff;
	v49 =	vadd.f32 v43, v35;
	[tilespmem:v1+s16+$0x220 ss:$0x1] =	vst.idx.msk $0xffff, v12  }
0x85: {  	v52 =	vld.idx.msk [tilespmem:v1+s16+$0x2A0 ss:$0x1], $0xffff;
	v51 =	vadd.f32 v44, v36;
	[tilespmem:v1+s16+$0x230 ss:$0x1] =	vst.idx.msk $0xffff, v47  }
0x86: {  	v54 =	vld.idx.msk [tilespmem:v1+s16+$0x2B0 ss:$0x1], $0xffff;
	v53 =	vadd.f32 v45, v37;
	[tilespmem:v1+s16+$0x240 ss:$0x1] =	vst.idx.msk $0xffff, v49  }
0x87: {  	v56 =	vld.idx.msk [tilespmem:v1+s16+$0x2C0 ss:$0x1], $0xffff;
	v55 =	vadd.f32 v46, v38;
	[tilespmem:v1+s16+$0x250 ss:$0x1] =	vst.idx.msk $0xffff, v51  }
0x88: {  	v57 =	vld.idx.msk [tilespmem:v1+s16+$0x2D0 ss:$0x1], $0xffff;
	v2 =	vadd.f32 v48, v2;
	[tilespmem:v1+s16+$0x260 ss:$0x1] =	vst.idx.msk $0xffff, v53  }
0x89: {  	v58 =	vld.idx.msk [tilespmem:v1+s16+$0x2E0 ss:$0x1], $0xffff;
	v3 =	vadd.f32 v50, v3;
	[tilespmem:v1+s16+$0x270 ss:$0x1] =	vst.idx.msk $0xffff, v55  }
0x8a: {  	v59 =	vld.idx.msk [tilespmem:v1+s16+$0x2F0 ss:$0x1], $0xffff;
	v4 =	vadd.f32 v52, v4;
	[tilespmem:v1+s16+$0x280 ss:$0x1] =	vst.idx.msk $0xffff, v2  }
0x8b: {  	v2 =	vadd.f32 v54, v34;
	[tilespmem:v1+s16+$0x290 ss:$0x1] =	vst.idx.msk $0xffff, v3  }
0x8c: {  	v3 =	vadd.f32 v56, v35;
	[tilespmem:v1+s16+$0x2A0 ss:$0x1] =	vst.idx.msk $0xffff, v4  }
0x8d: {  	v25 =	vld.idx.msk [tilespmem:v1+s16+$0x330 ss:$0x1], $0xffff;
	v60 =	vadd.f32 v57, v36;
	[tilespmem:v1+s16+$0x2B0 ss:$0x1] =	vst.idx.msk $0xffff, v2  }
0x8e: {  	v26 =	vld.idx.msk [tilespmem:v1+s16+$0x340 ss:$0x1], $0xffff;
	v2 =	vadd.f32 v58, v37;
	[tilespmem:v1+s16+$0x2C0 ss:$0x1] =	vst.idx.msk $0xffff, v3  }
0x8f: {  	v28 =	vld.idx.msk [tilespmem:v1+s16+$0x360 ss:$0x1], $0xffff;
	v3 =	vadd.f32 v59, v38;
	[tilespmem:v1+s16+$0x2D0 ss:$0x1] =	vst.idx.msk $0xffff, v60  }
0x90: {  	v27 =	vld.idx.msk [tilespmem:v1+s16+$0x350 ss:$0x1], $0xffff;
	[tilespmem:v1+s16+$0x2E0 ss:$0x1] =	vst.idx.msk $0xffff, v2  }
0x91: {  	v29 =	vld.idx.msk [tilespmem:v1+s16+$0x370 ss:$0x1], $0xffff;
	[tilespmem:v1+s16+$0x2F0 ss:$0x1] =	vst.idx.msk $0xffff, v3  }
0x92: {  	v2 =	vld.idx.msk [tilespmem:v0+s17+$0xC00 ss:$0x1], $0xffff  }
0x93: {  	v3 =	vld.idx.msk [tilespmem:v0+s17+$0xC10 ss:$0x1], $0xffff  }
0x94: {  	v4 =	vld.idx.msk [tilespmem:v0+s17+$0xC20 ss:$0x1], $0xffff  }
0x95: {  	v22 =	vld.idx.msk [tilespmem:v1+s16+$0x300 ss:$0x1], $0xffff  }
0x96: {  	v23 =	vld.idx.msk [tilespmem:v1+s16+$0x310 ss:$0x1], $0xffff  }
0x97: {  	v24 =	vld.idx.msk [tilespmem:v1+s16+$0x320 ss:$0x1], $0xffff  }
0x98: {  	v61 =	vld.idx.msk [tilespmem:v0+s17+$0xC30 ss:$0x1], $0xffff  }
0x99: {  	v62 =	vld.idx.msk [tilespmem:v0+s17+$0xC40 ss:$0x1], $0xffff  }
0x9a: {  	v63 =	vld.idx.msk [tilespmem:v0+s17+$0xC50 ss:$0x1], $0xffff;
	v10 =	vadd.f32 v22, v2  }
0x9b: {  	v20 =	vld.idx.msk [tilespmem:v0+s17+$0xC60 ss:$0x1], $0xffff;
	v11 =	vadd.f32 v23, v3  }
0x9c: {  	v21 =	vld.idx.msk [tilespmem:v0+s17+$0xC70 ss:$0x1], $0xffff;
	v12 =	vadd.f32 v24, v4;
	[tilespmem:v1+s16+$0x300 ss:$0x1] =	vst.idx.msk $0xffff, v10  }
0x9d: {  	v31 =	vld.idx.msk [tilespmem:v1+s16+$0x380 ss:$0x1], $0xffff;
	v30 =	vadd.f32 v25, v61;
	[tilespmem:v1+s16+$0x310 ss:$0x1] =	vst.idx.msk $0xffff, v11  }
0x9e: {  	v33 =	vld.idx.msk [tilespmem:v1+s16+$0x390 ss:$0x1], $0xffff;
	v32 =	vadd.f32 v26, v62;
	[tilespmem:v1+s16+$0x320 ss:$0x1] =	vst.idx.msk $0xffff, v12  }
0x9f: {  	v35 =	vld.idx.msk [tilespmem:v1+s16+$0x3A0 ss:$0x1], $0xffff;
	v34 =	vadd.f32 v27, v63;
	[tilespmem:v1+s16+$0x330 ss:$0x1] =	vst.idx.msk $0xffff, v30  }
0xa0: {  	v37 =	vld.idx.msk [tilespmem:v1+s16+$0x3B0 ss:$0x1], $0xffff;
	v36 =	vadd.f32 v28, v20;
	[tilespmem:v1+s16+$0x340 ss:$0x1] =	vst.idx.msk $0xffff, v32  }
0xa1: {  	v39 =	vld.idx.msk [tilespmem:v1+s16+$0x3C0 ss:$0x1], $0xffff;
	v38 =	vadd.f32 v29, v21;
	[tilespmem:v1+s16+$0x350 ss:$0x1] =	vst.idx.msk $0xffff, v34  }
0xa2: {  	v40 =	vld.idx.msk [tilespmem:v1+s16+$0x3D0 ss:$0x1], $0xffff;
	v2 =	vadd.f32 v31, v2;
	[tilespmem:v1+s16+$0x360 ss:$0x1] =	vst.idx.msk $0xffff, v36  }
0xa3: {  	v41 =	vld.idx.msk [tilespmem:v1+s16+$0x3E0 ss:$0x1], $0xffff;
	v3 =	vadd.f32 v33, v3;
	[tilespmem:v1+s16+$0x370 ss:$0x1] =	vst.idx.msk $0xffff, v38  }
0xa4: {  	v42 =	vld.idx.msk [tilespmem:v1+s16+$0x3F0 ss:$0x1], $0xffff;
	v4 =	vadd.f32 v35, v4;
	[tilespmem:v1+s16+$0x380 ss:$0x1] =	vst.idx.msk $0xffff, v2  }
0xa5: {  	v2 =	vadd.f32 v37, v61;
	[tilespmem:v1+s16+$0x390 ss:$0x1] =	vst.idx.msk $0xffff, v3  }
0xa6: {  	v3 =	vadd.f32 v39, v62;
	[tilespmem:v1+s16+$0x3A0 ss:$0x1] =	vst.idx.msk $0xffff, v4  }
0xa7: {  	v52 =	vld.idx.msk [tilespmem:v1+s16+$0x430 ss:$0x1], $0xffff;
	v43 =	vadd.f32 v40, v63;
	[tilespmem:v1+s16+$0x3B0 ss:$0x1] =	vst.idx.msk $0xffff, v2  }
0xa8: {  	v53 =	vld.idx.msk [tilespmem:v1+s16+$0x440 ss:$0x1], $0xffff;
	v2 =	vadd.f32 v41, v20;
	[tilespmem:v1+s16+$0x3C0 ss:$0x1] =	vst.idx.msk $0xffff, v3  }
0xa9: {  	v55 =	vld.idx.msk [tilespmem:v1+s16+$0x460 ss:$0x1], $0xffff;
	v3 =	vadd.f32 v42, v21;
	[tilespmem:v1+s16+$0x3D0 ss:$0x1] =	vst.idx.msk $0xffff, v43  }
0xaa: {  	v54 =	vld.idx.msk [tilespmem:v1+s16+$0x450 ss:$0x1], $0xffff;
	[tilespmem:v1+s16+$0x3E0 ss:$0x1] =	vst.idx.msk $0xffff, v2  }
0xab: {  	v56 =	vld.idx.msk [tilespmem:v1+s16+$0x470 ss:$0x1], $0xffff;
	[tilespmem:v1+s16+$0x3F0 ss:$0x1] =	vst.idx.msk $0xffff, v3  }
0xac: {  	v2 =	vld.idx.msk [tilespmem:v0+s17+$0x1000 ss:$0x1], $0xffff  }
0xad: {  	v3 =	vld.idx.msk [tilespmem:v0+s17+$0x1010 ss:$0x1], $0xffff  }
0xae: {  	v4 =	vld.idx.msk [tilespmem:v0+s17+$0x1020 ss:$0x1], $0xffff  }
0xaf: {  	v49 =	vld.idx.msk [tilespmem:v1+s16+$0x400 ss:$0x1], $0xffff  }
0xb0: {  	v50 =	vld.idx.msk [tilespmem:v1+s16+$0x410 ss:$0x1], $0xffff  }
0xb1: {  	v51 =	vld.idx.msk [tilespmem:v1+s16+$0x420 ss:$0x1], $0xffff  }
0xb2: {  	v44 =	vld.idx.msk [tilespmem:v0+s17+$0x1030 ss:$0x1], $0xffff  }
0xb3: {  	v45 =	vld.idx.msk [tilespmem:v0+s17+$0x1040 ss:$0x1], $0xffff  }
0xb4: {  	v46 =	vld.idx.msk [tilespmem:v0+s17+$0x1050 ss:$0x1], $0xffff;
	v10 =	vadd.f32 v49, v2  }
0xb5: {  	v47 =	vld.idx.msk [tilespmem:v0+s17+$0x1060 ss:$0x1], $0xffff;
	v11 =	vadd.f32 v50, v3  }
0xb6: {  	v48 =	vld.idx.msk [tilespmem:v0+s17+$0x1070 ss:$0x1], $0xffff;
	v12 =	vadd.f32 v51, v4;
	[tilespmem:v1+s16+$0x400 ss:$0x1] =	vst.idx.msk $0xffff, v10  }
0xb7: {  	v58 =	vld.idx.msk [tilespmem:v1+s16+$0x480 ss:$0x1], $0xffff;
	v57 =	vadd.f32 v52, v44;
	[tilespmem:v1+s16+$0x410 ss:$0x1] =	vst.idx.msk $0xffff, v11  }
0xb8: {  	v60 =	vld.idx.msk [tilespmem:v1+s16+$0x490 ss:$0x1], $0xffff;
	v59 =	vadd.f32 v53, v45;
	[tilespmem:v1+s16+$0x420 ss:$0x1] =	vst.idx.msk $0xffff, v12  }
0xb9: {  	v62 =	vld.idx.msk [tilespmem:v1+s16+$0x4A0 ss:$0x1], $0xffff;
	v61 =	vadd.f32 v54, v46;
	[tilespmem:v1+s16+$0x430 ss:$0x1] =	vst.idx.msk $0xffff, v57  }
0xba: {  	v20 =	vld.idx.msk [tilespmem:v1+s16+$0x4B0 ss:$0x1], $0xffff;
	v63 =	vadd.f32 v55, v47;
	[tilespmem:v1+s16+$0x440 ss:$0x1] =	vst.idx.msk $0xffff, v59  }
0xbb: {  	v22 =	vld.idx.msk [tilespmem:v1+s16+$0x4C0 ss:$0x1], $0xffff;
	v21 =	vadd.f32 v56, v48;
	[tilespmem:v1+s16+$0x450 ss:$0x1] =	vst.idx.msk $0xffff, v61  }
0xbc: {  	v23 =	vld.idx.msk [tilespmem:v1+s16+$0x4D0 ss:$0x1], $0xffff;
	v2 =	vadd.f32 v58, v2;
	[tilespmem:v1+s16+$0x460 ss:$0x1] =	vst.idx.msk $0xffff, v63  }
0xbd: {  	v24 =	vld.idx.msk [tilespmem:v1+s16+$0x4E0 ss:$0x1], $0xffff;
	v3 =	vadd.f32 v60, v3;
	[tilespmem:v1+s16+$0x470 ss:$0x1] =	vst.idx.msk $0xffff, v21  }
0xbe: {  	v25 =	vld.idx.msk [tilespmem:v1+s16+$0x4F0 ss:$0x1], $0xffff;
	v4 =	vadd.f32 v62, v4;
	[tilespmem:v1+s16+$0x480 ss:$0x1] =	vst.idx.msk $0xffff, v2  }
0xbf: {  	v2 =	vadd.f32 v20, v44;
	[tilespmem:v1+s16+$0x490 ss:$0x1] =	vst.idx.msk $0xffff, v3  }
0xc0: {  	v3 =	vadd.f32 v22, v45;
	[tilespmem:v1+s16+$0x4A0 ss:$0x1] =	vst.idx.msk $0xffff, v4  }
0xc1: {  	v35 =	vld.idx.msk [tilespmem:v1+s16+$0x530 ss:$0x1], $0xffff;
	v26 =	vadd.f32 v23, v46;
	[tilespmem:v1+s16+$0x4B0 ss:$0x1] =	vst.idx.msk $0xffff, v2  }
0xc2: {  	v36 =	vld.idx.msk [tilespmem:v1+s16+$0x540 ss:$0x1], $0xffff;
	v2 =	vadd.f32 v24, v47;
	[tilespmem:v1+s16+$0x4C0 ss:$0x1] =	vst.idx.msk $0xffff, v3  }
0xc3: {  	v38 =	vld.idx.msk [tilespmem:v1+s16+$0x560 ss:$0x1], $0xffff;
	v3 =	vadd.f32 v25, v48;
	[tilespmem:v1+s16+$0x4D0 ss:$0x1] =	vst.idx.msk $0xffff, v26  }
0xc4: {  	v37 =	vld.idx.msk [tilespmem:v1+s16+$0x550 ss:$0x1], $0xffff;
	[tilespmem:v1+s16+$0x4E0 ss:$0x1] =	vst.idx.msk $0xffff, v2  }
0xc5: {  	v39 =	vld.idx.msk [tilespmem:v1+s16+$0x570 ss:$0x1], $0xffff;
	[tilespmem:v1+s16+$0x4F0 ss:$0x1] =	vst.idx.msk $0xffff, v3  }
0xc6: {  	v2 =	vld.idx.msk [tilespmem:v0+s17+$0x1400 ss:$0x1], $0xffff  }
0xc7: {  	v3 =	vld.idx.msk [tilespmem:v0+s17+$0x1410 ss:$0x1], $0xffff  }
0xc8: {  	v4 =	vld.idx.msk [tilespmem:v0+s17+$0x1420 ss:$0x1], $0xffff  }
0xc9: {  	v32 =	vld.idx.msk [tilespmem:v1+s16+$0x500 ss:$0x1], $0xffff  }
0xca: {  	v33 =	vld.idx.msk [tilespmem:v1+s16+$0x510 ss:$0x1], $0xffff  }
0xcb: {  	v34 =	vld.idx.msk [tilespmem:v1+s16+$0x520 ss:$0x1], $0xffff  }
0xcc: {  	v27 =	vld.idx.msk [tilespmem:v0+s17+$0x1430 ss:$0x1], $0xffff  }
0xcd: {  	v28 =	vld.idx.msk [tilespmem:v0+s17+$0x1440 ss:$0x1], $0xffff  }
0xce: {  	v29 =	vld.idx.msk [tilespmem:v0+s17+$0x1450 ss:$0x1], $0xffff;
	v10 =	vadd.f32 v32, v2  }
0xcf: {  	v30 =	vld.idx.msk [tilespmem:v0+s17+$0x1460 ss:$0x1], $0xffff;
	v11 =	vadd.f32 v33, v3  }
0xd0: {  	v31 =	vld.idx.msk [tilespmem:v0+s17+$0x1470 ss:$0x1], $0xffff;
	v12 =	vadd.f32 v34, v4;
	[tilespmem:v1+s16+$0x500 ss:$0x1] =	vst.idx.msk $0xffff, v10  }
0xd1: {  	v41 =	vld.idx.msk [tilespmem:v1+s16+$0x580 ss:$0x1], $0xffff;
	v40 =	vadd.f32 v35, v27;
	[tilespmem:v1+s16+$0x510 ss:$0x1] =	vst.idx.msk $0xffff, v11  }
0xd2: {  	v43 =	vld.idx.msk [tilespmem:v1+s16+$0x590 ss:$0x1], $0xffff;
	v42 =	vadd.f32 v36, v28;
	[tilespmem:v1+s16+$0x520 ss:$0x1] =	vst.idx.msk $0xffff, v12  }
0xd3: {  	v45 =	vld.idx.msk [tilespmem:v1+s16+$0x5A0 ss:$0x1], $0xffff;
	v44 =	vadd.f32 v37, v29;
	[tilespmem:v1+s16+$0x530 ss:$0x1] =	vst.idx.msk $0xffff, v40  }
0xd4: {  	v47 =	vld.idx.msk [tilespmem:v1+s16+$0x5B0 ss:$0x1], $0xffff;
	v46 =	vadd.f32 v38, v30;
	[tilespmem:v1+s16+$0x540 ss:$0x1] =	vst.idx.msk $0xffff, v42  }
0xd5: {  	v49 =	vld.idx.msk [tilespmem:v1+s16+$0x5C0 ss:$0x1], $0xffff;
	v48 =	vadd.f32 v39, v31;
	[tilespmem:v1+s16+$0x550 ss:$0x1] =	vst.idx.msk $0xffff, v44  }
0xd6: {  	v50 =	vld.idx.msk [tilespmem:v1+s16+$0x5D0 ss:$0x1], $0xffff;
	v2 =	vadd.f32 v41, v2;
	[tilespmem:v1+s16+$0x560 ss:$0x1] =	vst.idx.msk $0xffff, v46  }
0xd7: {  	v51 =	vld.idx.msk [tilespmem:v1+s16+$0x5E0 ss:$0x1], $0xffff;
	v3 =	vadd.f32 v43, v3;
	[tilespmem:v1+s16+$0x570 ss:$0x1] =	vst.idx.msk $0xffff, v48  }
0xd8: {  	v52 =	vld.idx.msk [tilespmem:v1+s16+$0x5F0 ss:$0x1], $0xffff;
	v4 =	vadd.f32 v45, v4;
	[tilespmem:v1+s16+$0x580 ss:$0x1] =	vst.idx.msk $0xffff, v2  }
0xd9: {  	v2 =	vadd.f32 v47, v27;
	[tilespmem:v1+s16+$0x590 ss:$0x1] =	vst.idx.msk $0xffff, v3  }
0xda: {  	v3 =	vadd.f32 v49, v28;
	[tilespmem:v1+s16+$0x5A0 ss:$0x1] =	vst.idx.msk $0xffff, v4  }
0xdb: {  	v62 =	vld.idx.msk [tilespmem:v1+s16+$0x630 ss:$0x1], $0xffff;
	v53 =	vadd.f32 v50, v29;
	[tilespmem:v1+s16+$0x5B0 ss:$0x1] =	vst.idx.msk $0xffff, v2  }
0xdc: {  	v63 =	vld.idx.msk [tilespmem:v1+s16+$0x640 ss:$0x1], $0xffff;
	v2 =	vadd.f32 v51, v30;
	[tilespmem:v1+s16+$0x5C0 ss:$0x1] =	vst.idx.msk $0xffff, v3  }
0xdd: {  	v21 =	vld.idx.msk [tilespmem:v1+s16+$0x660 ss:$0x1], $0xffff;
	v3 =	vadd.f32 v52, v31;
	[tilespmem:v1+s16+$0x5D0 ss:$0x1] =	vst.idx.msk $0xffff, v53  }
0xde: {  	v20 =	vld.idx.msk [tilespmem:v1+s16+$0x650 ss:$0x1], $0xffff;
	[tilespmem:v1+s16+$0x5E0 ss:$0x1] =	vst.idx.msk $0xffff, v2  }
0xdf: {  	v22 =	vld.idx.msk [tilespmem:v1+s16+$0x670 ss:$0x1], $0xffff;
	[tilespmem:v1+s16+$0x5F0 ss:$0x1] =	vst.idx.msk $0xffff, v3  }
0xe0: {  	v2 =	vld.idx.msk [tilespmem:v0+s17+$0x1800 ss:$0x1], $0xffff  }
0xe1: {  	v3 =	vld.idx.msk [tilespmem:v0+s17+$0x1810 ss:$0x1], $0xffff  }
0xe2: {  	v4 =	vld.idx.msk [tilespmem:v0+s17+$0x1820 ss:$0x1], $0xffff  }
0xe3: {  	v59 =	vld.idx.msk [tilespmem:v1+s16+$0x600 ss:$0x1], $0xffff  }
0xe4: {  	v60 =	vld.idx.msk [tilespmem:v1+s16+$0x610 ss:$0x1], $0xffff  }
0xe5: {  	v61 =	vld.idx.msk [tilespmem:v1+s16+$0x620 ss:$0x1], $0xffff  }
0xe6: {  	v54 =	vld.idx.msk [tilespmem:v0+s17+$0x1830 ss:$0x1], $0xffff  }
0xe7: {  	v55 =	vld.idx.msk [tilespmem:v0+s17+$0x1840 ss:$0x1], $0xffff  }
0xe8: {  	v56 =	vld.idx.msk [tilespmem:v0+s17+$0x1850 ss:$0x1], $0xffff;
	v10 =	vadd.f32 v59, v2  }
0xe9: {  	v57 =	vld.idx.msk [tilespmem:v0+s17+$0x1860 ss:$0x1], $0xffff;
	v11 =	vadd.f32 v60, v3  }
0xea: {  	v58 =	vld.idx.msk [tilespmem:v0+s17+$0x1870 ss:$0x1], $0xffff;
	v12 =	vadd.f32 v61, v4;
	[tilespmem:v1+s16+$0x600 ss:$0x1] =	vst.idx.msk $0xffff, v10  }
0xeb: {  	v24 =	vld.idx.msk [tilespmem:v1+s16+$0x680 ss:$0x1], $0xffff;
	v23 =	vadd.f32 v62, v54;
	[tilespmem:v1+s16+$0x610 ss:$0x1] =	vst.idx.msk $0xffff, v11  }
0xec: {  	v26 =	vld.idx.msk [tilespmem:v1+s16+$0x690 ss:$0x1], $0xffff;
	v25 =	vadd.f32 v63, v55;
	[tilespmem:v1+s16+$0x620 ss:$0x1] =	vst.idx.msk $0xffff, v12  }
0xed: {  	v28 =	vld.idx.msk [tilespmem:v1+s16+$0x6A0 ss:$0x1], $0xffff;
	v27 =	vadd.f32 v20, v56;
	[tilespmem:v1+s16+$0x630 ss:$0x1] =	vst.idx.msk $0xffff, v23  }
0xee: {  	v30 =	vld.idx.msk [tilespmem:v1+s16+$0x6B0 ss:$0x1], $0xffff;
	v29 =	vadd.f32 v21, v57;
	[tilespmem:v1+s16+$0x640 ss:$0x1] =	vst.idx.msk $0xffff, v25  }
0xef: {  	v32 =	vld.idx.msk [tilespmem:v1+s16+$0x6C0 ss:$0x1], $0xffff;
	v31 =	vadd.f32 v22, v58;
	[tilespmem:v1+s16+$0x650 ss:$0x1] =	vst.idx.msk $0xffff, v27  }
0xf0: {  	v33 =	vld.idx.msk [tilespmem:v1+s16+$0x6D0 ss:$0x1], $0xffff;
	v2 =	vadd.f32 v24, v2;
	[tilespmem:v1+s16+$0x660 ss:$0x1] =	vst.idx.msk $0xffff, v29  }
0xf1: {  	v34 =	vld.idx.msk [tilespmem:v1+s16+$0x6E0 ss:$0x1], $0xffff;
	v3 =	vadd.f32 v26, v3;
	[tilespmem:v1+s16+$0x670 ss:$0x1] =	vst.idx.msk $0xffff, v31  }
0xf2: {  	v35 =	vld.idx.msk [tilespmem:v1+s16+$0x6F0 ss:$0x1], $0xffff;
	v4 =	vadd.f32 v28, v4;
	[tilespmem:v1+s16+$0x680 ss:$0x1] =	vst.idx.msk $0xffff, v2  }
0xf3: {  	v2 =	vadd.f32 v30, v54;
	[tilespmem:v1+s16+$0x690 ss:$0x1] =	vst.idx.msk $0xffff, v3  }
0xf4: {  	v3 =	vadd.f32 v32, v55;
	[tilespmem:v1+s16+$0x6A0 ss:$0x1] =	vst.idx.msk $0xffff, v4  }
0xf5: {  	v45 =	vld.idx.msk [tilespmem:v1+s16+$0x730 ss:$0x1], $0xffff;
	v36 =	vadd.f32 v33, v56;
	[tilespmem:v1+s16+$0x6B0 ss:$0x1] =	vst.idx.msk $0xffff, v2  }
0xf6: {  	v46 =	vld.idx.msk [tilespmem:v1+s16+$0x740 ss:$0x1], $0xffff;
	v2 =	vadd.f32 v34, v57;
	[tilespmem:v1+s16+$0x6C0 ss:$0x1] =	vst.idx.msk $0xffff, v3  }
0xf7: {  	v48 =	vld.idx.msk [tilespmem:v1+s16+$0x760 ss:$0x1], $0xffff;
	v3 =	vadd.f32 v35, v58;
	[tilespmem:v1+s16+$0x6D0 ss:$0x1] =	vst.idx.msk $0xffff, v36  }
0xf8: {  	v47 =	vld.idx.msk [tilespmem:v1+s16+$0x750 ss:$0x1], $0xffff;
	[tilespmem:v1+s16+$0x6E0 ss:$0x1] =	vst.idx.msk $0xffff, v2  }
0xf9: {  	v49 =	vld.idx.msk [tilespmem:v1+s16+$0x770 ss:$0x1], $0xffff;
	[tilespmem:v1+s16+$0x6F0 ss:$0x1] =	vst.idx.msk $0xffff, v3  }
0xfa: {  	v2 =	vld.idx.msk [tilespmem:v0+s17+$0x1C00 ss:$0x1], $0xffff  }
0xfb: {  	v3 =	vld.idx.msk [tilespmem:v0+s17+$0x1C10 ss:$0x1], $0xffff  }
0xfc: {  	v4 =	vld.idx.msk [tilespmem:v0+s17+$0x1C20 ss:$0x1], $0xffff  }
0xfd: {  	v42 =	vld.idx.msk [tilespmem:v1+s16+$0x700 ss:$0x1], $0xffff  }
0xfe: {  	v43 =	vld.idx.msk [tilespmem:v1+s16+$0x710 ss:$0x1], $0xffff  }
0xff: {  	v44 =	vld.idx.msk [tilespmem:v1+s16+$0x720 ss:$0x1], $0xffff  }
0x100: {  	v37 =	vld.idx.msk [tilespmem:v0+s17+$0x1C30 ss:$0x1], $0xffff  }
0x101: {  	v38 =	vld.idx.msk [tilespmem:v0+s17+$0x1C40 ss:$0x1], $0xffff  }
0x102: {  	v39 =	vld.idx.msk [tilespmem:v0+s17+$0x1C50 ss:$0x1], $0xffff;
	v10 =	vadd.f32 v42, v2  }
0x103: {  	v40 =	vld.idx.msk [tilespmem:v0+s17+$0x1C60 ss:$0x1], $0xffff;
	v11 =	vadd.f32 v43, v3  }
0x104: {  	v41 =	vld.idx.msk [tilespmem:v0+s17+$0x1C70 ss:$0x1], $0xffff;
	v12 =	vadd.f32 v44, v4;
	[tilespmem:v1+s16+$0x700 ss:$0x1] =	vst.idx.msk $0xffff, v10  }
0x105: {  	v51 =	vld.idx.msk [tilespmem:v1+s16+$0x780 ss:$0x1], $0xffff;
	v50 =	vadd.f32 v45, v37;
	[tilespmem:v1+s16+$0x710 ss:$0x1] =	vst.idx.msk $0xffff, v11  }
0x106: {  	v53 =	vld.idx.msk [tilespmem:v1+s16+$0x790 ss:$0x1], $0xffff;
	v52 =	vadd.f32 v46, v38;
	[tilespmem:v1+s16+$0x720 ss:$0x1] =	vst.idx.msk $0xffff, v12  }
0x107: {  	v55 =	vld.idx.msk [tilespmem:v1+s16+$0x7A0 ss:$0x1], $0xffff;
	v54 =	vadd.f32 v47, v39;
	[tilespmem:v1+s16+$0x730 ss:$0x1] =	vst.idx.msk $0xffff, v50  }
0x108: {  	v57 =	vld.idx.msk [tilespmem:v1+s16+$0x7B0 ss:$0x1], $0xffff;
	v56 =	vadd.f32 v48, v40;
	[tilespmem:v1+s16+$0x740 ss:$0x1] =	vst.idx.msk $0xffff, v52  }
0x109: {  	v59 =	vld.idx.msk [tilespmem:v1+s16+$0x7C0 ss:$0x1], $0xffff;
	v58 =	vadd.f32 v49, v41;
	[tilespmem:v1+s16+$0x750 ss:$0x1] =	vst.idx.msk $0xffff, v54  }
0x10a: {  	v60 =	vld.idx.msk [tilespmem:v1+s16+$0x7D0 ss:$0x1], $0xffff;
	v2 =	vadd.f32 v51, v2;
	[tilespmem:v1+s16+$0x760 ss:$0x1] =	vst.idx.msk $0xffff, v56  }
0x10b: {  	v61 =	vld.idx.msk [tilespmem:v1+s16+$0x7E0 ss:$0x1], $0xffff;
	v3 =	vadd.f32 v53, v3;
	[tilespmem:v1+s16+$0x770 ss:$0x1] =	vst.idx.msk $0xffff, v58  }
0x10c: {  	v62 =	vld.idx.msk [tilespmem:v1+s16+$0x7F0 ss:$0x1], $0xffff;
	v4 =	vadd.f32 v55, v4;
	[tilespmem:v1+s16+$0x780 ss:$0x1] =	vst.idx.msk $0xffff, v2  }
0x10d: {  	v2 =	vadd.f32 v57, v37;
	[tilespmem:v1+s16+$0x790 ss:$0x1] =	vst.idx.msk $0xffff, v3  }
0x10e: {  	p0 =	sne.s32 s3, $0x7;
	v3 =	vadd.f32 v59, v38;
	[tilespmem:v1+s16+$0x7A0 ss:$0x1] =	vst.idx.msk $0xffff, v4  }
.Ltmp0:
0x10f: {  	v63 =	vadd.f32 v60, v39;
	[tilespmem:v1+s16+$0x7B0 ss:$0x1] =	vst.idx.msk $0xffff, v2;
	(pc) =	sbr.rel @p0 .LBB2_3-.Ltmp0, $4  }
0x110: {  	v2 =	vadd.f32 v61, v40;
	[tilespmem:v1+s16+$0x7C0 ss:$0x1] =	vst.idx.msk $0xffff, v3  }
0x111: {  	v3 =	vadd.f32 v62, v41;
	[tilespmem:v1+s16+$0x7D0 ss:$0x1] =	vst.idx.msk $0xffff, v63  }
0x112: {  	[tilespmem:v1+s16+$0x7E0 ss:$0x1] =	vst.idx.msk $0xffff, v2  }
0x113: {  	s3 =	sadd.s32 $0x1, s3;
	[tilespmem:v1+s16+$0x7F0 ss:$0x1] =	vst.idx.msk $0xffff, v3  }
0x114: {  	s3 =	sshll.u32 s30, $0xB;
	s30 =	sadd.s32 $0x1, s30  }
0x115: {  	p0 =	sne.s32 s30, $0x10  }
.Ltmp1:
0x116: {  	_ = 	snop;
	(pc) =	sbr.rel @p0 .LBB2_2-.Ltmp1, $3  }
0x117: {  	_ =	sdelay $0x1  }
0x118: {  	s16 =	sadd.s32 $0xB, s31;
	s3 =	sadd.s32 s3, s14  }
0x119: {  	[hbm4b:s3+s4] =	stream.linear.scatter [tilespmem:s0], [sflag:s16], $0x4000, $0x38;
	[tilespmem:$0x1E000] =	vst v63  }
0x11a: {  	_ =	swait.ge [sflag:s23], $0x4000  }
0x11b: {  	[sflag:s23] =	ssyncset.done $0x0  }
0x11c: {  	[sflag:s23] =	ssyncadd.s32 $0xFFFFC000  }
0x11d: {  	_ =	swait.ge [sflag:s24], $0x4000  }
0x11e: {  	[sflag:s24] =	ssyncset.done $0x0  }
0x11f: {  	[sflag:s24] =	ssyncadd.s32 $0xFFFFC000  }
0x120: {  	_ =	swait.ge [sflag:s25], $0x4000  }
0x121: {  	[sflag:s25] =	ssyncset.done $0x0  }
0x122: {  	s29 =	sadd.s32 $0x1, s29;
	[sflag:s25] =	ssyncadd.s32 $0xFFFFC000  }
0x123: {  	p0 =	sne.s32 s29, s15;
	_ =	swait.ge [sflag:s26], $0x4000  }
.Ltmp2:
0x124: {  	[sflag:s26] =	ssyncset.done $0x0;
	(pc) =	sbr.rel @p0 .LBB2_1-.Ltmp2, $4  }
0x125: {  	[sflag:s26] =	ssyncadd.s32 $0xFFFFC000  }
0x126: {  	_ =	swait.ge [sflag:s28], $0x4000  }
0x127: {  	[sflag:s28] =	ssyncset.done $0x0  }
0x128: {  	[sflag:s28] =	ssyncadd.s32 $0xFFFFC000  }
0x129: {  	_ =	sfence.sel $0x180000  }
0x12a: {  	[bflag:$0x0] =	sbarrier.arrive $0xFFFF  }
0x12b: {  	_ =	strace $0x90000047  }
0x12c: {  	s0 =	stileid.u32;
	[bflag:$0x2] =	sbarrier.arrive $0xFFFF  }
0x12d: {  	p0 =	sne.s32 s0, $0x0;
	s0 =	rddreg [dreg:$0x3]  }
0x12e: {  	s0 =	sadd.s32 @!p0 $0x100000, s0  }
0x12f: {  	[sflag:s0] =	ssyncadd.tile.s32 @!p0 $0x1;
	_ =	shalt  }
.Lfunc_end2:
_tile_overlayer_lowered:
.L_overlay_start_2:
0x130: {  	(tag) =	ssettag $0x2  }
0x131: {  	s0 =	rddreg [dreg:$0x0];
	s2 =	stileid.u32  }
0x132: {  	s1 =	rddreg [dreg:$0x1];
	p0 =	sne.s32 s2, $0x0  }
0x133: {  	s3 =	rddreg [dreg:$0x2];
	[bflag:$0x3] =	sbarrier.arrive $0xFFFF;
	s2 =	simm.s32 @!p0 $0x1C10  }
0x134: {  	[timem:s3], [sflag:s2] =	dma.local @!p0 [hbm:s0], s1  }
0x135: {  	s0 =	simm.s32 @!p0 $0x10  }
0x136: {  	_ =	swait.ge @!p0 [sflag:s0], s1  }
0x137: {  	s1 =	ssub.s32 @!p0 $0x0, s1;
	[sflag:s0] =	ssyncset.done @!p0 $0x0  }
0x138: {  	[sflag:s0] =	ssyncadd.s32 @!p0 s1  }
0x139: {  	[bflag:$0x3] =	sbarrier.arrive $0xFFFF  }
0x13a: {  	_ =	shalt  }

</sc_bundles>
